<compile_context>
chip_gen: v7x
topology: tpu7x:2x2x1
jax: 0.10.2.dev20260603
libtpu: 0.0.44.dev20260713+nightly
codegen_flags: <defaults>
</compile_context>

<pallas_src>
import functools

import jax
import jax.numpy as jnp
import numpy as np
from jax import lax
from jax.experimental import pallas as pl
from jax.experimental.pallas import tpu as pltpu
from jax.experimental.pallas import tpu_sc as plsc

B, L, D = 16, 2048, 512
T = 512
K = L // T
R = B * T
NC, NS = 2, 16
NW = NC * NS
CH = 16
LANES = 16
NGRP = D // LANES

B_SC = 4
B_TC = B - B_SC
R_TC = B_TC * T
SC_CORES = NC
SC_W = SC_CORES * NS


def _sc_body(nchunk, x_hbm, out_hbm, in0, in1, ou0, ou1, si0, si1, so0, so1):
    c = lax.axis_index("c")
    s = lax.axis_index("s")
    wid = s * SC_CORES + c
    cpb = T // CH

    ins = (in0, in1)
    outs = (ou0, ou1)
    sis = (si0, si1)
    sos = (so0, so1)

    def in_slab(chunk):
        cid = wid + chunk * SC_W
        bat = B_TC + cid // cpb
        l0 = (cid % cpb) * (CH * K)
        return x_hbm.at[bat, pl.ds(l0, CH * K)]

    def out_slab(chunk):
        cid = wid + chunk * SC_W
        return out_hbm.at[pl.ds(cid * CH, CH)]

    pltpu.async_copy(in_slab(0), in0, si0)
    pltpu.async_copy(in_slab(1), in1, si1)

    def step(j, carry):
        for b in range(2):
            chunk = j * 2 + b
            in_v, out_v, si, so = ins[b], outs[b], sis[b], sos[b]
            pltpu.make_async_copy(in_slab(chunk), in_v, si).wait()
            @pl.when(chunk >= 2)
            def _():
                pltpu.make_async_copy(out_v, out_slab(chunk), so).wait()

            def grp(g, carry2):
                for u in range(2):
                    off = g * (2 * LANES) + u * LANES
                    for r in range(CH):
                        acc = (in_v[r * K + 0, pl.ds(off, LANES)]
                               + in_v[r * K + 1, pl.ds(off, LANES)]
                               + in_v[r * K + 2, pl.ds(off, LANES)]
                               + in_v[r * K + 3, pl.ds(off, LANES)])
                        out_v[r, pl.ds(off, LANES)] = acc * 0.25
                return carry2

            lax.fori_loop(0, NGRP // 2, grp, 0)
            pltpu.async_copy(out_v, out_slab(chunk), so)
            @pl.when(chunk + 2 < nchunk)
            def _():
                pltpu.async_copy(in_slab(chunk + 2), in_v, si)
        return carry

    lax.fori_loop(0, nchunk // 2, step, 0)
    pltpu.make_async_copy(ou0, out_slab(nchunk - 2), so0).wait()
    pltpu.make_async_copy(ou1, out_slab(nchunk - 1), so1).wait()


def _sc_pool(x):
    r_sc = B_SC * T
    nchunk = r_sc // (SC_W * CH)
    mesh = plsc.VectorSubcoreMesh(core_axis_name="c", subcore_axis_name="s",
                                  num_cores=SC_CORES)
    out = pl.kernel(
        functools.partial(_sc_body, nchunk),
        out_type=jax.ShapeDtypeStruct((r_sc, D), jnp.float32),
        mesh=mesh,
        cost_estimate=pl.CostEstimate(
            flops=B_SC * T * D * K,
            bytes_accessed=B_SC * (L + T) * D * 4,
            transcendentals=0,
        ),
        scratch_types=[
            pltpu.VMEM((CH * K, D), jnp.float32),
            pltpu.VMEM((CH * K, D), jnp.float32),
            pltpu.VMEM((CH, D), jnp.float32),
            pltpu.VMEM((CH, D), jnp.float32),
            pltpu.SemaphoreType.DMA,
            pltpu.SemaphoreType.DMA,
            pltpu.SemaphoreType.DMA,
            pltpu.SemaphoreType.DMA,
        ],
    )(x)
    return out.reshape(B_SC, T, D)


def _pool_matrix(tb, lb):
    t = np.arange(tb)
    l = np.arange(lb)
    w = (l[None, :] // K == t[:, None]).astype(np.float32) * 0.25
    return jnp.asarray(w, dtype=jnp.bfloat16)


def _tc_kernel(w_ref, x_ref, o_ref):
    xb = x_ref[0].astype(jnp.bfloat16)
    o_ref[...] = jax.lax.dot_general(
        w_ref[...], xb, (((1,), (0,)), ((), ())),
        preferred_element_type=jnp.float32)[None]


LB = 2048


def _tc_pool(x):
    grid = (B_TC, L // LB)
    w = _pool_matrix(LB // K, LB)
    return pl.pallas_call(
        _tc_kernel,
        grid=grid,
        in_specs=[
            pl.BlockSpec((LB // K, LB), lambda i, j: (0, 0)),
            pl.BlockSpec((1, LB, D), lambda i, j: (i, j, 0)),
        ],
        out_specs=pl.BlockSpec((1, LB // K, D), lambda i, j: (i, j, 0)),
        out_shape=jax.ShapeDtypeStruct((B, T, D), jnp.float32),
        cost_estimate=pl.CostEstimate(
            flops=2 * B_TC * T * L * D,
            bytes_accessed=B_TC * (L + T) * D * 4,
            transcendentals=0,
        ),
    )(w, x)


@jax.jit
def _pool(x):
    tc_out = _tc_pool(x)
    sc_out = _sc_pool(x)
    return lax.dynamic_update_slice(tc_out, sc_out, (B_TC, 0, 0))


def kernel(x, finallength, padding_mask):
    padded_out = _pool(x)
    out_mask = jnp.zeros((B, T), dtype=bool)
    return (padded_out, out_mask)

# --- scband reference (transcript-rebuilt; emitter-appended) ---
"""Pipeline reference for scband-reduction-and-expansion-area-resamp-57861799411998 (READ-ONLY COPY).

The authoritative reference and input builder live on the scoring server;
editing this copy changes nothing except your own understanding.
"""

import jax, jax.numpy as jnp
import numpy as np


def _adaptive_pool_matrix(L, T, dtype):
    # F.interpolate(mode='area') on the time axis == adaptive_avg_pool:
    # output bin j averages input cells [floor(j*L/T), ceil((j+1)*L/T))
    j = np.arange(T)
    start = (j * L) // T
    end = -(-((j + 1) * L) // T)  # ceil division
    i = np.arange(L)
    mask = (i[None, :] >= start[:, None]) & (i[None, :] < end[:, None])
    W = mask.astype(np.float32)
    W = W / W.sum(axis=1, keepdims=True)
    return jnp.asarray(W, dtype=dtype)


def setup_inputs(seed: int = 0):
    key = jax.random.key(seed)
    B, L, D = 16, 2048, 512
    x = jax.random.normal(jax.random.fold_in(key, 0), (B, L, D), dtype=jnp.float32)
    padding_mask = jnp.zeros((B, L), dtype=bool)  # no padding -> all lengths equal L
    return {"x": x, "finallength": 512, "padding_mask": padding_mask}


def reference(x, finallength, padding_mask):
    # Faithful translation for the uniform-length case (padding_mask all False,
    # finallength a scalar int): every batch element b takes the full sequence
    # seq = x[b] of length L and area-resamples it to T = finallength steps.
    # No noise branches are active (add_global_noise=add_local_noise=False, abs_noise=0).
    B, L, D = x.shape
    T = 512
    W = _adaptive_pool_matrix(L, T, x.dtype)  # [T, L]
    padded_out = jnp.einsum('tl,bld->btd', W, x)  # [B, T, D]
    padded_out = padded_out + (jnp.asarray(finallength) - T).astype(x.dtype) * jnp.zeros((), x.dtype)
    # all T output positions are valid for every batch element
    out_mask = jnp.zeros((B, T), dtype=bool)
    return (padded_out, out_mask)

if __name__ == "__main__":
    import jax
    _d = setup_inputs()
    print(jax.jit(kernel)(*tuple(_d.values())))

</pallas_src>

<mosaic_0001>
#map = affine_map<(d0, d1) -> (0, 0, 0)>
#map1 = affine_map<(d0, d1) -> (0, 0)>
module attributes {stable_mosaic.version = 14 : i64} {
  func.func @_sc_body(%arg0: i32, %arg1: i32, %arg2: memref<16x2048x512xf32, #tpu.memory_space<hbm>>, %arg3: memref<2048x512xf32, #tpu.memory_space<hbm>>, %arg4: memref<64x512xf32, #tpu.memory_space<vmem>>, %arg5: memref<64x512xf32, #tpu.memory_space<vmem>>, %arg6: memref<16x512xf32, #tpu.memory_space<vmem>>, %arg7: memref<16x512xf32, #tpu.memory_space<vmem>>, %arg8: memref<!tpu.dma_semaphore, #tpu.memory_space<semaphore_mem>>, %arg9: memref<!tpu.dma_semaphore, #tpu.memory_space<semaphore_mem>>, %arg10: memref<!tpu.dma_semaphore, #tpu.memory_space<semaphore_mem>>, %arg11: memref<!tpu.dma_semaphore, #tpu.memory_space<semaphore_mem>>) attributes {dimension_semantics = [#tpu.dimension_semantics<core_parallel>, #tpu.dimension_semantics<subcore_parallel>], iteration_bounds = array<i64: 2, 16>, scalar_prefetch = 0 : i64, scratch_operands = 8 : i64, tpu.core_type = #tpu.core_type<sc_vector_subcore>, window_params = [{transform_indices = #map}, {transform_indices = #map1}]} {
    %mul3A = arith.constant 2 : i32
    %mul3A_0 = arith.muli %arg1, %mul3A : i32
    %add3A = arith.addi %mul3A_0, %arg0 : i32
    %add3A_1 = arith.constant 0 : i32
    %add3A_2 = arith.addi %add3A, %add3A_1 : i32
    %jit3A = arith.constant 32 : i32
    %div3A = arith.divsi %add3A_2, %jit3A : i32
    %sign3A = arith.constant 0 : i32
    %sign3A_3 = arith.cmpi sgt, %add3A_2, %sign3A : i32
    %sign3A_4 = arith.extui %sign3A_3 : i1 to i32
    %sign3A_5 = arith.constant 0 : i32
    %sign3A_6 = arith.cmpi slt, %add3A_2, %sign3A_5 : i32
    %sign3A_7 = arith.extui %sign3A_6 : i1 to i32
    %sign3A_8 = arith.subi %sign3A_4, %sign3A_7 : i32
    %sign3A_9 = arith.constant 0 : i32
    %sign3A_10 = arith.cmpi sgt, %jit3A, %sign3A_9 : i32
    %sign3A_11 = arith.extui %sign3A_10 : i1 to i32
    %sign3A_12 = arith.constant 0 : i32
    %sign3A_13 = arith.cmpi slt, %jit3A, %sign3A_12 : i32
    %sign3A_14 = arith.extui %sign3A_13 : i1 to i32
    %sign3A_15 = arith.subi %sign3A_11, %sign3A_14 : i32
    %ne3A = arith.cmpi ne, %sign3A_8, %sign3A_15 : i32
    %rem3A = arith.remsi %add3A_2, %jit3A : i32
    %ne3A_16 = arith.constant 0 : i32
    %ne3A_17 = arith.cmpi ne, %rem3A, %ne3A_16 : i32
    %and3A = arith.andi %ne3A, %ne3A_17 : i1
    %sub3A = arith.constant 1 : i32
    %sub3A_18 = arith.subi %div3A, %sub3A : i32
    %select_n3A = arith.select %and3A, %sub3A_18, %div3A : i32
    %add3A_19 = arith.constant 12 : i32
    %add3A_20 = arith.addi %add3A_19, %select_n3A : i32
    %jit3A_21 = arith.constant 32 : i32
    %eq3A = arith.constant 0 : i32
    %eq3A_22 = arith.cmpi eq, %jit3A_21, %eq3A : i32
    %jit3A_23 = arith.constant 1 : i32
    %select_n3A_24 = arith.select %eq3A_22, %jit3A_23, %jit3A_21 : i32
    %rem3A_25 = arith.remsi %add3A_2, %select_n3A_24 : i32
    %ne3A_26 = arith.constant 0 : i32
    %ne3A_27 = arith.cmpi ne, %rem3A_25, %ne3A_26 : i32
    %lt3A = arith.constant 0 : i32
    %lt3A_28 = arith.cmpi slt, %rem3A_25, %lt3A : i32
    %lt3A_29 = arith.constant 0 : i32
    %lt3A_30 = arith.cmpi slt, %select_n3A_24, %lt3A_29 : i32
    %ne3A_31 = arith.xori %lt3A_28, %lt3A_30 : i1
    %and3A_32 = arith.andi %ne3A_31, %ne3A_27 : i1
    %add3A_33 = arith.addi %rem3A_25, %select_n3A_24 : i32
    %select_n3A_34 = arith.select %and3A_32, %add3A_33, %rem3A_25 : i32
    %mul3A_35 = arith.constant 64 : i32
    %mul3A_36 = arith.muli %select_n3A_34, %mul3A_35 : i32
    %dma_start3A = arith.constant 0 : i32
    %dma_start3A_37 = tpu.memref_slice %arg2[%add3A_20, %mul3A_36, %dma_start3A] : memref<16x2048x512xf32, #tpu.memory_space<hbm>> -> memref<1x64x512xf32, #tpu.memory_space<hbm>>
    %dma_start3A_38 = tpu.memref_squeeze %dma_start3A_37 : memref<1x64x512xf32, #tpu.memory_space<hbm>> -> memref<64x512xf32, #tpu.memory_space<hbm>>
    %dma_start3A_39 = arith.constant 0 : i32
    %dma_start3A_40 = tpu.memref_slice %arg2[%add3A_20, %mul3A_36, %dma_start3A_39] : memref<16x2048x512xf32, #tpu.memory_space<hbm>> -> memref<1x64x512xf32, #tpu.memory_space<hbm>>
    %dma_start3A_41 = tpu.memref_squeeze %dma_start3A_40 : memref<1x64x512xf32, #tpu.memory_space<hbm>> -> memref<64x512xf32, #tpu.memory_space<hbm>>
    tpu.enqueue_dma source(%dma_start3A_41 : memref<64x512xf32, #tpu.memory_space<hbm>>) target(%arg4 : memref<64x512xf32, #tpu.memory_space<vmem>>) target_semaphore(%arg8 : memref<!tpu.dma_semaphore, #tpu.memory_space<semaphore_mem>>)
    %add3A_42 = arith.constant 32 : i32
    %add3A_43 = arith.addi %add3A, %add3A_42 : i32
    %jit3A_44 = arith.constant 32 : i32
    %div3A_45 = arith.divsi %add3A_43, %jit3A_44 : i32
    %sign3A_46 = arith.constant 0 : i32
    %sign3A_47 = arith.cmpi sgt, %add3A_43, %sign3A_46 : i32
    %sign3A_48 = arith.extui %sign3A_47 : i1 to i32
    %sign3A_49 = arith.constant 0 : i32
    %sign3A_50 = arith.cmpi slt, %add3A_43, %sign3A_49 : i32
    %sign3A_51 = arith.extui %sign3A_50 : i1 to i32
    %sign3A_52 = arith.subi %sign3A_48, %sign3A_51 : i32
    %sign3A_53 = arith.constant 0 : i32
    %sign3A_54 = arith.cmpi sgt, %jit3A_44, %sign3A_53 : i32
    %sign3A_55 = arith.extui %sign3A_54 : i1 to i32
    %sign3A_56 = arith.constant 0 : i32
    %sign3A_57 = arith.cmpi slt, %jit3A_44, %sign3A_56 : i32
    %sign3A_58 = arith.extui %sign3A_57 : i1 to i32
    %sign3A_59 = arith.subi %sign3A_55, %sign3A_58 : i32
    %ne3A_60 = arith.cmpi ne, %sign3A_52, %sign3A_59 : i32
    %rem3A_61 = arith.remsi %add3A_43, %jit3A_44 : i32
    %ne3A_62 = arith.constant 0 : i32
    %ne3A_63 = arith.cmpi ne, %rem3A_61, %ne3A_62 : i32
    %and3A_64 = arith.andi %ne3A_60, %ne3A_63 : i1
    %sub3A_65 = arith.constant 1 : i32
    %sub3A_66 = arith.subi %div3A_45, %sub3A_65 : i32
    %select_n3A_67 = arith.select %and3A_64, %sub3A_66, %div3A_45 : i32
    %add3A_68 = arith.constant 12 : i32
    %add3A_69 = arith.addi %add3A_68, %select_n3A_67 : i32
    %jit3A_70 = arith.constant 32 : i32
    %eq3A_71 = arith.constant 0 : i32
    %eq3A_72 = arith.cmpi eq, %jit3A_70, %eq3A_71 : i32
    %jit3A_73 = arith.constant 1 : i32
    %select_n3A_74 = arith.select %eq3A_72, %jit3A_73, %jit3A_70 : i32
    %rem3A_75 = arith.remsi %add3A_43, %select_n3A_74 : i32
    %ne3A_76 = arith.constant 0 : i32
    %ne3A_77 = arith.cmpi ne, %rem3A_75, %ne3A_76 : i32
    %lt3A_78 = arith.constant 0 : i32
    %lt3A_79 = arith.cmpi slt, %rem3A_75, %lt3A_78 : i32
    %lt3A_80 = arith.constant 0 : i32
    %lt3A_81 = arith.cmpi slt, %select_n3A_74, %lt3A_80 : i32
    %ne3A_82 = arith.xori %lt3A_79, %lt3A_81 : i1
    %and3A_83 = arith.andi %ne3A_82, %ne3A_77 : i1
    %add3A_84 = arith.addi %rem3A_75, %select_n3A_74 : i32
    %select_n3A_85 = arith.select %and3A_83, %add3A_84, %rem3A_75 : i32
    %mul3A_86 = arith.constant 64 : i32
    %mul3A_87 = arith.muli %select_n3A_85, %mul3A_86 : i32
    %dma_start3A_88 = arith.constant 0 : i32
    %dma_start3A_89 = tpu.memref_slice %arg2[%add3A_69, %mul3A_87, %dma_start3A_88] : memref<16x2048x512xf32, #tpu.memory_space<hbm>> -> memref<1x64x512xf32, #tpu.memory_space<hbm>>
    %dma_start3A_90 = tpu.memref_squeeze %dma_start3A_89 : memref<1x64x512xf32, #tpu.memory_space<hbm>> -> memref<64x512xf32, #tpu.memory_space<hbm>>
    %dma_start3A_91 = arith.constant 0 : i32
    %dma_start3A_92 = tpu.memref_slice %arg2[%add3A_69, %mul3A_87, %dma_start3A_91] : memref<16x2048x512xf32, #tpu.memory_space<hbm>> -> memref<1x64x512xf32, #tpu.memory_space<hbm>>
    %dma_start3A_93 = tpu.memref_squeeze %dma_start3A_92 : memref<1x64x512xf32, #tpu.memory_space<hbm>> -> memref<64x512xf32, #tpu.memory_space<hbm>>
    tpu.enqueue_dma source(%dma_start3A_93 : memref<64x512xf32, #tpu.memory_space<hbm>>) target(%arg5 : memref<64x512xf32, #tpu.memory_space<vmem>>) target_semaphore(%arg9 : memref<!tpu.dma_semaphore, #tpu.memory_space<semaphore_mem>>)
    %scan3A = arith.constant 0 : i32
    %scan3A_94 = arith.constant 0 : i32
    %scan3A_95 = arith.constant 2 : i32
    %scan3A_96 = arith.addi %scan3A_94, %scan3A_95 : i32
    %scan3A_97 = arith.constant 1 : i32
    scf.for %scan3A_114 = %scan3A_94 to %scan3A_96 step %scan3A_97  : i32 {
      %mul3A_115 = arith.constant 2 : i32
      %mul3A_116 = arith.muli %scan3A_114, %mul3A_115 : i32
      %add3A_117 = arith.constant 0 : i32
      %add3A_118 = arith.addi %mul3A_116, %add3A_117 : i32
      %mul3A_119 = arith.constant 32 : i32
      %mul3A_120 = arith.muli %add3A_118, %mul3A_119 : i32
      %add3A_121 = arith.addi %add3A, %mul3A_120 : i32
      %jit3A_122 = arith.constant 32 : i32
      %div3A_123 = arith.divsi %add3A_121, %jit3A_122 : i32
      %sign3A_124 = arith.constant 0 : i32
      %sign3A_125 = arith.cmpi sgt, %add3A_121, %sign3A_124 : i32
      %sign3A_126 = arith.extui %sign3A_125 : i1 to i32
      %sign3A_127 = arith.constant 0 : i32
      %sign3A_128 = arith.cmpi slt, %add3A_121, %sign3A_127 : i32
      %sign3A_129 = arith.extui %sign3A_128 : i1 to i32
      %sign3A_130 = arith.subi %sign3A_126, %sign3A_129 : i32
      %sign3A_131 = arith.constant 0 : i32
      %sign3A_132 = arith.cmpi sgt, %jit3A_122, %sign3A_131 : i32
      %sign3A_133 = arith.extui %sign3A_132 : i1 to i32
      %sign3A_134 = arith.constant 0 : i32
      %sign3A_135 = arith.cmpi slt, %jit3A_122, %sign3A_134 : i32
      %sign3A_136 = arith.extui %sign3A_135 : i1 to i32
      %sign3A_137 = arith.subi %sign3A_133, %sign3A_136 : i32
      %ne3A_138 = arith.cmpi ne, %sign3A_130, %sign3A_137 : i32
      %rem3A_139 = arith.remsi %add3A_121, %jit3A_122 : i32
      %ne3A_140 = arith.constant 0 : i32
      %ne3A_141 = arith.cmpi ne, %rem3A_139, %ne3A_140 : i32
      %and3A_142 = arith.andi %ne3A_138, %ne3A_141 : i1
      %sub3A_143 = arith.constant 1 : i32
      %sub3A_144 = arith.subi %div3A_123, %sub3A_143 : i32
      %select_n3A_145 = arith.select %and3A_142, %sub3A_144, %div3A_123 : i32
      %add3A_146 = arith.constant 12 : i32
      %add3A_147 = arith.addi %add3A_146, %select_n3A_145 : i32
      %jit3A_148 = arith.constant 32 : i32
      %eq3A_149 = arith.constant 0 : i32
      %eq3A_150 = arith.cmpi eq, %jit3A_148, %eq3A_149 : i32
      %jit3A_151 = arith.constant 1 : i32
      %select_n3A_152 = arith.select %eq3A_150, %jit3A_151, %jit3A_148 : i32
      %rem3A_153 = arith.remsi %add3A_121, %select_n3A_152 : i32
      %ne3A_154 = arith.constant 0 : i32
      %ne3A_155 = arith.cmpi ne, %rem3A_153, %ne3A_154 : i32
      %lt3A_156 = arith.constant 0 : i32
      %lt3A_157 = arith.cmpi slt, %rem3A_153, %lt3A_156 : i32
      %lt3A_158 = arith.constant 0 : i32
      %lt3A_159 = arith.cmpi slt, %select_n3A_152, %lt3A_158 : i32
      %ne3A_160 = arith.xori %lt3A_157, %lt3A_159 : i1
      %and3A_161 = arith.andi %ne3A_160, %ne3A_155 : i1
      %add3A_162 = arith.addi %rem3A_153, %select_n3A_152 : i32
      %select_n3A_163 = arith.select %and3A_161, %add3A_162, %rem3A_153 : i32
      %mul3A_164 = arith.constant 64 : i32
      %mul3A_165 = arith.muli %select_n3A_163, %mul3A_164 : i32
      %dma_wait3A_166 = arith.constant 0 : i32
      %dma_wait3A_167 = tpu.memref_slice %arg2[%add3A_147, %mul3A_165, %dma_wait3A_166] : memref<16x2048x512xf32, #tpu.memory_space<hbm>> -> memref<1x64x512xf32, #tpu.memory_space<hbm>>
      %dma_wait3A_168 = tpu.memref_squeeze %dma_wait3A_167 : memref<1x64x512xf32, #tpu.memory_space<hbm>> -> memref<64x512xf32, #tpu.memory_space<hbm>>
      %dma_wait3A_169 = arith.constant 0 : i32
      %dma_wait3A_170 = tpu.memref_slice %arg2[%add3A_147, %mul3A_165, %dma_wait3A_169] : memref<16x2048x512xf32, #tpu.memory_space<hbm>> -> memref<1x64x512xf32, #tpu.memory_space<hbm>>
      %dma_wait3A_171 = tpu.memref_squeeze %dma_wait3A_170 : memref<1x64x512xf32, #tpu.memory_space<hbm>> -> memref<64x512xf32, #tpu.memory_space<hbm>>
      tpu.wait_dma2 semaphore(%arg8 : memref<!tpu.dma_semaphore, #tpu.memory_space<semaphore_mem>>) src(%dma_wait3A_171 : memref<64x512xf32, #tpu.memory_space<hbm>>) dst(%arg4 : memref<64x512xf32, #tpu.memory_space<vmem>>)
      %ge3A = arith.constant 2 : i32
      %ge3A_172 = arith.cmpi sge, %add3A_118, %ge3A : i32
      %convert_element_type3A = arith.extui %ge3A_172 : i1 to i32
      %cond3A = arith.constant 0 : i32
      %cond3A_173 = arith.cmpi ne, %convert_element_type3A, %cond3A : i32
      scf.if %cond3A_173 {
        %mul3A_280 = arith.constant 32 : i32
        %mul3A_281 = arith.muli %add3A_118, %mul3A_280 : i32
        %add3A_282 = arith.addi %add3A, %mul3A_281 : i32
        %mul3A_283 = arith.constant 16 : i32
        %mul3A_284 = arith.muli %add3A_282, %mul3A_283 : i32
        %dma_wait3A_285 = arith.constant 0 : i32
        %dma_wait3A_286 = tpu.memref_slice %arg3[%mul3A_284, %dma_wait3A_285] : memref<2048x512xf32, #tpu.memory_space<hbm>> -> memref<16x512xf32, #tpu.memory_space<hbm>>
        %dma_wait3A_287 = arith.constant 0 : i32
        %dma_wait3A_288 = tpu.memref_slice %arg3[%mul3A_284, %dma_wait3A_287] : memref<2048x512xf32, #tpu.memory_space<hbm>> -> memref<16x512xf32, #tpu.memory_space<hbm>>
        tpu.wait_dma2 semaphore(%arg10 : memref<!tpu.dma_semaphore, #tpu.memory_space<semaphore_mem>>) src(%arg6 : memref<16x512xf32, #tpu.memory_space<vmem>>) dst(%dma_wait3A_288 : memref<16x512xf32, #tpu.memory_space<hbm>>)
      } else {
      }
      %scan3A_174 = arith.constant 0 : i32
      %scan3A_175 = arith.constant 0 : i32
      %scan3A_176 = arith.constant 16 : i32
      %scan3A_177 = arith.addi %scan3A_175, %scan3A_176 : i32
      %scan3A_178 = arith.constant 1 : i32
      scf.for %scan3A_280 = %scan3A_175 to %scan3A_177 step %scan3A_178  : i32 {
        %mul3A_281 = arith.constant 32 : i32
        %mul3A_282 = arith.muli %scan3A_280, %mul3A_281 : i32
        %add3A_283 = arith.constant 0 : i32
        %add3A_284 = arith.addi %mul3A_282, %add3A_283 : i32
        %get3A = arith.constant 0 : i32
        %get3A_285 = arith.index_cast %get3A : i32 to index
        %get3A_286 = arith.index_cast %add3A_284 : i32 to index
        %get3A_287 = tpu.vector_load %arg4[%get3A_285, %get3A_286] {strides = array<i32>} : memref<64x512xf32, #tpu.memory_space<vmem>>, vector<1x16xf32>,
        %get3A_288 = vector.shape_cast %get3A_287 : vector<1x16xf32> to vector<16xf32>
        %get3A_289 = arith.constant 1 : i32
        %get3A_290 = arith.index_cast %get3A_289 : i32 to index
        %get3A_291 = arith.index_cast %add3A_284 : i32 to index
        %get3A_292 = tpu.vector_load %arg4[%get3A_290, %get3A_291] {strides = array<i32>} : memref<64x512xf32, #tpu.memory_space<vmem>>, vector<1x16xf32>,
        %get3A_293 = vector.shape_cast %get3A_292 : vector<1x16xf32> to vector<16xf32>
        %add3A_294 = arith.addf %get3A_288, %get3A_293 : vector<16xf32>
        %get3A_295 = arith.constant 2 : i32
        %get3A_296 = arith.index_cast %get3A_295 : i32 to index
        %get3A_297 = arith.index_cast %add3A_284 : i32 to index
        %get3A_298 = tpu.vector_load %arg4[%get3A_296, %get3A_297] {strides = array<i32>} : memref<64x512xf32, #tpu.memory_space<vmem>>, vector<1x16xf32>,
        %get3A_299 = vector.shape_cast %get3A_298 : vector<1x16xf32> to vector<16xf32>
        %add3A_300 = arith.addf %add3A_294, %get3A_299 : vector<16xf32>
        %get3A_301 = arith.constant 3 : i32
        %get3A_302 = arith.index_cast %get3A_301 : i32 to index
        %get3A_303 = arith.index_cast %add3A_284 : i32 to index
        %get3A_304 = tpu.vector_load %arg4[%get3A_302, %get3A_303] {strides = array<i32>} : memref<64x512xf32, #tpu.memory_space<vmem>>, vector<1x16xf32>,
        %get3A_305 = vector.shape_cast %get3A_304 : vector<1x16xf32> to vector<16xf32>
        %add3A_306 = arith.addf %add3A_300, %get3A_305 : vector<16xf32>
        %mul3A_307 = arith.constant 2.500000e-01 : f32
        %mul3A_308 = vector.broadcast %mul3A_307 : f32 to vector<16xf32>
        %mul3A_309 = arith.mulf %add3A_306, %mul3A_308 : vector<16xf32>
        %swap3A = arith.constant 0 : i32
        %swap3A_310 = arith.index_cast %swap3A : i32 to index
        %swap3A_311 = arith.index_cast %add3A_284 : i32 to index
        %swap3A_312 = tpu.vector_load %arg6[%swap3A_310, %swap3A_311] {strides = array<i32>} : memref<16x512xf32, #tpu.memory_space<vmem>>, vector<1x16xf32>,
        %swap3A_313 = vector.shape_cast %swap3A_312 : vector<1x16xf32> to vector<16xf32>
        %swap3A_314 = vector.shape_cast %mul3A_309 : vector<16xf32> to vector<1x16xf32>
        tpu.vector_store %arg6[%swap3A_310, %swap3A_311], %swap3A_314 {strides = array<i32>} : memref<16x512xf32, #tpu.memory_space<vmem>>, vector<1x16xf32>,
        %get3A_315 = arith.constant 4 : i32
        %get3A_316 = arith.index_cast %get3A_315 : i32 to index
        %get3A_317 = arith.index_cast %add3A_284 : i32 to index
        %get3A_318 = tpu.vector_load %arg4[%get3A_316, %get3A_317] {strides = array<i32>} : memref<64x512xf32, #tpu.memory_space<vmem>>, vector<1x16xf32>,
        %get3A_319 = vector.shape_cast %get3A_318 : vector<1x16xf32> to vector<16xf32>
        %get3A_320 = arith.constant 5 : i32
        %get3A_321 = arith.index_cast %get3A_320 : i32 to index
        %get3A_322 = arith.index_cast %add3A_284 : i32 to index
        %get3A_323 = tpu.vector_load %arg4[%get3A_321, %get3A_322] {strides = array<i32>} : memref<64x512xf32, #tpu.memory_space<vmem>>, vector<1x16xf32>,
        %get3A_324 = vector.shape_cast %get3A_323 : vector<1x16xf32> to vector<16xf32>
        %add3A_325 = arith.addf %get3A_319, %get3A_324 : vector<16xf32>
        %get3A_326 = arith.constant 6 : i32
        %get3A_327 = arith.index_cast %get3A_326 : i32 to index
        %get3A_328 = arith.index_cast %add3A_284 : i32 to index
        %get3A_329 = tpu.vector_load %arg4[%get3A_327, %get3A_328] {strides = array<i32>} : memref<64x512xf32, #tpu.memory_space<vmem>>, vector<1x16xf32>,
        %get3A_330 = vector.shape_cast %get3A_329 : vector<1x16xf32> to vector<16xf32>
        %add3A_331 = arith.addf %add3A_325, %get3A_330 : vector<16xf32>
        %get3A_332 = arith.constant 7 : i32
        %get3A_333 = arith.index_cast %get3A_332 : i32 to index
        %get3A_334 = arith.index_cast %add3A_284 : i32 to index
        %get3A_335 = tpu.vector_load %arg4[%get3A_333, %get3A_334] {strides = array<i32>} : memref<64x512xf32, #tpu.memory_space<vmem>>, vector<1x16xf32>,
        %get3A_336 = vector.shape_cast %get3A_335 : vector<1x16xf32> to vector<16xf32>
        %add3A_337 = arith.addf %add3A_331, %get3A_336 : vector<16xf32>
        %mul3A_338 = arith.constant 2.500000e-01 : f32
        %mul3A_339 = vector.broadcast %mul3A_338 : f32 to vector<16xf32>
        %mul3A_340 = arith.mulf %add3A_337, %mul3A_339 : vector<16xf32>
        %swap3A_341 = arith.constant 1 : i32
        %swap3A_342 = arith.index_cast %swap3A_341 : i32 to index
        %swap3A_343 = arith.index_cast %add3A_284 : i32 to index
        %swap3A_344 = tpu.vector_load %arg6[%swap3A_342, %swap3A_343] {strides = array<i32>} : memref<16x512xf32, #tpu.memory_space<vmem>>, vector<1x16xf32>,
        %swap3A_345 = vector.shape_cast %swap3A_344 : vector<1x16xf32> to vector<16xf32>
        %swap3A_346 = vector.shape_cast %mul3A_340 : vector<16xf32> to vector<1x16xf32>
        tpu.vector_store %arg6[%swap3A_342, %swap3A_343], %swap3A_346 {strides = array<i32>} : memref<16x512xf32, #tpu.memory_space<vmem>>, vector<1x16xf32>,
        %get3A_347 = arith.constant 8 : i32
        %get3A_348 = arith.index_cast %get3A_347 : i32 to index
        %get3A_349 = arith.index_cast %add3A_284 : i32 to index
        %get3A_350 = tpu.vector_load %arg4[%get3A_348, %get3A_349] {strides = array<i32>} : memref<64x512xf32, #tpu.memory_space<vmem>>, vector<1x16xf32>,
        %get3A_351 = vector.shape_cast %get3A_350 : vector<1x16xf32> to vector<16xf32>
        %get3A_352 = arith.constant 9 : i32
        %get3A_353 = arith.index_cast %get3A_352 : i32 to index
        %get3A_354 = arith.index_cast %add3A_284 : i32 to index
        %get3A_355 = tpu.vector_load %arg4[%get3A_353, %get3A_354] {strides = array<i32>} : memref<64x512xf32, #tpu.memory_space<vmem>>, vector<1x16xf32>,
        %get3A_356 = vector.shape_cast %get3A_355 : vector<1x16xf32> to vector<16xf32>
        %add3A_357 = arith.addf %get3A_351, %get3A_356 : vector<16xf32>
        %get3A_358 = arith.constant 10 : i32
        %get3A_359 = arith.index_cast %get3A_358 : i32 to index
        %get3A_360 = arith.index_cast %add3A_284 : i32 to index
        %get3A_361 = tpu.vector_load %arg4[%get3A_359, %get3A_360] {strides = array<i32>} : memref<64x512xf32, #tpu.memory_space<vmem>>, vector<1x16xf32>,
        %get3A_362 = vector.shape_cast %get3A_361 : vector<1x16xf32> to vector<16xf32>
        %add3A_363 = arith.addf %add3A_357, %get3A_362 : vector<16xf32>
        %get3A_364 = arith.constant 11 : i32
        %get3A_365 = arith.index_cast %get3A_364 : i32 to index
        %get3A_366 = arith.index_cast %add3A_284 : i32 to index
        %get3A_367 = tpu.vector_load %arg4[%get3A_365, %get3A_366] {strides = array<i32>} : memref<64x512xf32, #tpu.memory_space<vmem>>, vector<1x16xf32>,
        %get3A_368 = vector.shape_cast %get3A_367 : vector<1x16xf32> to vector<16xf32>
        %add3A_369 = arith.addf %add3A_363, %get3A_368 : vector<16xf32>
        %mul3A_370 = arith.constant 2.500000e-01 : f32
        %mul3A_371 = vector.broadcast %mul3A_370 : f32 to vector<16xf32>
        %mul3A_372 = arith.mulf %add3A_369, %mul3A_371 : vector<16xf32>
        %swap3A_373 = arith.constant 2 : i32
        %swap3A_374 = arith.index_cast %swap3A_373 : i32 to index
        %swap3A_375 = arith.index_cast %add3A_284 : i32 to index
        %swap3A_376 = tpu.vector_load %arg6[%swap3A_374, %swap3A_375] {strides = array<i32>} : memref<16x512xf32, #tpu.memory_space<vmem>>, vector<1x16xf32>,
        %swap3A_377 = vector.shape_cast %swap3A_376 : vector<1x16xf32> to vector<16xf32>
        %swap3A_378 = vector.shape_cast %mul3A_372 : vector<16xf32> to vector<1x16xf32>
        tpu.vector_store %arg6[%swap3A_374, %swap3A_375], %swap3A_378 {strides = array<i32>} : memref<16x512xf32, #tpu.memory_space<vmem>>, vector<1x16xf32>,
        %get3A_379 = arith.constant 12 : i32
        %get3A_380 = arith.index_cast %get3A_379 : i32 to index
        %get3A_381 = arith.index_cast %add3A_284 : i32 to index
        %get3A_382 = tpu.vector_load %arg4[%get3A_380, %get3A_381] {strides = array<i32>} : memref<64x512xf32, #tpu.memory_space<vmem>>, vector<1x16xf32>,
        %get3A_383 = vector.shape_cast %get3A_382 : vector<1x16xf32> to vector<16xf32>
        %get3A_384 = arith.constant 13 : i32
        %get3A_385 = arith.index_cast %get3A_384 : i32 to index
        %get3A_386 = arith.index_cast %add3A_284 : i32 to index
        %get3A_387 = tpu.vector_load %arg4[%get3A_385, %get3A_386] {strides = array<i32>} : memref<64x512xf32, #tpu.memory_space<vmem>>, vector<1x16xf32>,
        %get3A_388 = vector.shape_cast %get3A_387 : vector<1x16xf32> to vector<16xf32>
        %add3A_389 = arith.addf %get3A_383, %get3A_388 : vector<16xf32>
        %get3A_390 = arith.constant 14 : i32
        %get3A_391 = arith.index_cast %get3A_390 : i32 to index
        %get3A_392 = arith.index_cast %add3A_284 : i32 to index
        %get3A_393 = tpu.vector_load %arg4[%get3A_391, %get3A_392] {strides = array<i32>} : memref<64x512xf32, #tpu.memory_space<vmem>>, vector<1x16xf32>,
        %get3A_394 = vector.shape_cast %get3A_393 : vector<1x16xf32> to vector<16xf32>
        %add3A_395 = arith.addf %add3A_389, %get3A_394 : vector<16xf32>
        %get3A_396 = arith.constant 15 : i32
        %get3A_397 = arith.index_cast %get3A_396 : i32 to index
        %get3A_398 = arith.index_cast %add3A_284 : i32 to index
        %get3A_399 = tpu.vector_load %arg4[%get3A_397, %get3A_398] {strides = array<i32>} : memref<64x512xf32, #tpu.memory_space<vmem>>, vector<1x16xf32>,
        %get3A_400 = vector.shape_cast %get3A_399 : vector<1x16xf32> to vector<16xf32>
        %add3A_401 = arith.addf %add3A_395, %get3A_400 : vector<16xf32>
        %mul3A_402 = arith.constant 2.500000e-01 : f32
        %mul3A_403 = vector.broadcast %mul3A_402 : f32 to vector<16xf32>
        %mul3A_404 = arith.mulf %add3A_401, %mul3A_403 : vector<16xf32>
        %swap3A_405 = arith.constant 3 : i32
        %swap3A_406 = arith.index_cast %swap3A_405 : i32 to index
        %swap3A_407 = arith.index_cast %add3A_284 : i32 to index
        %swap3A_408 = tpu.vector_load %arg6[%swap3A_406, %swap3A_407] {strides = array<i32>} : memref<16x512xf32, #tpu.memory_space<vmem>>, vector<1x16xf32>,
        %swap3A_409 = vector.shape_cast %swap3A_408 : vector<1x16xf32> to vector<16xf32>
        %swap3A_410 = vector.shape_cast %mul3A_404 : vector<16xf32> to vector<1x16xf32>
        tpu.vector_store %arg6[%swap3A_406, %swap3A_407], %swap3A_410 {strides = array<i32>} : memref<16x512xf32, #tpu.memory_space<vmem>>, vector<1x16xf32>,
        %get3A_411 = arith.constant 16 : i32
        %get3A_412 = arith.index_cast %get3A_411 : i32 to index
        %get3A_413 = arith.index_cast %add3A_284 : i32 to index
        %get3A_414 = tpu.vector_load %arg4[%get3A_412, %get3A_413] {strides = array<i32>} : memref<64x512xf32, #tpu.memory_space<vmem>>, vector<1x16xf32>,
        %get3A_415 = vector.shape_cast %get3A_414 : vector<1x16xf32> to vector<16xf32>
        %get3A_416 = arith.constant 17 : i32
        %get3A_417 = arith.index_cast %get3A_416 : i32 to index
        %get3A_418 = arith.index_cast %add3A_284 : i32 to index
        %get3A_419 = tpu.vector_load %arg4[%get3A_417, %get3A_418] {strides = array<i32>} : memref<64x512xf32, #tpu.memory_space<vmem>>, vector<1x16xf32>,
        %get3A_420 = vector.shape_cast %get3A_419 : vector<1x16xf32> to vector<16xf32>
        %add3A_421 = arith.addf %get3A_415, %get3A_420 : vector<16xf32>
        %get3A_422 = arith.constant 18 : i32
        %get3A_423 = arith.index_cast %get3A_422 : i32 to index
        %get3A_424 = arith.index_cast %add3A_284 : i32 to index
        %get3A_425 = tpu.vector_load %arg4[%get3A_423, %get3A_424] {strides = array<i32>} : memref<64x512xf32, #tpu.memory_space<vmem>>, vector<1x16xf32>,
        %get3A_426 = vector.shape_cast %get3A_425 : vector<1x16xf32> to vector<16xf32>
        %add3A_427 = arith.addf %add3A_421, %get3A_426 : vector<16xf32>
        %get3A_428 = arith.constant 19 : i32
        %get3A_429 = arith.index_cast %get3A_428 : i32 to index
        %get3A_430 = arith.index_cast %add3A_284 : i32 to index
        %get3A_431 = tpu.vector_load %arg4[%get3A_429, %get3A_430] {strides = array<i32>} : memref<64x512xf32, #tpu.memory_space<vmem>>, vector<1x16xf32>,
        %get3A_432 = vector.shape_cast %get3A_431 : vector<1x16xf32> to vector<16xf32>
        %add3A_433 = arith.addf %add3A_427, %get3A_432 : vector<16xf32>
        %mul3A_434 = arith.constant 2.500000e-01 : f32
        %mul3A_435 = vector.broadcast %mul3A_434 : f32 to vector<16xf32>
        %mul3A_436 = arith.mulf %add3A_433, %mul3A_435 : vector<16xf32>
        %swap3A_437 = arith.constant 4 : i32
        %swap3A_438 = arith.index_cast %swap3A_437 : i32 to index
        %swap3A_439 = arith.index_cast %add3A_284 : i32 to index
        %swap3A_440 = tpu.vector_load %arg6[%swap3A_438, %swap3A_439] {strides = array<i32>} : memref<16x512xf32, #tpu.memory_space<vmem>>, vector<1x16xf32>,
        %swap3A_441 = vector.shape_cast %swap3A_440 : vector<1x16xf32> to vector<16xf32>
        %swap3A_442 = vector.shape_cast %mul3A_436 : vector<16xf32> to vector<1x16xf32>
        tpu.vector_store %arg6[%swap3A_438, %swap3A_439], %swap3A_442 {strides = array<i32>} : memref<16x512xf32, #tpu.memory_space<vmem>>, vector<1x16xf32>,
        %get3A_443 = arith.constant 20 : i32
        %get3A_444 = arith.index_cast %get3A_443 : i32 to index
        %get3A_445 = arith.index_cast %add3A_284 : i32 to index
        %get3A_446 = tpu.vector_load %arg4[%get3A_444, %get3A_445] {strides = array<i32>} : memref<64x512xf32, #tpu.memory_space<vmem>>, vector<1x16xf32>,
        %get3A_447 = vector.shape_cast %get3A_446 : vector<1x16xf32> to vector<16xf32>
        %get3A_448 = arith.constant 21 : i32
        %get3A_449 = arith.index_cast %get3A_448 : i32 to index
        %get3A_450 = arith.index_cast %add3A_284 : i32 to index
        %get3A_451 = tpu.vector_load %arg4[%get3A_449, %get3A_450] {strides = array<i32>} : memref<64x512xf32, #tpu.memory_space<vmem>>, vector<1x16xf32>,
        %get3A_452 = vector.shape_cast %get3A_451 : vector<1x16xf32> to vector<16xf32>
        %add3A_453 = arith.addf %get3A_447, %get3A_452 : vector<16xf32>
        %get3A_454 = arith.constant 22 : i32
        %get3A_455 = arith.index_cast %get3A_454 : i32 to index
        %get3A_456 = arith.index_cast %add3A_284 : i32 to index
        %get3A_457 = tpu.vector_load %arg4[%get3A_455, %get3A_456] {strides = array<i32>} : memref<64x512xf32, #tpu.memory_space<vmem>>, vector<1x16xf32>,
        %get3A_458 = vector.shape_cast %get3A_457 : vector<1x16xf32> to vector<16xf32>
        %add3A_459 = arith.addf %add3A_453, %get3A_458 : vector<16xf32>
        %get3A_460 = arith.constant 23 : i32
        %get3A_461 = arith.index_cast %get3A_460 : i32 to index
        %get3A_462 = arith.index_cast %add3A_284 : i32 to index
        %get3A_463 = tpu.vector_load %arg4[%get3A_461, %get3A_462] {strides = array<i32>} : memref<64x512xf32, #tpu.memory_space<vmem>>, vector<1x16xf32>,
        %get3A_464 = vector.shape_cast %get3A_463 : vector<1x16xf32> to vector<16xf32>
        %add3A_465 = arith.addf %add3A_459, %get3A_464 : vector<16xf32>
        %mul3A_466 = arith.constant 2.500000e-01 : f32
        %mul3A_467 = vector.broadcast %mul3A_466 : f32 to vector<16xf32>
        %mul3A_468 = arith.mulf %add3A_465, %mul3A_467 : vector<16xf32>
        %swap3A_469 = arith.constant 5 : i32
        %swap3A_470 = arith.index_cast %swap3A_469 : i32 to index
        %swap3A_471 = arith.index_cast %add3A_284 : i32 to index
        %swap3A_472 = tpu.vector_load %arg6[%swap3A_470, %swap3A_471] {strides = array<i32>} : memref<16x512xf32, #tpu.memory_space<vmem>>, vector<1x16xf32>,
        %swap3A_473 = vector.shape_cast %swap3A_472 : vector<1x16xf32> to vector<16xf32>
        %swap3A_474 = vector.shape_cast %mul3A_468 : vector<16xf32> to vector<1x16xf32>
        tpu.vector_store %arg6[%swap3A_470, %swap3A_471], %swap3A_474 {strides = array<i32>} : memref<16x512xf32, #tpu.memory_space<vmem>>, vector<1x16xf32>,
        %get3A_475 = arith.constant 24 : i32
        %get3A_476 = arith.index_cast %get3A_475 : i32 to index
        %get3A_477 = arith.index_cast %add3A_284 : i32 to index
        %get3A_478 = tpu.vector_load %arg4[%get3A_476, %get3A_477] {strides = array<i32>} : memref<64x512xf32, #tpu.memory_space<vmem>>, vector<1x16xf32>,
        %get3A_479 = vector.shape_cast %get3A_478 : vector<1x16xf32> to vector<16xf32>
        %get3A_480 = arith.constant 25 : i32
        %get3A_481 = arith.index_cast %get3A_480 : i32 to index
        %get3A_482 = arith.index_cast %add3A_284 : i32 to index
        %get3A_483 = tpu.vector_load %arg4[%get3A_481, %get3A_482] {strides = array<i32>} : memref<64x512xf32, #tpu.memory_space<vmem>>, vector<1x16xf32>,
        %get3A_484 = vector.shape_cast %get3A_483 : vector<1x16xf32> to vector<16xf32>
        %add3A_485 = arith.addf %get3A_479, %get3A_484 : vector<16xf32>
        %get3A_486 = arith.constant 26 : i32
        %get3A_487 = arith.index_cast %get3A_486 : i32 to index
        %get3A_488 = arith.index_cast %add3A_284 : i32 to index
        %get3A_489 = tpu.vector_load %arg4[%get3A_487, %get3A_488] {strides = array<i32>} : memref<64x512xf32, #tpu.memory_space<vmem>>, vector<1x16xf32>,
        %get3A_490 = vector.shape_cast %get3A_489 : vector<1x16xf32> to vector<16xf32>
        %add3A_491 = arith.addf %add3A_485, %get3A_490 : vector<16xf32>
        %get3A_492 = arith.constant 27 : i32
        %get3A_493 = arith.index_cast %get3A_492 : i32 to index
        %get3A_494 = arith.index_cast %add3A_284 : i32 to index
        %get3A_495 = tpu.vector_load %arg4[%get3A_493, %get3A_494] {strides = array<i32>} : memref<64x512xf32, #tpu.memory_space<vmem>>, vector<1x16xf32>,
        %get3A_496 = vector.shape_cast %get3A_495 : vector<1x16xf32> to vector<16xf32>
        %add3A_497 = arith.addf %add3A_491, %get3A_496 : vector<16xf32>
        %mul3A_498 = arith.constant 2.500000e-01 : f32
        %mul3A_499 = vector.broadcast %mul3A_498 : f32 to vector<16xf32>
        %mul3A_500 = arith.mulf %add3A_497, %mul3A_499 : vector<16xf32>
        %swap3A_501 = arith.constant 6 : i32
        %swap3A_502 = arith.index_cast %swap3A_501 : i32 to index
        %swap3A_503 = arith.index_cast %add3A_284 : i32 to index
        %swap3A_504 = tpu.vector_load %arg6[%swap3A_502, %swap3A_503] {strides = array<i32>} : memref<16x512xf32, #tpu.memory_space<vmem>>, vector<1x16xf32>,
        %swap3A_505 = vector.shape_cast %swap3A_504 : vector<1x16xf32> to vector<16xf32>
        %swap3A_506 = vector.shape_cast %mul3A_500 : vector<16xf32> to vector<1x16xf32>
        tpu.vector_store %arg6[%swap3A_502, %swap3A_503], %swap3A_506 {strides = array<i32>} : memref<16x512xf32, #tpu.memory_space<vmem>>, vector<1x16xf32>,
        %get3A_507 = arith.constant 28 : i32
        %get3A_508 = arith.index_cast %get3A_507 : i32 to index
        %get3A_509 = arith.index_cast %add3A_284 : i32 to index
        %get3A_510 = tpu.vector_load %arg4[%get3A_508, %get3A_509] {strides = array<i32>} : memref<64x512xf32, #tpu.memory_space<vmem>>, vector<1x16xf32>,
        %get3A_511 = vector.shape_cast %get3A_510 : vector<1x16xf32> to vector<16xf32>
        %get3A_512 = arith.constant 29 : i32
        %get3A_513 = arith.index_cast %get3A_512 : i32 to index
        %get3A_514 = arith.index_cast %add3A_284 : i32 to index
        %get3A_515 = tpu.vector_load %arg4[%get3A_513, %get3A_514] {strides = array<i32>} : memref<64x512xf32, #tpu.memory_space<vmem>>, vector<1x16xf32>,
        %get3A_516 = vector.shape_cast %get3A_515 : vector<1x16xf32> to vector<16xf32>
        %add3A_517 = arith.addf %get3A_511, %get3A_516 : vector<16xf32>
        %get3A_518 = arith.constant 30 : i32
        %get3A_519 = arith.index_cast %get3A_518 : i32 to index
        %get3A_520 = arith.index_cast %add3A_284 : i32 to index
        %get3A_521 = tpu.vector_load %arg4[%get3A_519, %get3A_520] {strides = array<i32>} : memref<64x512xf32, #tpu.memory_space<vmem>>, vector<1x16xf32>,
        %get3A_522 = vector.shape_cast %get3A_521 : vector<1x16xf32> to vector<16xf32>
        %add3A_523 = arith.addf %add3A_517, %get3A_522 : vector<16xf32>
        %get3A_524 = arith.constant 31 : i32
        %get3A_525 = arith.index_cast %get3A_524 : i32 to index
        %get3A_526 = arith.index_cast %add3A_284 : i32 to index
        %get3A_527 = tpu.vector_load %arg4[%get3A_525, %get3A_526] {strides = array<i32>} : memref<64x512xf32, #tpu.memory_space<vmem>>, vector<1x16xf32>,
        %get3A_528 = vector.shape_cast %get3A_527 : vector<1x16xf32> to vector<16xf32>
        %add3A_529 = arith.addf %add3A_523, %get3A_528 : vector<16xf32>
        %mul3A_530 = arith.constant 2.500000e-01 : f32
        %mul3A_531 = vector.broadcast %mul3A_530 : f32 to vector<16xf32>
        %mul3A_532 = arith.mulf %add3A_529, %mul3A_531 : vector<16xf32>
        %swap3A_533 = arith.constant 7 : i32
        %swap3A_534 = arith.index_cast %swap3A_533 : i32 to index
        %swap3A_535 = arith.index_cast %add3A_284 : i32 to index
        %swap3A_536 = tpu.vector_load %arg6[%swap3A_534, %swap3A_535] {strides = array<i32>} : memref<16x512xf32, #tpu.memory_space<vmem>>, vector<1x16xf32>,
        %swap3A_537 = vector.shape_cast %swap3A_536 : vector<1x16xf32> to vector<16xf32>
        %swap3A_538 = vector.shape_cast %mul3A_532 : vector<16xf32> to vector<1x16xf32>
        tpu.vector_store %arg6[%swap3A_534, %swap3A_535], %swap3A_538 {strides = array<i32>} : memref<16x512xf32, #tpu.memory_space<vmem>>, vector<1x16xf32>,
        %get3A_539 = arith.constant 32 : i32
        %get3A_540 = arith.index_cast %get3A_539 : i32 to index
        %get3A_541 = arith.index_cast %add3A_284 : i32 to index
        %get3A_542 = tpu.vector_load %arg4[%get3A_540, %get3A_541] {strides = array<i32>} : memref<64x512xf32, #tpu.memory_space<vmem>>, vector<1x16xf32>,
        %get3A_543 = vector.shape_cast %get3A_542 : vector<1x16xf32> to vector<16xf32>
        %get3A_544 = arith.constant 33 : i32
        %get3A_545 = arith.index_cast %get3A_544 : i32 to index
        %get3A_546 = arith.index_cast %add3A_284 : i32 to index
        %get3A_547 = tpu.vector_load %arg4[%get3A_545, %get3A_546] {strides = array<i32>} : memref<64x512xf32, #tpu.memory_space<vmem>>, vector<1x16xf32>,
        %get3A_548 = vector.shape_cast %get3A_547 : vector<1x16xf32> to vector<16xf32>
        %add3A_549 = arith.addf %get3A_543, %get3A_548 : vector<16xf32>
        %get3A_550 = arith.constant 34 : i32
        %get3A_551 = arith.index_cast %get3A_550 : i32 to index
        %get3A_552 = arith.index_cast %add3A_284 : i32 to index
        %get3A_553 = tpu.vector_load %arg4[%get3A_551, %get3A_552] {strides = array<i32>} : memref<64x512xf32, #tpu.memory_space<vmem>>, vector<1x16xf32>,
        %get3A_554 = vector.shape_cast %get3A_553 : vector<1x16xf32> to vector<16xf32>
        %add3A_555 = arith.addf %add3A_549, %get3A_554 : vector<16xf32>
        %get3A_556 = arith.constant 35 : i32
        %get3A_557 = arith.index_cast %get3A_556 : i32 to index
        %get3A_558 = arith.index_cast %add3A_284 : i32 to index
        %get3A_559 = tpu.vector_load %arg4[%get3A_557, %get3A_558] {strides = array<i32>} : memref<64x512xf32, #tpu.memory_space<vmem>>, vector<1x16xf32>,
        %get3A_560 = vector.shape_cast %get3A_559 : vector<1x16xf32> to vector<16xf32>
        %add3A_561 = arith.addf %add3A_555, %get3A_560 : vector<16xf32>
        %mul3A_562 = arith.constant 2.500000e-01 : f32
        %mul3A_563 = vector.broadcast %mul3A_562 : f32 to vector<16xf32>
        %mul3A_564 = arith.mulf %add3A_561, %mul3A_563 : vector<16xf32>
        %swap3A_565 = arith.constant 8 : i32
        %swap3A_566 = arith.index_cast %swap3A_565 : i32 to index
        %swap3A_567 = arith.index_cast %add3A_284 : i32 to index
        %swap3A_568 = tpu.vector_load %arg6[%swap3A_566, %swap3A_567] {strides = array<i32>} : memref<16x512xf32, #tpu.memory_space<vmem>>, vector<1x16xf32>,
        %swap3A_569 = vector.shape_cast %swap3A_568 : vector<1x16xf32> to vector<16xf32>
        %swap3A_570 = vector.shape_cast %mul3A_564 : vector<16xf32> to vector<1x16xf32>
        tpu.vector_store %arg6[%swap3A_566, %swap3A_567], %swap3A_570 {strides = array<i32>} : memref<16x512xf32, #tpu.memory_space<vmem>>, vector<1x16xf32>,
        %get3A_571 = arith.constant 36 : i32
        %get3A_572 = arith.index_cast %get3A_571 : i32 to index
        %get3A_573 = arith.index_cast %add3A_284 : i32 to index
        %get3A_574 = tpu.vector_load %arg4[%get3A_572, %get3A_573] {strides = array<i32>} : memref<64x512xf32, #tpu.memory_space<vmem>>, vector<1x16xf32>,
        %get3A_575 = vector.shape_cast %get3A_574 : vector<1x16xf32> to vector<16xf32>
        %get3A_576 = arith.constant 37 : i32
        %get3A_577 = arith.index_cast %get3A_576 : i32 to index
        %get3A_578 = arith.index_cast %add3A_284 : i32 to index
        %get3A_579 = tpu.vector_load %arg4[%get3A_577, %get3A_578] {strides = array<i32>} : memref<64x512xf32, #tpu.memory_space<vmem>>, vector<1x16xf32>,
        %get3A_580 = vector.shape_cast %get3A_579 : vector<1x16xf32> to vector<16xf32>
        %add3A_581 = arith.addf %get3A_575, %get3A_580 : vector<16xf32>
        %get3A_582 = arith.constant 38 : i32
        %get3A_583 = arith.index_cast %get3A_582 : i32 to index
        %get3A_584 = arith.index_cast %add3A_284 : i32 to index
        %get3A_585 = tpu.vector_load %arg4[%get3A_583, %get3A_584] {strides = array<i32>} : memref<64x512xf32, #tpu.memory_space<vmem>>, vector<1x16xf32>,
        %get3A_586 = vector.shape_cast %get3A_585 : vector<1x16xf32> to vector<16xf32>
        %add3A_587 = arith.addf %add3A_581, %get3A_586 : vector<16xf32>
        %get3A_588 = arith.constant 39 : i32
        %get3A_589 = arith.index_cast %get3A_588 : i32 to index
        %get3A_590 = arith.index_cast %add3A_284 : i32 to index
        %get3A_591 = tpu.vector_load %arg4[%get3A_589, %get3A_590] {strides = array<i32>} : memref<64x512xf32, #tpu.memory_space<vmem>>, vector<1x16xf32>,
        %get3A_592 = vector.shape_cast %get3A_591 : vector<1x16xf32> to vector<16xf32>
        %add3A_593 = arith.addf %add3A_587, %get3A_592 : vector<16xf32>
        %mul3A_594 = arith.constant 2.500000e-01 : f32
        %mul3A_595 = vector.broadcast %mul3A_594 : f32 to vector<16xf32>
        %mul3A_596 = arith.mulf %add3A_593, %mul3A_595 : vector<16xf32>
        %swap3A_597 = arith.constant 9 : i32
        %swap3A_598 = arith.index_cast %swap3A_597 : i32 to index
        %swap3A_599 = arith.index_cast %add3A_284 : i32 to index
        %swap3A_600 = tpu.vector_load %arg6[%swap3A_598, %swap3A_599] {strides = array<i32>} : memref<16x512xf32, #tpu.memory_space<vmem>>, vector<1x16xf32>,
        %swap3A_601 = vector.shape_cast %swap3A_600 : vector<1x16xf32> to vector<16xf32>
        %swap3A_602 = vector.shape_cast %mul3A_596 : vector<16xf32> to vector<1x16xf32>
        tpu.vector_store %arg6[%swap3A_598, %swap3A_599], %swap3A_602 {strides = array<i32>} : memref<16x512xf32, #tpu.memory_space<vmem>>, vector<1x16xf32>,
        %get3A_603 = arith.constant 40 : i32
        %get3A_604 = arith.index_cast %get3A_603 : i32 to index
        %get3A_605 = arith.index_cast %add3A_284 : i32 to index
        %get3A_606 = tpu.vector_load %arg4[%get3A_604, %get3A_605] {strides = array<i32>} : memref<64x512xf32, #tpu.memory_space<vmem>>, vector<1x16xf32>,
        %get3A_607 = vector.shape_cast %get3A_606 : vector<1x16xf32> to vector<16xf32>
        %get3A_608 = arith.constant 41 : i32
        %get3A_609 = arith.index_cast %get3A_608 : i32 to index
        %get3A_610 = arith.index_cast %add3A_284 : i32 to index
        %get3A_611 = tpu.vector_load %arg4[%get3A_609, %get3A_610] {strides = array<i32>} : memref<64x512xf32, #tpu.memory_space<vmem>>, vector<1x16xf32>,
        %get3A_612 = vector.shape_cast %get3A_611 : vector<1x16xf32> to vector<16xf32>
        %add3A_613 = arith.addf %get3A_607, %get3A_612 : vector<16xf32>
        %get3A_614 = arith.constant 42 : i32
        %get3A_615 = arith.index_cast %get3A_614 : i32 to index
        %get3A_616 = arith.index_cast %add3A_284 : i32 to index
        %get3A_617 = tpu.vector_load %arg4[%get3A_615, %get3A_616] {strides = array<i32>} : memref<64x512xf32, #tpu.memory_space<vmem>>, vector<1x16xf32>,
        %get3A_618 = vector.shape_cast %get3A_617 : vector<1x16xf32> to vector<16xf32>
        %add3A_619 = arith.addf %add3A_613, %get3A_618 : vector<16xf32>
        %get3A_620 = arith.constant 43 : i32
        %get3A_621 = arith.index_cast %get3A_620 : i32 to index
        %get3A_622 = arith.index_cast %add3A_284 : i32 to index
        %get3A_623 = tpu.vector_load %arg4[%get3A_621, %get3A_622] {strides = array<i32>} : memref<64x512xf32, #tpu.memory_space<vmem>>, vector<1x16xf32>,
        %get3A_624 = vector.shape_cast %get3A_623 : vector<1x16xf32> to vector<16xf32>
        %add3A_625 = arith.addf %add3A_619, %get3A_624 : vector<16xf32>
        %mul3A_626 = arith.constant 2.500000e-01 : f32
        %mul3A_627 = vector.broadcast %mul3A_626 : f32 to vector<16xf32>
        %mul3A_628 = arith.mulf %add3A_625, %mul3A_627 : vector<16xf32>
        %swap3A_629 = arith.constant 10 : i32
        %swap3A_630 = arith.index_cast %swap3A_629 : i32 to index
        %swap3A_631 = arith.index_cast %add3A_284 : i32 to index
        %swap3A_632 = tpu.vector_load %arg6[%swap3A_630, %swap3A_631] {strides = array<i32>} : memref<16x512xf32, #tpu.memory_space<vmem>>, vector<1x16xf32>,
        %swap3A_633 = vector.shape_cast %swap3A_632 : vector<1x16xf32> to vector<16xf32>
        %swap3A_634 = vector.shape_cast %mul3A_628 : vector<16xf32> to vector<1x16xf32>
        tpu.vector_store %arg6[%swap3A_630, %swap3A_631], %swap3A_634 {strides = array<i32>} : memref<16x512xf32, #tpu.memory_space<vmem>>, vector<1x16xf32>,
        %get3A_635 = arith.constant 44 : i32
        %get3A_636 = arith.index_cast %get3A_635 : i32 to index
        %get3A_637 = arith.index_cast %add3A_284 : i32 to index
        %get3A_638 = tpu.vector_load %arg4[%get3A_636, %get3A_637] {strides = array<i32>} : memref<64x512xf32, #tpu.memory_space<vmem>>, vector<1x16xf32>,
        %get3A_639 = vector.shape_cast %get3A_638 : vector<1x16xf32> to vector<16xf32>
        %get3A_640 = arith.constant 45 : i32
        %get3A_641 = arith.index_cast %get3A_640 : i32 to index
        %get3A_642 = arith.index_cast %add3A_284 : i32 to index
        %get3A_643 = tpu.vector_load %arg4[%get3A_641, %get3A_642] {strides = array<i32>} : memref<64x512xf32, #tpu.memory_space<vmem>>, vector<1x16xf32>,
        %get3A_644 = vector.shape_cast %get3A_643 : vector<1x16xf32> to vector<16xf32>
        %add3A_645 = arith.addf %get3A_639, %get3A_644 : vector<16xf32>
        %get3A_646 = arith.constant 46 : i32
        %get3A_647 = arith.index_cast %get3A_646 : i32 to index
        %get3A_648 = arith.index_cast %add3A_284 : i32 to index
        %get3A_649 = tpu.vector_load %arg4[%get3A_647, %get3A_648] {strides = array<i32>} : memref<64x512xf32, #tpu.memory_space<vmem>>, vector<1x16xf32>,
        %get3A_650 = vector.shape_cast %get3A_649 : vector<1x16xf32> to vector<16xf32>
        %add3A_651 = arith.addf %add3A_645, %get3A_650 : vector<16xf32>
        %get3A_652 = arith.constant 47 : i32
        %get3A_653 = arith.index_cast %get3A_652 : i32 to index
        %get3A_654 = arith.index_cast %add3A_284 : i32 to index
        %get3A_655 = tpu.vector_load %arg4[%get3A_653, %get3A_654] {strides = array<i32>} : memref<64x512xf32, #tpu.memory_space<vmem>>, vector<1x16xf32>,
        %get3A_656 = vector.shape_cast %get3A_655 : vector<1x16xf32> to vector<16xf32>
        %add3A_657 = arith.addf %add3A_651, %get3A_656 : vector<16xf32>
        %mul3A_658 = arith.constant 2.500000e-01 : f32
        %mul3A_659 = vector.broadcast %mul3A_658 : f32 to vector<16xf32>
        %mul3A_660 = arith.mulf %add3A_657, %mul3A_659 : vector<16xf32>
        %swap3A_661 = arith.constant 11 : i32
        %swap3A_662 = arith.index_cast %swap3A_661 : i32 to index
        %swap3A_663 = arith.index_cast %add3A_284 : i32 to index
        %swap3A_664 = tpu.vector_load %arg6[%swap3A_662, %swap3A_663] {strides = array<i32>} : memref<16x512xf32, #tpu.memory_space<vmem>>, vector<1x16xf32>,
        %swap3A_665 = vector.shape_cast %swap3A_664 : vector<1x16xf32> to vector<16xf32>
        %swap3A_666 = vector.shape_cast %mul3A_660 : vector<16xf32> to vector<1x16xf32>
        tpu.vector_store %arg6[%swap3A_662, %swap3A_663], %swap3A_666 {strides = array<i32>} : memref<16x512xf32, #tpu.memory_space<vmem>>, vector<1x16xf32>,
        %get3A_667 = arith.constant 48 : i32
        %get3A_668 = arith.index_cast %get3A_667 : i32 to index
        %get3A_669 = arith.index_cast %add3A_284 : i32 to index
        %get3A_670 = tpu.vector_load %arg4[%get3A_668, %get3A_669] {strides = array<i32>} : memref<64x512xf32, #tpu.memory_space<vmem>>, vector<1x16xf32>,
        %get3A_671 = vector.shape_cast %get3A_670 : vector<1x16xf32> to vector<16xf32>
        %get3A_672 = arith.constant 49 : i32
        %get3A_673 = arith.index_cast %get3A_672 : i32 to index
        %get3A_674 = arith.index_cast %add3A_284 : i32 to index
        %get3A_675 = tpu.vector_load %arg4[%get3A_673, %get3A_674] {strides = array<i32>} : memref<64x512xf32, #tpu.memory_space<vmem>>, vector<1x16xf32>,
        %get3A_676 = vector.shape_cast %get3A_675 : vector<1x16xf32> to vector<16xf32>
        %add3A_677 = arith.addf %get3A_671, %get3A_676 : vector<16xf32>
        %get3A_678 = arith.constant 50 : i32
        %get3A_679 = arith.index_cast %get3A_678 : i32 to index
        %get3A_680 = arith.index_cast %add3A_284 : i32 to index
        %get3A_681 = tpu.vector_load %arg4[%get3A_679, %get3A_680] {strides = array<i32>} : memref<64x512xf32, #tpu.memory_space<vmem>>, vector<1x16xf32>,
        %get3A_682 = vector.shape_cast %get3A_681 : vector<1x16xf32> to vector<16xf32>
        %add3A_683 = arith.addf %add3A_677, %get3A_682 : vector<16xf32>
        %get3A_684 = arith.constant 51 : i32
        %get3A_685 = arith.index_cast %get3A_684 : i32 to index
        %get3A_686 = arith.index_cast %add3A_284 : i32 to index
        %get3A_687 = tpu.vector_load %arg4[%get3A_685, %get3A_686] {strides = array<i32>} : memref<64x512xf32, #tpu.memory_space<vmem>>, vector<1x16xf32>,
        %get3A_688 = vector.shape_cast %get3A_687 : vector<1x16xf32> to vector<16xf32>
        %add3A_689 = arith.addf %add3A_683, %get3A_688 : vector<16xf32>
        %mul3A_690 = arith.constant 2.500000e-01 : f32
        %mul3A_691 = vector.broadcast %mul3A_690 : f32 to vector<16xf32>
        %mul3A_692 = arith.mulf %add3A_689, %mul3A_691 : vector<16xf32>
        %swap3A_693 = arith.constant 12 : i32
        %swap3A_694 = arith.index_cast %swap3A_693 : i32 to index
        %swap3A_695 = arith.index_cast %add3A_284 : i32 to index
        %swap3A_696 = tpu.vector_load %arg6[%swap3A_694, %swap3A_695] {strides = array<i32>} : memref<16x512xf32, #tpu.memory_space<vmem>>, vector<1x16xf32>,
        %swap3A_697 = vector.shape_cast %swap3A_696 : vector<1x16xf32> to vector<16xf32>
        %swap3A_698 = vector.shape_cast %mul3A_692 : vector<16xf32> to vector<1x16xf32>
        tpu.vector_store %arg6[%swap3A_694, %swap3A_695], %swap3A_698 {strides = array<i32>} : memref<16x512xf32, #tpu.memory_space<vmem>>, vector<1x16xf32>,
        %get3A_699 = arith.constant 52 : i32
        %get3A_700 = arith.index_cast %get3A_699 : i32 to index
        %get3A_701 = arith.index_cast %add3A_284 : i32 to index
        %get3A_702 = tpu.vector_load %arg4[%get3A_700, %get3A_701] {strides = array<i32>} : memref<64x512xf32, #tpu.memory_space<vmem>>, vector<1x16xf32>,
        %get3A_703 = vector.shape_cast %get3A_702 : vector<1x16xf32> to vector<16xf32>
        %get3A_704 = arith.constant 53 : i32
        %get3A_705 = arith.index_cast %get3A_704 : i32 to index
        %get3A_706 = arith.index_cast %add3A_284 : i32 to index
        %get3A_707 = tpu.vector_load %arg4[%get3A_705, %get3A_706] {strides = array<i32>} : memref<64x512xf32, #tpu.memory_space<vmem>>, vector<1x16xf32>,
        %get3A_708 = vector.shape_cast %get3A_707 : vector<1x16xf32> to vector<16xf32>
        %add3A_709 = arith.addf %get3A_703, %get3A_708 : vector<16xf32>
        %get3A_710 = arith.constant 54 : i32
        %get3A_711 = arith.index_cast %get3A_710 : i32 to index
        %get3A_712 = arith.index_cast %add3A_284 : i32 to index
        %get3A_713 = tpu.vector_load %arg4[%get3A_711, %get3A_712] {strides = array<i32>} : memref<64x512xf32, #tpu.memory_space<vmem>>, vector<1x16xf32>,
        %get3A_714 = vector.shape_cast %get3A_713 : vector<1x16xf32> to vector<16xf32>
        %add3A_715 = arith.addf %add3A_709, %get3A_714 : vector<16xf32>
        %get3A_716 = arith.constant 55 : i32
        %get3A_717 = arith.index_cast %get3A_716 : i32 to index
        %get3A_718 = arith.index_cast %add3A_284 : i32 to index
        %get3A_719 = tpu.vector_load %arg4[%get3A_717, %get3A_718] {strides = array<i32>} : memref<64x512xf32, #tpu.memory_space<vmem>>, vector<1x16xf32>,
        %get3A_720 = vector.shape_cast %get3A_719 : vector<1x16xf32> to vector<16xf32>
        %add3A_721 = arith.addf %add3A_715, %get3A_720 : vector<16xf32>
        %mul3A_722 = arith.constant 2.500000e-01 : f32
        %mul3A_723 = vector.broadcast %mul3A_722 : f32 to vector<16xf32>
        %mul3A_724 = arith.mulf %add3A_721, %mul3A_723 : vector<16xf32>
        %swap3A_725 = arith.constant 13 : i32
        %swap3A_726 = arith.index_cast %swap3A_725 : i32 to index
        %swap3A_727 = arith.index_cast %add3A_284 : i32 to index
        %swap3A_728 = tpu.vector_load %arg6[%swap3A_726, %swap3A_727] {strides = array<i32>} : memref<16x512xf32, #tpu.memory_space<vmem>>, vector<1x16xf32>,
        %swap3A_729 = vector.shape_cast %swap3A_728 : vector<1x16xf32> to vector<16xf32>
        %swap3A_730 = vector.shape_cast %mul3A_724 : vector<16xf32> to vector<1x16xf32>
        tpu.vector_store %arg6[%swap3A_726, %swap3A_727], %swap3A_730 {strides = array<i32>} : memref<16x512xf32, #tpu.memory_space<vmem>>, vector<1x16xf32>,
        %get3A_731 = arith.constant 56 : i32
        %get3A_732 = arith.index_cast %get3A_731 : i32 to index
        %get3A_733 = arith.index_cast %add3A_284 : i32 to index
        %get3A_734 = tpu.vector_load %arg4[%get3A_732, %get3A_733] {strides = array<i32>} : memref<64x512xf32, #tpu.memory_space<vmem>>, vector<1x16xf32>,
        %get3A_735 = vector.shape_cast %get3A_734 : vector<1x16xf32> to vector<16xf32>
        %get3A_736 = arith.constant 57 : i32
        %get3A_737 = arith.index_cast %get3A_736 : i32 to index
        %get3A_738 = arith.index_cast %add3A_284 : i32 to index
        %get3A_739 = tpu.vector_load %arg4[%get3A_737, %get3A_738] {strides = array<i32>} : memref<64x512xf32, #tpu.memory_space<vmem>>, vector<1x16xf32>,
        %get3A_740 = vector.shape_cast %get3A_739 : vector<1x16xf32> to vector<16xf32>
        %add3A_741 = arith.addf %get3A_735, %get3A_740 : vector<16xf32>
        %get3A_742 = arith.constant 58 : i32
        %get3A_743 = arith.index_cast %get3A_742 : i32 to index
        %get3A_744 = arith.index_cast %add3A_284 : i32 to index
        %get3A_745 = tpu.vector_load %arg4[%get3A_743, %get3A_744] {strides = array<i32>} : memref<64x512xf32, #tpu.memory_space<vmem>>, vector<1x16xf32>,
        %get3A_746 = vector.shape_cast %get3A_745 : vector<1x16xf32> to vector<16xf32>
        %add3A_747 = arith.addf %add3A_741, %get3A_746 : vector<16xf32>
        %get3A_748 = arith.constant 59 : i32
        %get3A_749 = arith.index_cast %get3A_748 : i32 to index
        %get3A_750 = arith.index_cast %add3A_284 : i32 to index
        %get3A_751 = tpu.vector_load %arg4[%get3A_749, %get3A_750] {strides = array<i32>} : memref<64x512xf32, #tpu.memory_space<vmem>>, vector<1x16xf32>,
        %get3A_752 = vector.shape_cast %get3A_751 : vector<1x16xf32> to vector<16xf32>
        %add3A_753 = arith.addf %add3A_747, %get3A_752 : vector<16xf32>
        %mul3A_754 = arith.constant 2.500000e-01 : f32
        %mul3A_755 = vector.broadcast %mul3A_754 : f32 to vector<16xf32>
        %mul3A_756 = arith.mulf %add3A_753, %mul3A_755 : vector<16xf32>
        %swap3A_757 = arith.constant 14 : i32
        %swap3A_758 = arith.index_cast %swap3A_757 : i32 to index
        %swap3A_759 = arith.index_cast %add3A_284 : i32 to index
        %swap3A_760 = tpu.vector_load %arg6[%swap3A_758, %swap3A_759] {strides = array<i32>} : memref<16x512xf32, #tpu.memory_space<vmem>>, vector<1x16xf32>,
        %swap3A_761 = vector.shape_cast %swap3A_760 : vector<1x16xf32> to vector<16xf32>
        %swap3A_762 = vector.shape_cast %mul3A_756 : vector<16xf32> to vector<1x16xf32>
        tpu.vector_store %arg6[%swap3A_758, %swap3A_759], %swap3A_762 {strides = array<i32>} : memref<16x512xf32, #tpu.memory_space<vmem>>, vector<1x16xf32>,
        %get3A_763 = arith.constant 60 : i32
        %get3A_764 = arith.index_cast %get3A_763 : i32 to index
        %get3A_765 = arith.index_cast %add3A_284 : i32 to index
        %get3A_766 = tpu.vector_load %arg4[%get3A_764, %get3A_765] {strides = array<i32>} : memref<64x512xf32, #tpu.memory_space<vmem>>, vector<1x16xf32>,
        %get3A_767 = vector.shape_cast %get3A_766 : vector<1x16xf32> to vector<16xf32>
        %get3A_768 = arith.constant 61 : i32
        %get3A_769 = arith.index_cast %get3A_768 : i32 to index
        %get3A_770 = arith.index_cast %add3A_284 : i32 to index
        %get3A_771 = tpu.vector_load %arg4[%get3A_769, %get3A_770] {strides = array<i32>} : memref<64x512xf32, #tpu.memory_space<vmem>>, vector<1x16xf32>,
        %get3A_772 = vector.shape_cast %get3A_771 : vector<1x16xf32> to vector<16xf32>
        %add3A_773 = arith.addf %get3A_767, %get3A_772 : vector<16xf32>
        %get3A_774 = arith.constant 62 : i32
        %get3A_775 = arith.index_cast %get3A_774 : i32 to index
        %get3A_776 = arith.index_cast %add3A_284 : i32 to index
        %get3A_777 = tpu.vector_load %arg4[%get3A_775, %get3A_776] {strides = array<i32>} : memref<64x512xf32, #tpu.memory_space<vmem>>, vector<1x16xf32>,
        %get3A_778 = vector.shape_cast %get3A_777 : vector<1x16xf32> to vector<16xf32>
        %add3A_779 = arith.addf %add3A_773, %get3A_778 : vector<16xf32>
        %get3A_780 = arith.constant 63 : i32
        %get3A_781 = arith.index_cast %get3A_780 : i32 to index
        %get3A_782 = arith.index_cast %add3A_284 : i32 to index
        %get3A_783 = tpu.vector_load %arg4[%get3A_781, %get3A_782] {strides = array<i32>} : memref<64x512xf32, #tpu.memory_space<vmem>>, vector<1x16xf32>,
        %get3A_784 = vector.shape_cast %get3A_783 : vector<1x16xf32> to vector<16xf32>
        %add3A_785 = arith.addf %add3A_779, %get3A_784 : vector<16xf32>
        %mul3A_786 = arith.constant 2.500000e-01 : f32
        %mul3A_787 = vector.broadcast %mul3A_786 : f32 to vector<16xf32>
        %mul3A_788 = arith.mulf %add3A_785, %mul3A_787 : vector<16xf32>
        %swap3A_789 = arith.constant 15 : i32
        %swap3A_790 = arith.index_cast %swap3A_789 : i32 to index
        %swap3A_791 = arith.index_cast %add3A_284 : i32 to index
        %swap3A_792 = tpu.vector_load %arg6[%swap3A_790, %swap3A_791] {strides = array<i32>} : memref<16x512xf32, #tpu.memory_space<vmem>>, vector<1x16xf32>,
        %swap3A_793 = vector.shape_cast %swap3A_792 : vector<1x16xf32> to vector<16xf32>
        %swap3A_794 = vector.shape_cast %mul3A_788 : vector<16xf32> to vector<1x16xf32>
        tpu.vector_store %arg6[%swap3A_790, %swap3A_791], %swap3A_794 {strides = array<i32>} : memref<16x512xf32, #tpu.memory_space<vmem>>, vector<1x16xf32>,
        %mul3A_795 = arith.constant 32 : i32
        %mul3A_796 = arith.muli %scan3A_280, %mul3A_795 : i32
        %add3A_797 = arith.constant 16 : i32
        %add3A_798 = arith.addi %mul3A_796, %add3A_797 : i32
        %get3A_799 = arith.constant 0 : i32
        %get3A_800 = arith.index_cast %get3A_799 : i32 to index
        %get3A_801 = arith.index_cast %add3A_798 : i32 to index
        %get3A_802 = tpu.vector_load %arg4[%get3A_800, %get3A_801] {strides = array<i32>} : memref<64x512xf32, #tpu.memory_space<vmem>>, vector<1x16xf32>,
        %get3A_803 = vector.shape_cast %get3A_802 : vector<1x16xf32> to vector<16xf32>
        %get3A_804 = arith.constant 1 : i32
        %get3A_805 = arith.index_cast %get3A_804 : i32 to index
        %get3A_806 = arith.index_cast %add3A_798 : i32 to index
        %get3A_807 = tpu.vector_load %arg4[%get3A_805, %get3A_806] {strides = array<i32>} : memref<64x512xf32, #tpu.memory_space<vmem>>, vector<1x16xf32>,
        %get3A_808 = vector.shape_cast %get3A_807 : vector<1x16xf32> to vector<16xf32>
        %add3A_809 = arith.addf %get3A_803, %get3A_808 : vector<16xf32>
        %get3A_810 = arith.constant 2 : i32
        %get3A_811 = arith.index_cast %get3A_810 : i32 to index
        %get3A_812 = arith.index_cast %add3A_798 : i32 to index
        %get3A_813 = tpu.vector_load %arg4[%get3A_811, %get3A_812] {strides = array<i32>} : memref<64x512xf32, #tpu.memory_space<vmem>>, vector<1x16xf32>,
        %get3A_814 = vector.shape_cast %get3A_813 : vector<1x16xf32> to vector<16xf32>
        %add3A_815 = arith.addf %add3A_809, %get3A_814 : vector<16xf32>
        %get3A_816 = arith.constant 3 : i32
        %get3A_817 = arith.index_cast %get3A_816 : i32 to index
        %get3A_818 = arith.index_cast %add3A_798 : i32 to index
        %get3A_819 = tpu.vector_load %arg4[%get3A_817, %get3A_818] {strides = array<i32>} : memref<64x512xf32, #tpu.memory_space<vmem>>, vector<1x16xf32>,
        %get3A_820 = vector.shape_cast %get3A_819 : vector<1x16xf32> to vector<16xf32>
        %add3A_821 = arith.addf %add3A_815, %get3A_820 : vector<16xf32>
        %mul3A_822 = arith.constant 2.500000e-01 : f32
        %mul3A_823 = vector.broadcast %mul3A_822 : f32 to vector<16xf32>
        %mul3A_824 = arith.mulf %add3A_821, %mul3A_823 : vector<16xf32>
        %swap3A_825 = arith.constant 0 : i32
        %swap3A_826 = arith.index_cast %swap3A_825 : i32 to index
        %swap3A_827 = arith.index_cast %add3A_798 : i32 to index
        %swap3A_828 = tpu.vector_load %arg6[%swap3A_826, %swap3A_827] {strides = array<i32>} : memref<16x512xf32, #tpu.memory_space<vmem>>, vector<1x16xf32>,
        %swap3A_829 = vector.shape_cast %swap3A_828 : vector<1x16xf32> to vector<16xf32>
        %swap3A_830 = vector.shape_cast %mul3A_824 : vector<16xf32> to vector<1x16xf32>
        tpu.vector_store %arg6[%swap3A_826, %swap3A_827], %swap3A_830 {strides = array<i32>} : memref<16x512xf32, #tpu.memory_space<vmem>>, vector<1x16xf32>,
        %get3A_831 = arith.constant 4 : i32
        %get3A_832 = arith.index_cast %get3A_831 : i32 to index
        %get3A_833 = arith.index_cast %add3A_798 : i32 to index
        %get3A_834 = tpu.vector_load %arg4[%get3A_832, %get3A_833] {strides = array<i32>} : memref<64x512xf32, #tpu.memory_space<vmem>>, vector<1x16xf32>,
        %get3A_835 = vector.shape_cast %get3A_834 : vector<1x16xf32> to vector<16xf32>
        %get3A_836 = arith.constant 5 : i32
        %get3A_837 = arith.index_cast %get3A_836 : i32 to index
        %get3A_838 = arith.index_cast %add3A_798 : i32 to index
        %get3A_839 = tpu.vector_load %arg4[%get3A_837, %get3A_838] {strides = array<i32>} : memref<64x512xf32, #tpu.memory_space<vmem>>, vector<1x16xf32>,
        %get3A_840 = vector.shape_cast %get3A_839 : vector<1x16xf32> to vector<16xf32>
        %add3A_841 = arith.addf %get3A_835, %get3A_840 : vector<16xf32>
        %get3A_842 = arith.constant 6 : i32
        %get3A_843 = arith.index_cast %get3A_842 : i32 to index
        %get3A_844 = arith.index_cast %add3A_798 : i32 to index
        %get3A_845 = tpu.vector_load %arg4[%get3A_843, %get3A_844] {strides = array<i32>} : memref<64x512xf32, #tpu.memory_space<vmem>>, vector<1x16xf32>,
        %get3A_846 = vector.shape_cast %get3A_845 : vector<1x16xf32> to vector<16xf32>
        %add3A_847 = arith.addf %add3A_841, %get3A_846 : vector<16xf32>
        %get3A_848 = arith.constant 7 : i32
        %get3A_849 = arith.index_cast %get3A_848 : i32 to index
        %get3A_850 = arith.index_cast %add3A_798 : i32 to index
        %get3A_851 = tpu.vector_load %arg4[%get3A_849, %get3A_850] {strides = array<i32>} : memref<64x512xf32, #tpu.memory_space<vmem>>, vector<1x16xf32>,
        %get3A_852 = vector.shape_cast %get3A_851 : vector<1x16xf32> to vector<16xf32>
        %add3A_853 = arith.addf %add3A_847, %get3A_852 : vector<16xf32>
        %mul3A_854 = arith.constant 2.500000e-01 : f32
        %mul3A_855 = vector.broadcast %mul3A_854 : f32 to vector<16xf32>
        %mul3A_856 = arith.mulf %add3A_853, %mul3A_855 : vector<16xf32>
        %swap3A_857 = arith.constant 1 : i32
        %swap3A_858 = arith.index_cast %swap3A_857 : i32 to index
        %swap3A_859 = arith.index_cast %add3A_798 : i32 to index
        %swap3A_860 = tpu.vector_load %arg6[%swap3A_858, %swap3A_859] {strides = array<i32>} : memref<16x512xf32, #tpu.memory_space<vmem>>, vector<1x16xf32>,
        %swap3A_861 = vector.shape_cast %swap3A_860 : vector<1x16xf32> to vector<16xf32>
        %swap3A_862 = vector.shape_cast %mul3A_856 : vector<16xf32> to vector<1x16xf32>
        tpu.vector_store %arg6[%swap3A_858, %swap3A_859], %swap3A_862 {strides = array<i32>} : memref<16x512xf32, #tpu.memory_space<vmem>>, vector<1x16xf32>,
        %get3A_863 = arith.constant 8 : i32
        %get3A_864 = arith.index_cast %get3A_863 : i32 to index
        %get3A_865 = arith.index_cast %add3A_798 : i32 to index
        %get3A_866 = tpu.vector_load %arg4[%get3A_864, %get3A_865] {strides = array<i32>} : memref<64x512xf32, #tpu.memory_space<vmem>>, vector<1x16xf32>,
        %get3A_867 = vector.shape_cast %get3A_866 : vector<1x16xf32> to vector<16xf32>
        %get3A_868 = arith.constant 9 : i32
        %get3A_869 = arith.index_cast %get3A_868 : i32 to index
        %get3A_870 = arith.index_cast %add3A_798 : i32 to index
        %get3A_871 = tpu.vector_load %arg4[%get3A_869, %get3A_870] {strides = array<i32>} : memref<64x512xf32, #tpu.memory_space<vmem>>, vector<1x16xf32>,
        %get3A_872 = vector.shape_cast %get3A_871 : vector<1x16xf32> to vector<16xf32>
        %add3A_873 = arith.addf %get3A_867, %get3A_872 : vector<16xf32>
        %get3A_874 = arith.constant 10 : i32
        %get3A_875 = arith.index_cast %get3A_874 : i32 to index
        %get3A_876 = arith.index_cast %add3A_798 : i32 to index
        %get3A_877 = tpu.vector_load %arg4[%get3A_875, %get3A_876] {strides = array<i32>} : memref<64x512xf32, #tpu.memory_space<vmem>>, vector<1x16xf32>,
        %get3A_878 = vector.shape_cast %get3A_877 : vector<1x16xf32> to vector<16xf32>
        %add3A_879 = arith.addf %add3A_873, %get3A_878 : vector<16xf32>
        %get3A_880 = arith.constant 11 : i32
        %get3A_881 = arith.index_cast %get3A_880 : i32 to index
        %get3A_882 = arith.index_cast %add3A_798 : i32 to index
        %get3A_883 = tpu.vector_load %arg4[%get3A_881, %get3A_882] {strides = array<i32>} : memref<64x512xf32, #tpu.memory_space<vmem>>, vector<1x16xf32>,
        %get3A_884 = vector.shape_cast %get3A_883 : vector<1x16xf32> to vector<16xf32>
        %add3A_885 = arith.addf %add3A_879, %get3A_884 : vector<16xf32>
        %mul3A_886 = arith.constant 2.500000e-01 : f32
        %mul3A_887 = vector.broadcast %mul3A_886 : f32 to vector<16xf32>
        %mul3A_888 = arith.mulf %add3A_885, %mul3A_887 : vector<16xf32>
        %swap3A_889 = arith.constant 2 : i32
        %swap3A_890 = arith.index_cast %swap3A_889 : i32 to index
        %swap3A_891 = arith.index_cast %add3A_798 : i32 to index
        %swap3A_892 = tpu.vector_load %arg6[%swap3A_890, %swap3A_891] {strides = array<i32>} : memref<16x512xf32, #tpu.memory_space<vmem>>, vector<1x16xf32>,
        %swap3A_893 = vector.shape_cast %swap3A_892 : vector<1x16xf32> to vector<16xf32>
        %swap3A_894 = vector.shape_cast %mul3A_888 : vector<16xf32> to vector<1x16xf32>
        tpu.vector_store %arg6[%swap3A_890, %swap3A_891], %swap3A_894 {strides = array<i32>} : memref<16x512xf32, #tpu.memory_space<vmem>>, vector<1x16xf32>,
        %get3A_895 = arith.constant 12 : i32
        %get3A_896 = arith.index_cast %get3A_895 : i32 to index
        %get3A_897 = arith.index_cast %add3A_798 : i32 to index
        %get3A_898 = tpu.vector_load %arg4[%get3A_896, %get3A_897] {strides = array<i32>} : memref<64x512xf32, #tpu.memory_space<vmem>>, vector<1x16xf32>,
        %get3A_899 = vector.shape_cast %get3A_898 : vector<1x16xf32> to vector<16xf32>
        %get3A_900 = arith.constant 13 : i32
        %get3A_901 = arith.index_cast %get3A_900 : i32 to index
        %get3A_902 = arith.index_cast %add3A_798 : i32 to index
        %get3A_903 = tpu.vector_load %arg4[%get3A_901, %get3A_902] {strides = array<i32>} : memref<64x512xf32, #tpu.memory_space<vmem>>, vector<1x16xf32>,
        %get3A_904 = vector.shape_cast %get3A_903 : vector<1x16xf32> to vector<16xf32>
        %add3A_905 = arith.addf %get3A_899, %get3A_904 : vector<16xf32>
        %get3A_906 = arith.constant 14 : i32
        %get3A_907 = arith.index_cast %get3A_906 : i32 to index
        %get3A_908 = arith.index_cast %add3A_798 : i32 to index
        %get3A_909 = tpu.vector_load %arg4[%get3A_907, %get3A_908] {strides = array<i32>} : memref<64x512xf32, #tpu.memory_space<vmem>>, vector<1x16xf32>,
        %get3A_910 = vector.shape_cast %get3A_909 : vector<1x16xf32> to vector<16xf32>
        %add3A_911 = arith.addf %add3A_905, %get3A_910 : vector<16xf32>
        %get3A_912 = arith.constant 15 : i32
        %get3A_913 = arith.index_cast %get3A_912 : i32 to index
        %get3A_914 = arith.index_cast %add3A_798 : i32 to index
        %get3A_915 = tpu.vector_load %arg4[%get3A_913, %get3A_914] {strides = array<i32>} : memref<64x512xf32, #tpu.memory_space<vmem>>, vector<1x16xf32>,
        %get3A_916 = vector.shape_cast %get3A_915 : vector<1x16xf32> to vector<16xf32>
        %add3A_917 = arith.addf %add3A_911, %get3A_916 : vector<16xf32>
        %mul3A_918 = arith.constant 2.500000e-01 : f32
        %mul3A_919 = vector.broadcast %mul3A_918 : f32 to vector<16xf32>
        %mul3A_920 = arith.mulf %add3A_917, %mul3A_919 : vector<16xf32>
        %swap3A_921 = arith.constant 3 : i32
        %swap3A_922 = arith.index_cast %swap3A_921 : i32 to index
        %swap3A_923 = arith.index_cast %add3A_798 : i32 to index
        %swap3A_924 = tpu.vector_load %arg6[%swap3A_922, %swap3A_923] {strides = array<i32>} : memref<16x512xf32, #tpu.memory_space<vmem>>, vector<1x16xf32>,
        %swap3A_925 = vector.shape_cast %swap3A_924 : vector<1x16xf32> to vector<16xf32>
        %swap3A_926 = vector.shape_cast %mul3A_920 : vector<16xf32> to vector<1x16xf32>
        tpu.vector_store %arg6[%swap3A_922, %swap3A_923], %swap3A_926 {strides = array<i32>} : memref<16x512xf32, #tpu.memory_space<vmem>>, vector<1x16xf32>,
        %get3A_927 = arith.constant 16 : i32
        %get3A_928 = arith.index_cast %get3A_927 : i32 to index
        %get3A_929 = arith.index_cast %add3A_798 : i32 to index
        %get3A_930 = tpu.vector_load %arg4[%get3A_928, %get3A_929] {strides = array<i32>} : memref<64x512xf32, #tpu.memory_space<vmem>>, vector<1x16xf32>,
        %get3A_931 = vector.shape_cast %get3A_930 : vector<1x16xf32> to vector<16xf32>
        %get3A_932 = arith.constant 17 : i32
        %get3A_933 = arith.index_cast %get3A_932 : i32 to index
        %get3A_934 = arith.index_cast %add3A_798 : i32 to index
        %get3A_935 = tpu.vector_load %arg4[%get3A_933, %get3A_934] {strides = array<i32>} : memref<64x512xf32, #tpu.memory_space<vmem>>, vector<1x16xf32>,
        %get3A_936 = vector.shape_cast %get3A_935 : vector<1x16xf32> to vector<16xf32>
        %add3A_937 = arith.addf %get3A_931, %get3A_936 : vector<16xf32>
        %get3A_938 = arith.constant 18 : i32
        %get3A_939 = arith.index_cast %get3A_938 : i32 to index
        %get3A_940 = arith.index_cast %add3A_798 : i32 to index
        %get3A_941 = tpu.vector_load %arg4[%get3A_939, %get3A_940] {strides = array<i32>} : memref<64x512xf32, #tpu.memory_space<vmem>>, vector<1x16xf32>,
        %get3A_942 = vector.shape_cast %get3A_941 : vector<1x16xf32> to vector<16xf32>
        %add3A_943 = arith.addf %add3A_937, %get3A_942 : vector<16xf32>
        %get3A_944 = arith.constant 19 : i32
        %get3A_945 = arith.index_cast %get3A_944 : i32 to index
        %get3A_946 = arith.index_cast %add3A_798 : i32 to index
        %get3A_947 = tpu.vector_load %arg4[%get3A_945, %get3A_946] {strides = array<i32>} : memref<64x512xf32, #tpu.memory_space<vmem>>, vector<1x16xf32>,
        %get3A_948 = vector.shape_cast %get3A_947 : vector<1x16xf32> to vector<16xf32>
        %add3A_949 = arith.addf %add3A_943, %get3A_948 : vector<16xf32>
        %mul3A_950 = arith.constant 2.500000e-01 : f32
        %mul3A_951 = vector.broadcast %mul3A_950 : f32 to vector<16xf32>
        %mul3A_952 = arith.mulf %add3A_949, %mul3A_951 : vector<16xf32>
        %swap3A_953 = arith.constant 4 : i32
        %swap3A_954 = arith.index_cast %swap3A_953 : i32 to index
        %swap3A_955 = arith.index_cast %add3A_798 : i32 to index
        %swap3A_956 = tpu.vector_load %arg6[%swap3A_954, %swap3A_955] {strides = array<i32>} : memref<16x512xf32, #tpu.memory_space<vmem>>, vector<1x16xf32>,
        %swap3A_957 = vector.shape_cast %swap3A_956 : vector<1x16xf32> to vector<16xf32>
        %swap3A_958 = vector.shape_cast %mul3A_952 : vector<16xf32> to vector<1x16xf32>
        tpu.vector_store %arg6[%swap3A_954, %swap3A_955], %swap3A_958 {strides = array<i32>} : memref<16x512xf32, #tpu.memory_space<vmem>>, vector<1x16xf32>,
        %get3A_959 = arith.constant 20 : i32
        %get3A_960 = arith.index_cast %get3A_959 : i32 to index
        %get3A_961 = arith.index_cast %add3A_798 : i32 to index
        %get3A_962 = tpu.vector_load %arg4[%get3A_960, %get3A_961] {strides = array<i32>} : memref<64x512xf32, #tpu.memory_space<vmem>>, vector<1x16xf32>,
        %get3A_963 = vector.shape_cast %get3A_962 : vector<1x16xf32> to vector<16xf32>
        %get3A_964 = arith.constant 21 : i32
        %get3A_965 = arith.index_cast %get3A_964 : i32 to index
        %get3A_966 = arith.index_cast %add3A_798 : i32 to index
        %get3A_967 = tpu.vector_load %arg4[%get3A_965, %get3A_966] {strides = array<i32>} : memref<64x512xf32, #tpu.memory_space<vmem>>, vector<1x16xf32>,
        %get3A_968 = vector.shape_cast %get3A_967 : vector<1x16xf32> to vector<16xf32>
        %add3A_969 = arith.addf %get3A_963, %get3A_968 : vector<16xf32>
        %get3A_970 = arith.constant 22 : i32
        %get3A_971 = arith.index_cast %get3A_970 : i32 to index
        %get3A_972 = arith.index_cast %add3A_798 : i32 to index
        %get3A_973 = tpu.vector_load %arg4[%get3A_971, %get3A_972] {strides = array<i32>} : memref<64x512xf32, #tpu.memory_space<vmem>>, vector<1x16xf32>,
        %get3A_974 = vector.shape_cast %get3A_973 : vector<1x16xf32> to vector<16xf32>
        %add3A_975 = arith.addf %add3A_969, %get3A_974 : vector<16xf32>
        %get3A_976 = arith.constant 23 : i32
        %get3A_977 = arith.index_cast %get3A_976 : i32 to index
        %get3A_978 = arith.index_cast %add3A_798 : i32 to index
        %get3A_979 = tpu.vector_load %arg4[%get3A_977, %get3A_978] {strides = array<i32>} : memref<64x512xf32, #tpu.memory_space<vmem>>, vector<1x16xf32>,
        %get3A_980 = vector.shape_cast %get3A_979 : vector<1x16xf32> to vector<16xf32>
        %add3A_981 = arith.addf %add3A_975, %get3A_980 : vector<16xf32>
        %mul3A_982 = arith.constant 2.500000e-01 : f32
        %mul3A_983 = vector.broadcast %mul3A_982 : f32 to vector<16xf32>
        %mul3A_984 = arith.mulf %add3A_981, %mul3A_983 : vector<16xf32>
        %swap3A_985 = arith.constant 5 : i32
        %swap3A_986 = arith.index_cast %swap3A_985 : i32 to index
        %swap3A_987 = arith.index_cast %add3A_798 : i32 to index
        %swap3A_988 = tpu.vector_load %arg6[%swap3A_986, %swap3A_987] {strides = array<i32>} : memref<16x512xf32, #tpu.memory_space<vmem>>, vector<1x16xf32>,
        %swap3A_989 = vector.shape_cast %swap3A_988 : vector<1x16xf32> to vector<16xf32>
        %swap3A_990 = vector.shape_cast %mul3A_984 : vector<16xf32> to vector<1x16xf32>
        tpu.vector_store %arg6[%swap3A_986, %swap3A_987], %swap3A_990 {strides = array<i32>} : memref<16x512xf32, #tpu.memory_space<vmem>>, vector<1x16xf32>,
        %get3A_991 = arith.constant 24 : i32
        %get3A_992 = arith.index_cast %get3A_991 : i32 to index
        %get3A_993 = arith.index_cast %add3A_798 : i32 to index
        %get3A_994 = tpu.vector_load %arg4[%get3A_992, %get3A_993] {strides = array<i32>} : memref<64x512xf32, #tpu.memory_space<vmem>>, vector<1x16xf32>,
        %get3A_995 = vector.shape_cast %get3A_994 : vector<1x16xf32> to vector<16xf32>
        %get3A_996 = arith.constant 25 : i32
        %get3A_997 = arith.index_cast %get3A_996 : i32 to index
        %get3A_998 = arith.index_cast %add3A_798 : i32 to index
        %get3A_999 = tpu.vector_load %arg4[%get3A_997, %get3A_998] {strides = array<i32>} : memref<64x512xf32, #tpu.memory_space<vmem>>, vector<1x16xf32>,
        %get3A_1000 = vector.shape_cast %get3A_999 : vector<1x16xf32> to vector<16xf32>
        %add3A_1001 = arith.addf %get3A_995, %get3A_1000 : vector<16xf32>
        %get3A_1002 = arith.constant 26 : i32
        %get3A_1003 = arith.index_cast %get3A_1002 : i32 to index
        %get3A_1004 = arith.index_cast %add3A_798 : i32 to index
        %get3A_1005 = tpu.vector_load %arg4[%get3A_1003, %get3A_1004] {strides = array<i32>} : memref<64x512xf32, #tpu.memory_space<vmem>>, vector<1x16xf32>,
        %get3A_1006 = vector.shape_cast %get3A_1005 : vector<1x16xf32> to vector<16xf32>
        %add3A_1007 = arith.addf %add3A_1001, %get3A_1006 : vector<16xf32>
        %get3A_1008 = arith.constant 27 : i32
        %get3A_1009 = arith.index_cast %get3A_1008 : i32 to index
        %get3A_1010 = arith.index_cast %add3A_798 : i32 to index
        %get3A_1011 = tpu.vector_load %arg4[%get3A_1009, %get3A_1010] {strides = array<i32>} : memref<64x512xf32, #tpu.memory_space<vmem>>, vector<1x16xf32>,
        %get3A_1012 = vector.shape_cast %get3A_1011 : vector<1x16xf32> to vector<16xf32>
        %add3A_1013 = arith.addf %add3A_1007, %get3A_1012 : vector<16xf32>
        %mul3A_1014 = arith.constant 2.500000e-01 : f32
        %mul3A_1015 = vector.broadcast %mul3A_1014 : f32 to vector<16xf32>
        %mul3A_1016 = arith.mulf %add3A_1013, %mul3A_1015 : vector<16xf32>
        %swap3A_1017 = arith.constant 6 : i32
        %swap3A_1018 = arith.index_cast %swap3A_1017 : i32 to index
        %swap3A_1019 = arith.index_cast %add3A_798 : i32 to index
        %swap3A_1020 = tpu.vector_load %arg6[%swap3A_1018, %swap3A_1019] {strides = array<i32>} : memref<16x512xf32, #tpu.memory_space<vmem>>, vector<1x16xf32>,
        %swap3A_1021 = vector.shape_cast %swap3A_1020 : vector<1x16xf32> to vector<16xf32>
        %swap3A_1022 = vector.shape_cast %mul3A_1016 : vector<16xf32> to vector<1x16xf32>
        tpu.vector_store %arg6[%swap3A_1018, %swap3A_1019], %swap3A_1022 {strides = array<i32>} : memref<16x512xf32, #tpu.memory_space<vmem>>, vector<1x16xf32>,
        %get3A_1023 = arith.constant 28 : i32
        %get3A_1024 = arith.index_cast %get3A_1023 : i32 to index
        %get3A_1025 = arith.index_cast %add3A_798 : i32 to index
        %get3A_1026 = tpu.vector_load %arg4[%get3A_1024, %get3A_1025] {strides = array<i32>} : memref<64x512xf32, #tpu.memory_space<vmem>>, vector<1x16xf32>,
        %get3A_1027 = vector.shape_cast %get3A_1026 : vector<1x16xf32> to vector<16xf32>
        %get3A_1028 = arith.constant 29 : i32
        %get3A_1029 = arith.index_cast %get3A_1028 : i32 to index
        %get3A_1030 = arith.index_cast %add3A_798 : i32 to index
        %get3A_1031 = tpu.vector_load %arg4[%get3A_1029, %get3A_1030] {strides = array<i32>} : memref<64x512xf32, #tpu.memory_space<vmem>>, vector<1x16xf32>,
        %get3A_1032 = vector.shape_cast %get3A_1031 : vector<1x16xf32> to vector<16xf32>
        %add3A_1033 = arith.addf %get3A_1027, %get3A_1032 : vector<16xf32>
        %get3A_1034 = arith.constant 30 : i32
        %get3A_1035 = arith.index_cast %get3A_1034 : i32 to index
        %get3A_1036 = arith.index_cast %add3A_798 : i32 to index
        %get3A_1037 = tpu.vector_load %arg4[%get3A_1035, %get3A_1036] {strides = array<i32>} : memref<64x512xf32, #tpu.memory_space<vmem>>, vector<1x16xf32>,
        %get3A_1038 = vector.shape_cast %get3A_1037 : vector<1x16xf32> to vector<16xf32>
        %add3A_1039 = arith.addf %add3A_1033, %get3A_1038 : vector<16xf32>
        %get3A_1040 = arith.constant 31 : i32
        %get3A_1041 = arith.index_cast %get3A_1040 : i32 to index
        %get3A_1042 = arith.index_cast %add3A_798 : i32 to index
        %get3A_1043 = tpu.vector_load %arg4[%get3A_1041, %get3A_1042] {strides = array<i32>} : memref<64x512xf32, #tpu.memory_space<vmem>>, vector<1x16xf32>,
        %get3A_1044 = vector.shape_cast %get3A_1043 : vector<1x16xf32> to vector<16xf32>
        %add3A_1045 = arith.addf %add3A_1039, %get3A_1044 : vector<16xf32>
        %mul3A_1046 = arith.constant 2.500000e-01 : f32
        %mul3A_1047 = vector.broadcast %mul3A_1046 : f32 to vector<16xf32>
        %mul3A_1048 = arith.mulf %add3A_1045, %mul3A_1047 : vector<16xf32>
        %swap3A_1049 = arith.constant 7 : i32
        %swap3A_1050 = arith.index_cast %swap3A_1049 : i32 to index
        %swap3A_1051 = arith.index_cast %add3A_798 : i32 to index
        %swap3A_1052 = tpu.vector_load %arg6[%swap3A_1050, %swap3A_1051] {strides = array<i32>} : memref<16x512xf32, #tpu.memory_space<vmem>>, vector<1x16xf32>,
        %swap3A_1053 = vector.shape_cast %swap3A_1052 : vector<1x16xf32> to vector<16xf32>
        %swap3A_1054 = vector.shape_cast %mul3A_1048 : vector<16xf32> to vector<1x16xf32>
        tpu.vector_store %arg6[%swap3A_1050, %swap3A_1051], %swap3A_1054 {strides = array<i32>} : memref<16x512xf32, #tpu.memory_space<vmem>>, vector<1x16xf32>,
        %get3A_1055 = arith.constant 32 : i32
        %get3A_1056 = arith.index_cast %get3A_1055 : i32 to index
        %get3A_1057 = arith.index_cast %add3A_798 : i32 to index
        %get3A_1058 = tpu.vector_load %arg4[%get3A_1056, %get3A_1057] {strides = array<i32>} : memref<64x512xf32, #tpu.memory_space<vmem>>, vector<1x16xf32>,
        %get3A_1059 = vector.shape_cast %get3A_1058 : vector<1x16xf32> to vector<16xf32>
        %get3A_1060 = arith.constant 33 : i32
        %get3A_1061 = arith.index_cast %get3A_1060 : i32 to index
        %get3A_1062 = arith.index_cast %add3A_798 : i32 to index
        %get3A_1063 = tpu.vector_load %arg4[%get3A_1061, %get3A_1062] {strides = array<i32>} : memref<64x512xf32, #tpu.memory_space<vmem>>, vector<1x16xf32>,
        %get3A_1064 = vector.shape_cast %get3A_1063 : vector<1x16xf32> to vector<16xf32>
        %add3A_1065 = arith.addf %get3A_1059, %get3A_1064 : vector<16xf32>
        %get3A_1066 = arith.constant 34 : i32
        %get3A_1067 = arith.index_cast %get3A_1066 : i32 to index
        %get3A_1068 = arith.index_cast %add3A_798 : i32 to index
        %get3A_1069 = tpu.vector_load %arg4[%get3A_1067, %get3A_1068] {strides = array<i32>} : memref<64x512xf32, #tpu.memory_space<vmem>>, vector<1x16xf32>,
        %get3A_1070 = vector.shape_cast %get3A_1069 : vector<1x16xf32> to vector<16xf32>
        %add3A_1071 = arith.addf %add3A_1065, %get3A_1070 : vector<16xf32>
        %get3A_1072 = arith.constant 35 : i32
        %get3A_1073 = arith.index_cast %get3A_1072 : i32 to index
        %get3A_1074 = arith.index_cast %add3A_798 : i32 to index
        %get3A_1075 = tpu.vector_load %arg4[%get3A_1073, %get3A_1074] {strides = array<i32>} : memref<64x512xf32, #tpu.memory_space<vmem>>, vector<1x16xf32>,
        %get3A_1076 = vector.shape_cast %get3A_1075 : vector<1x16xf32> to vector<16xf32>
        %add3A_1077 = arith.addf %add3A_1071, %get3A_1076 : vector<16xf32>
        %mul3A_1078 = arith.constant 2.500000e-01 : f32
        %mul3A_1079 = vector.broadcast %mul3A_1078 : f32 to vector<16xf32>
        %mul3A_1080 = arith.mulf %add3A_1077, %mul3A_1079 : vector<16xf32>
        %swap3A_1081 = arith.constant 8 : i32
        %swap3A_1082 = arith.index_cast %swap3A_1081 : i32 to index
        %swap3A_1083 = arith.index_cast %add3A_798 : i32 to index
        %swap3A_1084 = tpu.vector_load %arg6[%swap3A_1082, %swap3A_1083] {strides = array<i32>} : memref<16x512xf32, #tpu.memory_space<vmem>>, vector<1x16xf32>,
        %swap3A_1085 = vector.shape_cast %swap3A_1084 : vector<1x16xf32> to vector<16xf32>
        %swap3A_1086 = vector.shape_cast %mul3A_1080 : vector<16xf32> to vector<1x16xf32>
        tpu.vector_store %arg6[%swap3A_1082, %swap3A_1083], %swap3A_1086 {strides = array<i32>} : memref<16x512xf32, #tpu.memory_space<vmem>>, vector<1x16xf32>,
        %get3A_1087 = arith.constant 36 : i32
        %get3A_1088 = arith.index_cast %get3A_1087 : i32 to index
        %get3A_1089 = arith.index_cast %add3A_798 : i32 to index
        %get3A_1090 = tpu.vector_load %arg4[%get3A_1088, %get3A_1089] {strides = array<i32>} : memref<64x512xf32, #tpu.memory_space<vmem>>, vector<1x16xf32>,
        %get3A_1091 = vector.shape_cast %get3A_1090 : vector<1x16xf32> to vector<16xf32>
        %get3A_1092 = arith.constant 37 : i32
        %get3A_1093 = arith.index_cast %get3A_1092 : i32 to index
        %get3A_1094 = arith.index_cast %add3A_798 : i32 to index
        %get3A_1095 = tpu.vector_load %arg4[%get3A_1093, %get3A_1094] {strides = array<i32>} : memref<64x512xf32, #tpu.memory_space<vmem>>, vector<1x16xf32>,
        %get3A_1096 = vector.shape_cast %get3A_1095 : vector<1x16xf32> to vector<16xf32>
        %add3A_1097 = arith.addf %get3A_1091, %get3A_1096 : vector<16xf32>
        %get3A_1098 = arith.constant 38 : i32
        %get3A_1099 = arith.index_cast %get3A_1098 : i32 to index
        %get3A_1100 = arith.index_cast %add3A_798 : i32 to index
        %get3A_1101 = tpu.vector_load %arg4[%get3A_1099, %get3A_1100] {strides = array<i32>} : memref<64x512xf32, #tpu.memory_space<vmem>>, vector<1x16xf32>,
        %get3A_1102 = vector.shape_cast %get3A_1101 : vector<1x16xf32> to vector<16xf32>
        %add3A_1103 = arith.addf %add3A_1097, %get3A_1102 : vector<16xf32>
        %get3A_1104 = arith.constant 39 : i32
        %get3A_1105 = arith.index_cast %get3A_1104 : i32 to index
        %get3A_1106 = arith.index_cast %add3A_798 : i32 to index
        %get3A_1107 = tpu.vector_load %arg4[%get3A_1105, %get3A_1106] {strides = array<i32>} : memref<64x512xf32, #tpu.memory_space<vmem>>, vector<1x16xf32>,
        %get3A_1108 = vector.shape_cast %get3A_1107 : vector<1x16xf32> to vector<16xf32>
        %add3A_1109 = arith.addf %add3A_1103, %get3A_1108 : vector<16xf32>
        %mul3A_1110 = arith.constant 2.500000e-01 : f32
        %mul3A_1111 = vector.broadcast %mul3A_1110 : f32 to vector<16xf32>
        %mul3A_1112 = arith.mulf %add3A_1109, %mul3A_1111 : vector<16xf32>
        %swap3A_1113 = arith.constant 9 : i32
        %swap3A_1114 = arith.index_cast %swap3A_1113 : i32 to index
        %swap3A_1115 = arith.index_cast %add3A_798 : i32 to index
        %swap3A_1116 = tpu.vector_load %arg6[%swap3A_1114, %swap3A_1115] {strides = array<i32>} : memref<16x512xf32, #tpu.memory_space<vmem>>, vector<1x16xf32>,
        %swap3A_1117 = vector.shape_cast %swap3A_1116 : vector<1x16xf32> to vector<16xf32>
        %swap3A_1118 = vector.shape_cast %mul3A_1112 : vector<16xf32> to vector<1x16xf32>
        tpu.vector_store %arg6[%swap3A_1114, %swap3A_1115], %swap3A_1118 {strides = array<i32>} : memref<16x512xf32, #tpu.memory_space<vmem>>, vector<1x16xf32>,
        %get3A_1119 = arith.constant 40 : i32
        %get3A_1120 = arith.index_cast %get3A_1119 : i32 to index
        %get3A_1121 = arith.index_cast %add3A_798 : i32 to index
        %get3A_1122 = tpu.vector_load %arg4[%get3A_1120, %get3A_1121] {strides = array<i32>} : memref<64x512xf32, #tpu.memory_space<vmem>>, vector<1x16xf32>,
        %get3A_1123 = vector.shape_cast %get3A_1122 : vector<1x16xf32> to vector<16xf32>
        %get3A_1124 = arith.constant 41 : i32
        %get3A_1125 = arith.index_cast %get3A_1124 : i32 to index
        %get3A_1126 = arith.index_cast %add3A_798 : i32 to index
        %get3A_1127 = tpu.vector_load %arg4[%get3A_1125, %get3A_1126] {strides = array<i32>} : memref<64x512xf32, #tpu.memory_space<vmem>>, vector<1x16xf32>,
        %get3A_1128 = vector.shape_cast %get3A_1127 : vector<1x16xf32> to vector<16xf32>
        %add3A_1129 = arith.addf %get3A_1123, %get3A_1128 : vector<16xf32>
        %get3A_1130 = arith.constant 42 : i32
        %get3A_1131 = arith.index_cast %get3A_1130 : i32 to index
        %get3A_1132 = arith.index_cast %add3A_798 : i32 to index
        %get3A_1133 = tpu.vector_load %arg4[%get3A_1131, %get3A_1132] {strides = array<i32>} : memref<64x512xf32, #tpu.memory_space<vmem>>, vector<1x16xf32>,
        %get3A_1134 = vector.shape_cast %get3A_1133 : vector<1x16xf32> to vector<16xf32>
        %add3A_1135 = arith.addf %add3A_1129, %get3A_1134 : vector<16xf32>
        %get3A_1136 = arith.constant 43 : i32
        %get3A_1137 = arith.index_cast %get3A_1136 : i32 to index
        %get3A_1138 = arith.index_cast %add3A_798 : i32 to index
        %get3A_1139 = tpu.vector_load %arg4[%get3A_1137, %get3A_1138] {strides = array<i32>} : memref<64x512xf32, #tpu.memory_space<vmem>>, vector<1x16xf32>,
        %get3A_1140 = vector.shape_cast %get3A_1139 : vector<1x16xf32> to vector<16xf32>
        %add3A_1141 = arith.addf %add3A_1135, %get3A_1140 : vector<16xf32>
        %mul3A_1142 = arith.constant 2.500000e-01 : f32
        %mul3A_1143 = vector.broadcast %mul3A_1142 : f32 to vector<16xf32>
        %mul3A_1144 = arith.mulf %add3A_1141, %mul3A_1143 : vector<16xf32>
        %swap3A_1145 = arith.constant 10 : i32
        %swap3A_1146 = arith.index_cast %swap3A_1145 : i32 to index
        %swap3A_1147 = arith.index_cast %add3A_798 : i32 to index
        %swap3A_1148 = tpu.vector_load %arg6[%swap3A_1146, %swap3A_1147] {strides = array<i32>} : memref<16x512xf32, #tpu.memory_space<vmem>>, vector<1x16xf32>,
        %swap3A_1149 = vector.shape_cast %swap3A_1148 : vector<1x16xf32> to vector<16xf32>
        %swap3A_1150 = vector.shape_cast %mul3A_1144 : vector<16xf32> to vector<1x16xf32>
        tpu.vector_store %arg6[%swap3A_1146, %swap3A_1147], %swap3A_1150 {strides = array<i32>} : memref<16x512xf32, #tpu.memory_space<vmem>>, vector<1x16xf32>,
        %get3A_1151 = arith.constant 44 : i32
        %get3A_1152 = arith.index_cast %get3A_1151 : i32 to index
        %get3A_1153 = arith.index_cast %add3A_798 : i32 to index
        %get3A_1154 = tpu.vector_load %arg4[%get3A_1152, %get3A_1153] {strides = array<i32>} : memref<64x512xf32, #tpu.memory_space<vmem>>, vector<1x16xf32>,
        %get3A_1155 = vector.shape_cast %get3A_1154 : vector<1x16xf32> to vector<16xf32>
        %get3A_1156 = arith.constant 45 : i32
        %get3A_1157 = arith.index_cast %get3A_1156 : i32 to index
        %get3A_1158 = arith.index_cast %add3A_798 : i32 to index
        %get3A_1159 = tpu.vector_load %arg4[%get3A_1157, %get3A_1158] {strides = array<i32>} : memref<64x512xf32, #tpu.memory_space<vmem>>, vector<1x16xf32>,
        %get3A_1160 = vector.shape_cast %get3A_1159 : vector<1x16xf32> to vector<16xf32>
        %add3A_1161 = arith.addf %get3A_1155, %get3A_1160 : vector<16xf32>
        %get3A_1162 = arith.constant 46 : i32
        %get3A_1163 = arith.index_cast %get3A_1162 : i32 to index
        %get3A_1164 = arith.index_cast %add3A_798 : i32 to index
        %get3A_1165 = tpu.vector_load %arg4[%get3A_1163, %get3A_1164] {strides = array<i32>} : memref<64x512xf32, #tpu.memory_space<vmem>>, vector<1x16xf32>,
        %get3A_1166 = vector.shape_cast %get3A_1165 : vector<1x16xf32> to vector<16xf32>
        %add3A_1167 = arith.addf %add3A_1161, %get3A_1166 : vector<16xf32>
        %get3A_1168 = arith.constant 47 : i32
        %get3A_1169 = arith.index_cast %get3A_1168 : i32 to index
        %get3A_1170 = arith.index_cast %add3A_798 : i32 to index
        %get3A_1171 = tpu.vector_load %arg4[%get3A_1169, %get3A_1170] {strides = array<i32>} : memref<64x512xf32, #tpu.memory_space<vmem>>, vector<1x16xf32>,
        %get3A_1172 = vector.shape_cast %get3A_1171 : vector<1x16xf32> to vector<16xf32>
        %add3A_1173 = arith.addf %add3A_1167, %get3A_1172 : vector<16xf32>
        %mul3A_1174 = arith.constant 2.500000e-01 : f32
        %mul3A_1175 = vector.broadcast %mul3A_1174 : f32 to vector<16xf32>
        %mul3A_1176 = arith.mulf %add3A_1173, %mul3A_1175 : vector<16xf32>
        %swap3A_1177 = arith.constant 11 : i32
        %swap3A_1178 = arith.index_cast %swap3A_1177 : i32 to index
        %swap3A_1179 = arith.index_cast %add3A_798 : i32 to index
        %swap3A_1180 = tpu.vector_load %arg6[%swap3A_1178, %swap3A_1179] {strides = array<i32>} : memref<16x512xf32, #tpu.memory_space<vmem>>, vector<1x16xf32>,
        %swap3A_1181 = vector.shape_cast %swap3A_1180 : vector<1x16xf32> to vector<16xf32>
        %swap3A_1182 = vector.shape_cast %mul3A_1176 : vector<16xf32> to vector<1x16xf32>
        tpu.vector_store %arg6[%swap3A_1178, %swap3A_1179], %swap3A_1182 {strides = array<i32>} : memref<16x512xf32, #tpu.memory_space<vmem>>, vector<1x16xf32>,
        %get3A_1183 = arith.constant 48 : i32
        %get3A_1184 = arith.index_cast %get3A_1183 : i32 to index
        %get3A_1185 = arith.index_cast %add3A_798 : i32 to index
        %get3A_1186 = tpu.vector_load %arg4[%get3A_1184, %get3A_1185] {strides = array<i32>} : memref<64x512xf32, #tpu.memory_space<vmem>>, vector<1x16xf32>,
        %get3A_1187 = vector.shape_cast %get3A_1186 : vector<1x16xf32> to vector<16xf32>
        %get3A_1188 = arith.constant 49 : i32
        %get3A_1189 = arith.index_cast %get3A_1188 : i32 to index
        %get3A_1190 = arith.index_cast %add3A_798 : i32 to index
        %get3A_1191 = tpu.vector_load %arg4[%get3A_1189, %get3A_1190] {strides = array<i32>} : memref<64x512xf32, #tpu.memory_space<vmem>>, vector<1x16xf32>,
        %get3A_1192 = vector.shape_cast %get3A_1191 : vector<1x16xf32> to vector<16xf32>
        %add3A_1193 = arith.addf %get3A_1187, %get3A_1192 : vector<16xf32>
        %get3A_1194 = arith.constant 50 : i32
        %get3A_1195 = arith.index_cast %get3A_1194 : i32 to index
        %get3A_1196 = arith.index_cast %add3A_798 : i32 to index
        %get3A_1197 = tpu.vector_load %arg4[%get3A_1195, %get3A_1196] {strides = array<i32>} : memref<64x512xf32, #tpu.memory_space<vmem>>, vector<1x16xf32>,
        %get3A_1198 = vector.shape_cast %get3A_1197 : vector<1x16xf32> to vector<16xf32>
        %add3A_1199 = arith.addf %add3A_1193, %get3A_1198 : vector<16xf32>
        %get3A_1200 = arith.constant 51 : i32
        %get3A_1201 = arith.index_cast %get3A_1200 : i32 to index
        %get3A_1202 = arith.index_cast %add3A_798 : i32 to index
        %get3A_1203 = tpu.vector_load %arg4[%get3A_1201, %get3A_1202] {strides = array<i32>} : memref<64x512xf32, #tpu.memory_space<vmem>>, vector<1x16xf32>,
        %get3A_1204 = vector.shape_cast %get3A_1203 : vector<1x16xf32> to vector<16xf32>
        %add3A_1205 = arith.addf %add3A_1199, %get3A_1204 : vector<16xf32>
        %mul3A_1206 = arith.constant 2.500000e-01 : f32
        %mul3A_1207 = vector.broadcast %mul3A_1206 : f32 to vector<16xf32>
        %mul3A_1208 = arith.mulf %add3A_1205, %mul3A_1207 : vector<16xf32>
        %swap3A_1209 = arith.constant 12 : i32
        %swap3A_1210 = arith.index_cast %swap3A_1209 : i32 to index
        %swap3A_1211 = arith.index_cast %add3A_798 : i32 to index
        %swap3A_1212 = tpu.vector_load %arg6[%swap3A_1210, %swap3A_1211] {strides = array<i32>} : memref<16x512xf32, #tpu.memory_space<vmem>>, vector<1x16xf32>,
        %swap3A_1213 = vector.shape_cast %swap3A_1212 : vector<1x16xf32> to vector<16xf32>
        %swap3A_1214 = vector.shape_cast %mul3A_1208 : vector<16xf32> to vector<1x16xf32>
        tpu.vector_store %arg6[%swap3A_1210, %swap3A_1211], %swap3A_1214 {strides = array<i32>} : memref<16x512xf32, #tpu.memory_space<vmem>>, vector<1x16xf32>,
        %get3A_1215 = arith.constant 52 : i32
        %get3A_1216 = arith.index_cast %get3A_1215 : i32 to index
        %get3A_1217 = arith.index_cast %add3A_798 : i32 to index
        %get3A_1218 = tpu.vector_load %arg4[%get3A_1216, %get3A_1217] {strides = array<i32>} : memref<64x512xf32, #tpu.memory_space<vmem>>, vector<1x16xf32>,
        %get3A_1219 = vector.shape_cast %get3A_1218 : vector<1x16xf32> to vector<16xf32>
        %get3A_1220 = arith.constant 53 : i32
        %get3A_1221 = arith.index_cast %get3A_1220 : i32 to index
        %get3A_1222 = arith.index_cast %add3A_798 : i32 to index
        %get3A_1223 = tpu.vector_load %arg4[%get3A_1221, %get3A_1222] {strides = array<i32>} : memref<64x512xf32, #tpu.memory_space<vmem>>, vector<1x16xf32>,
        %get3A_1224 = vector.shape_cast %get3A_1223 : vector<1x16xf32> to vector<16xf32>
        %add3A_1225 = arith.addf %get3A_1219, %get3A_1224 : vector<16xf32>
        %get3A_1226 = arith.constant 54 : i32
        %get3A_1227 = arith.index_cast %get3A_1226 : i32 to index
        %get3A_1228 = arith.index_cast %add3A_798 : i32 to index
        %get3A_1229 = tpu.vector_load %arg4[%get3A_1227, %get3A_1228] {strides = array<i32>} : memref<64x512xf32, #tpu.memory_space<vmem>>, vector<1x16xf32>,
        %get3A_1230 = vector.shape_cast %get3A_1229 : vector<1x16xf32> to vector<16xf32>
        %add3A_1231 = arith.addf %add3A_1225, %get3A_1230 : vector<16xf32>
        %get3A_1232 = arith.constant 55 : i32
        %get3A_1233 = arith.index_cast %get3A_1232 : i32 to index
        %get3A_1234 = arith.index_cast %add3A_798 : i32 to index
        %get3A_1235 = tpu.vector_load %arg4[%get3A_1233, %get3A_1234] {strides = array<i32>} : memref<64x512xf32, #tpu.memory_space<vmem>>, vector<1x16xf32>,
        %get3A_1236 = vector.shape_cast %get3A_1235 : vector<1x16xf32> to vector<16xf32>
        %add3A_1237 = arith.addf %add3A_1231, %get3A_1236 : vector<16xf32>
        %mul3A_1238 = arith.constant 2.500000e-01 : f32
        %mul3A_1239 = vector.broadcast %mul3A_1238 : f32 to vector<16xf32>
        %mul3A_1240 = arith.mulf %add3A_1237, %mul3A_1239 : vector<16xf32>
        %swap3A_1241 = arith.constant 13 : i32
        %swap3A_1242 = arith.index_cast %swap3A_1241 : i32 to index
        %swap3A_1243 = arith.index_cast %add3A_798 : i32 to index
        %swap3A_1244 = tpu.vector_load %arg6[%swap3A_1242, %swap3A_1243] {strides = array<i32>} : memref<16x512xf32, #tpu.memory_space<vmem>>, vector<1x16xf32>,
        %swap3A_1245 = vector.shape_cast %swap3A_1244 : vector<1x16xf32> to vector<16xf32>
        %swap3A_1246 = vector.shape_cast %mul3A_1240 : vector<16xf32> to vector<1x16xf32>
        tpu.vector_store %arg6[%swap3A_1242, %swap3A_1243], %swap3A_1246 {strides = array<i32>} : memref<16x512xf32, #tpu.memory_space<vmem>>, vector<1x16xf32>,
        %get3A_1247 = arith.constant 56 : i32
        %get3A_1248 = arith.index_cast %get3A_1247 : i32 to index
        %get3A_1249 = arith.index_cast %add3A_798 : i32 to index
        %get3A_1250 = tpu.vector_load %arg4[%get3A_1248, %get3A_1249] {strides = array<i32>} : memref<64x512xf32, #tpu.memory_space<vmem>>, vector<1x16xf32>,
        %get3A_1251 = vector.shape_cast %get3A_1250 : vector<1x16xf32> to vector<16xf32>
        %get3A_1252 = arith.constant 57 : i32
        %get3A_1253 = arith.index_cast %get3A_1252 : i32 to index
        %get3A_1254 = arith.index_cast %add3A_798 : i32 to index
        %get3A_1255 = tpu.vector_load %arg4[%get3A_1253, %get3A_1254] {strides = array<i32>} : memref<64x512xf32, #tpu.memory_space<vmem>>, vector<1x16xf32>,
        %get3A_1256 = vector.shape_cast %get3A_1255 : vector<1x16xf32> to vector<16xf32>
        %add3A_1257 = arith.addf %get3A_1251, %get3A_1256 : vector<16xf32>
        %get3A_1258 = arith.constant 58 : i32
        %get3A_1259 = arith.index_cast %get3A_1258 : i32 to index
        %get3A_1260 = arith.index_cast %add3A_798 : i32 to index
        %get3A_1261 = tpu.vector_load %arg4[%get3A_1259, %get3A_1260] {strides = array<i32>} : memref<64x512xf32, #tpu.memory_space<vmem>>, vector<1x16xf32>,
        %get3A_1262 = vector.shape_cast %get3A_1261 : vector<1x16xf32> to vector<16xf32>
        %add3A_1263 = arith.addf %add3A_1257, %get3A_1262 : vector<16xf32>
        %get3A_1264 = arith.constant 59 : i32
        %get3A_1265 = arith.index_cast %get3A_1264 : i32 to index
        %get3A_1266 = arith.index_cast %add3A_798 : i32 to index
        %get3A_1267 = tpu.vector_load %arg4[%get3A_1265, %get3A_1266] {strides = array<i32>} : memref<64x512xf32, #tpu.memory_space<vmem>>, vector<1x16xf32>,
        %get3A_1268 = vector.shape_cast %get3A_1267 : vector<1x16xf32> to vector<16xf32>
        %add3A_1269 = arith.addf %add3A_1263, %get3A_1268 : vector<16xf32>
        %mul3A_1270 = arith.constant 2.500000e-01 : f32
        %mul3A_1271 = vector.broadcast %mul3A_1270 : f32 to vector<16xf32>
        %mul3A_1272 = arith.mulf %add3A_1269, %mul3A_1271 : vector<16xf32>
        %swap3A_1273 = arith.constant 14 : i32
        %swap3A_1274 = arith.index_cast %swap3A_1273 : i32 to index
        %swap3A_1275 = arith.index_cast %add3A_798 : i32 to index
        %swap3A_1276 = tpu.vector_load %arg6[%swap3A_1274, %swap3A_1275] {strides = array<i32>} : memref<16x512xf32, #tpu.memory_space<vmem>>, vector<1x16xf32>,
        %swap3A_1277 = vector.shape_cast %swap3A_1276 : vector<1x16xf32> to vector<16xf32>
        %swap3A_1278 = vector.shape_cast %mul3A_1272 : vector<16xf32> to vector<1x16xf32>
        tpu.vector_store %arg6[%swap3A_1274, %swap3A_1275], %swap3A_1278 {strides = array<i32>} : memref<16x512xf32, #tpu.memory_space<vmem>>, vector<1x16xf32>,
        %get3A_1279 = arith.constant 60 : i32
        %get3A_1280 = arith.index_cast %get3A_1279 : i32 to index
        %get3A_1281 = arith.index_cast %add3A_798 : i32 to index
        %get3A_1282 = tpu.vector_load %arg4[%get3A_1280, %get3A_1281] {strides = array<i32>} : memref<64x512xf32, #tpu.memory_space<vmem>>, vector<1x16xf32>,
        %get3A_1283 = vector.shape_cast %get3A_1282 : vector<1x16xf32> to vector<16xf32>
        %get3A_1284 = arith.constant 61 : i32
        %get3A_1285 = arith.index_cast %get3A_1284 : i32 to index
        %get3A_1286 = arith.index_cast %add3A_798 : i32 to index
        %get3A_1287 = tpu.vector_load %arg4[%get3A_1285, %get3A_1286] {strides = array<i32>} : memref<64x512xf32, #tpu.memory_space<vmem>>, vector<1x16xf32>,
        %get3A_1288 = vector.shape_cast %get3A_1287 : vector<1x16xf32> to vector<16xf32>
        %add3A_1289 = arith.addf %get3A_1283, %get3A_1288 : vector<16xf32>
        %get3A_1290 = arith.constant 62 : i32
        %get3A_1291 = arith.index_cast %get3A_1290 : i32 to index
        %get3A_1292 = arith.index_cast %add3A_798 : i32 to index
        %get3A_1293 = tpu.vector_load %arg4[%get3A_1291, %get3A_1292] {strides = array<i32>} : memref<64x512xf32, #tpu.memory_space<vmem>>, vector<1x16xf32>,
        %get3A_1294 = vector.shape_cast %get3A_1293 : vector<1x16xf32> to vector<16xf32>
        %add3A_1295 = arith.addf %add3A_1289, %get3A_1294 : vector<16xf32>
        %get3A_1296 = arith.constant 63 : i32
        %get3A_1297 = arith.index_cast %get3A_1296 : i32 to index
        %get3A_1298 = arith.index_cast %add3A_798 : i32 to index
        %get3A_1299 = tpu.vector_load %arg4[%get3A_1297, %get3A_1298] {strides = array<i32>} : memref<64x512xf32, #tpu.memory_space<vmem>>, vector<1x16xf32>,
        %get3A_1300 = vector.shape_cast %get3A_1299 : vector<1x16xf32> to vector<16xf32>
        %add3A_1301 = arith.addf %add3A_1295, %get3A_1300 : vector<16xf32>
        %mul3A_1302 = arith.constant 2.500000e-01 : f32
        %mul3A_1303 = vector.broadcast %mul3A_1302 : f32 to vector<16xf32>
        %mul3A_1304 = arith.mulf %add3A_1301, %mul3A_1303 : vector<16xf32>
        %swap3A_1305 = arith.constant 15 : i32
        %swap3A_1306 = arith.index_cast %swap3A_1305 : i32 to index
        %swap3A_1307 = arith.index_cast %add3A_798 : i32 to index
        %swap3A_1308 = tpu.vector_load %arg6[%swap3A_1306, %swap3A_1307] {strides = array<i32>} : memref<16x512xf32, #tpu.memory_space<vmem>>, vector<1x16xf32>,
        %swap3A_1309 = vector.shape_cast %swap3A_1308 : vector<1x16xf32> to vector<16xf32>
        %swap3A_1310 = vector.shape_cast %mul3A_1304 : vector<16xf32> to vector<1x16xf32>
        tpu.vector_store %arg6[%swap3A_1306, %swap3A_1307], %swap3A_1310 {strides = array<i32>} : memref<16x512xf32, #tpu.memory_space<vmem>>, vector<1x16xf32>,
      }
      %scan3A_179 = arith.constant 16 : i32
      %mul3A_180 = arith.constant 32 : i32
      %mul3A_181 = arith.muli %add3A_118, %mul3A_180 : i32
      %add3A_182 = arith.addi %add3A, %mul3A_181 : i32
      %mul3A_183 = arith.constant 16 : i32
      %mul3A_184 = arith.muli %add3A_182, %mul3A_183 : i32
      %dma_start3A_185 = arith.constant 0 : i32
      %dma_start3A_186 = tpu.memref_slice %arg3[%mul3A_184, %dma_start3A_185] : memref<2048x512xf32, #tpu.memory_space<hbm>> -> memref<16x512xf32, #tpu.memory_space<hbm>>
      %dma_start3A_187 = arith.constant 0 : i32
      %dma_start3A_188 = tpu.memref_slice %arg3[%mul3A_184, %dma_start3A_187] : memref<2048x512xf32, #tpu.memory_space<hbm>> -> memref<16x512xf32, #tpu.memory_space<hbm>>
      tpu.enqueue_dma source(%arg6 : memref<16x512xf32, #tpu.memory_space<vmem>>) target(%dma_start3A_188 : memref<16x512xf32, #tpu.memory_space<hbm>>) target_semaphore(%arg10 : memref<!tpu.dma_semaphore, #tpu.memory_space<semaphore_mem>>)
      %add3A_189 = arith.constant 2 : i32
      %add3A_190 = arith.addi %add3A_118, %add3A_189 : i32
      %lt3A_191 = arith.constant 4 : i32
      %lt3A_192 = arith.cmpi slt, %add3A_190, %lt3A_191 : i32
      %convert_element_type3A_193 = arith.extui %lt3A_192 : i1 to i32
      %cond3A_194 = arith.constant 0 : i32
      %cond3A_195 = arith.cmpi ne, %convert_element_type3A_193, %cond3A_194 : i32
      scf.if %cond3A_195 {
        %add3A_280 = arith.constant 2 : i32
        %add3A_281 = arith.addi %add3A_118, %add3A_280 : i32
        %mul3A_282 = arith.constant 32 : i32
        %mul3A_283 = arith.muli %add3A_281, %mul3A_282 : i32
        %add3A_284 = arith.addi %add3A, %mul3A_283 : i32
        %jit3A_285 = arith.constant 32 : i32
        %div3A_286 = arith.divsi %add3A_284, %jit3A_285 : i32
        %sign3A_287 = arith.constant 0 : i32
        %sign3A_288 = arith.cmpi sgt, %add3A_284, %sign3A_287 : i32
        %sign3A_289 = arith.extui %sign3A_288 : i1 to i32
        %sign3A_290 = arith.constant 0 : i32
        %sign3A_291 = arith.cmpi slt, %add3A_284, %sign3A_290 : i32
        %sign3A_292 = arith.extui %sign3A_291 : i1 to i32
        %sign3A_293 = arith.subi %sign3A_289, %sign3A_292 : i32
        %sign3A_294 = arith.constant 0 : i32
        %sign3A_295 = arith.cmpi sgt, %jit3A_285, %sign3A_294 : i32
        %sign3A_296 = arith.extui %sign3A_295 : i1 to i32
        %sign3A_297 = arith.constant 0 : i32
        %sign3A_298 = arith.cmpi slt, %jit3A_285, %sign3A_297 : i32
        %sign3A_299 = arith.extui %sign3A_298 : i1 to i32
        %sign3A_300 = arith.subi %sign3A_296, %sign3A_299 : i32
        %ne3A_301 = arith.cmpi ne, %sign3A_293, %sign3A_300 : i32
        %rem3A_302 = arith.remsi %add3A_284, %jit3A_285 : i32
        %ne3A_303 = arith.constant 0 : i32
        %ne3A_304 = arith.cmpi ne, %rem3A_302, %ne3A_303 : i32
        %and3A_305 = arith.andi %ne3A_301, %ne3A_304 : i1
        %sub3A_306 = arith.constant 1 : i32
        %sub3A_307 = arith.subi %div3A_286, %sub3A_306 : i32
        %select_n3A_308 = arith.select %and3A_305, %sub3A_307, %div3A_286 : i32
        %add3A_309 = arith.constant 12 : i32
        %add3A_310 = arith.addi %add3A_309, %select_n3A_308 : i32
        %jit3A_311 = arith.constant 32 : i32
        %eq3A_312 = arith.constant 0 : i32
        %eq3A_313 = arith.cmpi eq, %jit3A_311, %eq3A_312 : i32
        %jit3A_314 = arith.constant 1 : i32
        %select_n3A_315 = arith.select %eq3A_313, %jit3A_314, %jit3A_311 : i32
        %rem3A_316 = arith.remsi %add3A_284, %select_n3A_315 : i32
        %ne3A_317 = arith.constant 0 : i32
        %ne3A_318 = arith.cmpi ne, %rem3A_316, %ne3A_317 : i32
        %lt3A_319 = arith.constant 0 : i32
        %lt3A_320 = arith.cmpi slt, %rem3A_316, %lt3A_319 : i32
        %lt3A_321 = arith.constant 0 : i32
        %lt3A_322 = arith.cmpi slt, %select_n3A_315, %lt3A_321 : i32
        %ne3A_323 = arith.xori %lt3A_320, %lt3A_322 : i1
        %and3A_324 = arith.andi %ne3A_323, %ne3A_318 : i1
        %add3A_325 = arith.addi %rem3A_316, %select_n3A_315 : i32
        %select_n3A_326 = arith.select %and3A_324, %add3A_325, %rem3A_316 : i32
        %mul3A_327 = arith.constant 64 : i32
        %mul3A_328 = arith.muli %select_n3A_326, %mul3A_327 : i32
        %dma_start3A_329 = arith.constant 0 : i32
        %dma_start3A_330 = tpu.memref_slice %arg2[%add3A_310, %mul3A_328, %dma_start3A_329] : memref<16x2048x512xf32, #tpu.memory_space<hbm>> -> memref<1x64x512xf32, #tpu.memory_space<hbm>>
        %dma_start3A_331 = tpu.memref_squeeze %dma_start3A_330 : memref<1x64x512xf32, #tpu.memory_space<hbm>> -> memref<64x512xf32, #tpu.memory_space<hbm>>
        %dma_start3A_332 = arith.constant 0 : i32
        %dma_start3A_333 = tpu.memref_slice %arg2[%add3A_310, %mul3A_328, %dma_start3A_332] : memref<16x2048x512xf32, #tpu.memory_space<hbm>> -> memref<1x64x512xf32, #tpu.memory_space<hbm>>
        %dma_start3A_334 = tpu.memref_squeeze %dma_start3A_333 : memref<1x64x512xf32, #tpu.memory_space<hbm>> -> memref<64x512xf32, #tpu.memory_space<hbm>>
        tpu.enqueue_dma source(%dma_start3A_334 : memref<64x512xf32, #tpu.memory_space<hbm>>) target(%arg4 : memref<64x512xf32, #tpu.memory_space<vmem>>) target_semaphore(%arg8 : memref<!tpu.dma_semaphore, #tpu.memory_space<semaphore_mem>>)
      } else {
      }
      %mul3A_196 = arith.constant 2 : i32
      %mul3A_197 = arith.muli %scan3A_114, %mul3A_196 : i32
      %add3A_198 = arith.constant 1 : i32
      %add3A_199 = arith.addi %mul3A_197, %add3A_198 : i32
      %mul3A_200 = arith.constant 32 : i32
      %mul3A_201 = arith.muli %add3A_199, %mul3A_200 : i32
      %add3A_202 = arith.addi %add3A, %mul3A_201 : i32
      %jit3A_203 = arith.constant 32 : i32
      %div3A_204 = arith.divsi %add3A_202, %jit3A_203 : i32
      %sign3A_205 = arith.constant 0 : i32
      %sign3A_206 = arith.cmpi sgt, %add3A_202, %sign3A_205 : i32
      %sign3A_207 = arith.extui %sign3A_206 : i1 to i32
      %sign3A_208 = arith.constant 0 : i32
      %sign3A_209 = arith.cmpi slt, %add3A_202, %sign3A_208 : i32
      %sign3A_210 = arith.extui %sign3A_209 : i1 to i32
      %sign3A_211 = arith.subi %sign3A_207, %sign3A_210 : i32
      %sign3A_212 = arith.constant 0 : i32
      %sign3A_213 = arith.cmpi sgt, %jit3A_203, %sign3A_212 : i32
      %sign3A_214 = arith.extui %sign3A_213 : i1 to i32
      %sign3A_215 = arith.constant 0 : i32
      %sign3A_216 = arith.cmpi slt, %jit3A_203, %sign3A_215 : i32
      %sign3A_217 = arith.extui %sign3A_216 : i1 to i32
      %sign3A_218 = arith.subi %sign3A_214, %sign3A_217 : i32
      %ne3A_219 = arith.cmpi ne, %sign3A_211, %sign3A_218 : i32
      %rem3A_220 = arith.remsi %add3A_202, %jit3A_203 : i32
      %ne3A_221 = arith.constant 0 : i32
      %ne3A_222 = arith.cmpi ne, %rem3A_220, %ne3A_221 : i32
      %and3A_223 = arith.andi %ne3A_219, %ne3A_222 : i1
      %sub3A_224 = arith.constant 1 : i32
      %sub3A_225 = arith.subi %div3A_204, %sub3A_224 : i32
      %select_n3A_226 = arith.select %and3A_223, %sub3A_225, %div3A_204 : i32
      %add3A_227 = arith.constant 12 : i32
      %add3A_228 = arith.addi %add3A_227, %select_n3A_226 : i32
      %jit3A_229 = arith.constant 32 : i32
      %eq3A_230 = arith.constant 0 : i32
      %eq3A_231 = arith.cmpi eq, %jit3A_229, %eq3A_230 : i32
      %jit3A_232 = arith.constant 1 : i32
      %select_n3A_233 = arith.select %eq3A_231, %jit3A_232, %jit3A_229 : i32
      %rem3A_234 = arith.remsi %add3A_202, %select_n3A_233 : i32
      %ne3A_235 = arith.constant 0 : i32
      %ne3A_236 = arith.cmpi ne, %rem3A_234, %ne3A_235 : i32
      %lt3A_237 = arith.constant 0 : i32
      %lt3A_238 = arith.cmpi slt, %rem3A_234, %lt3A_237 : i32
      %lt3A_239 = arith.constant 0 : i32
      %lt3A_240 = arith.cmpi slt, %select_n3A_233, %lt3A_239 : i32
      %ne3A_241 = arith.xori %lt3A_238, %lt3A_240 : i1
      %and3A_242 = arith.andi %ne3A_241, %ne3A_236 : i1
      %add3A_243 = arith.addi %rem3A_234, %select_n3A_233 : i32
      %select_n3A_244 = arith.select %and3A_242, %add3A_243, %rem3A_234 : i32
      %mul3A_245 = arith.constant 64 : i32
      %mul3A_246 = arith.muli %select_n3A_244, %mul3A_245 : i32
      %dma_wait3A_247 = arith.constant 0 : i32
      %dma_wait3A_248 = tpu.memref_slice %arg2[%add3A_228, %mul3A_246, %dma_wait3A_247] : memref<16x2048x512xf32, #tpu.memory_space<hbm>> -> memref<1x64x512xf32, #tpu.memory_space<hbm>>
      %dma_wait3A_249 = tpu.memref_squeeze %dma_wait3A_248 : memref<1x64x512xf32, #tpu.memory_space<hbm>> -> memref<64x512xf32, #tpu.memory_space<hbm>>
      %dma_wait3A_250 = arith.constant 0 : i32
      %dma_wait3A_251 = tpu.memref_slice %arg2[%add3A_228, %mul3A_246, %dma_wait3A_250] : memref<16x2048x512xf32, #tpu.memory_space<hbm>> -> memref<1x64x512xf32, #tpu.memory_space<hbm>>
      %dma_wait3A_252 = tpu.memref_squeeze %dma_wait3A_251 : memref<1x64x512xf32, #tpu.memory_space<hbm>> -> memref<64x512xf32, #tpu.memory_space<hbm>>
      tpu.wait_dma2 semaphore(%arg9 : memref<!tpu.dma_semaphore, #tpu.memory_space<semaphore_mem>>) src(%dma_wait3A_252 : memref<64x512xf32, #tpu.memory_space<hbm>>) dst(%arg5 : memref<64x512xf32, #tpu.memory_space<vmem>>)
      %ge3A_253 = arith.constant 2 : i32
      %ge3A_254 = arith.cmpi sge, %add3A_199, %ge3A_253 : i32
      %convert_element_type3A_255 = arith.extui %ge3A_254 : i1 to i32
      %cond3A_256 = arith.constant 0 : i32
      %cond3A_257 = arith.cmpi ne, %convert_element_type3A_255, %cond3A_256 : i32
      scf.if %cond3A_257 {
        %mul3A_280 = arith.constant 32 : i32
        %mul3A_281 = arith.muli %add3A_199, %mul3A_280 : i32
        %add3A_282 = arith.addi %add3A, %mul3A_281 : i32
        %mul3A_283 = arith.constant 16 : i32
        %mul3A_284 = arith.muli %add3A_282, %mul3A_283 : i32
        %dma_wait3A_285 = arith.constant 0 : i32
        %dma_wait3A_286 = tpu.memref_slice %arg3[%mul3A_284, %dma_wait3A_285] : memref<2048x512xf32, #tpu.memory_space<hbm>> -> memref<16x512xf32, #tpu.memory_space<hbm>>
        %dma_wait3A_287 = arith.constant 0 : i32
        %dma_wait3A_288 = tpu.memref_slice %arg3[%mul3A_284, %dma_wait3A_287] : memref<2048x512xf32, #tpu.memory_space<hbm>> -> memref<16x512xf32, #tpu.memory_space<hbm>>
        tpu.wait_dma2 semaphore(%arg11 : memref<!tpu.dma_semaphore, #tpu.memory_space<semaphore_mem>>) src(%arg7 : memref<16x512xf32, #tpu.memory_space<vmem>>) dst(%dma_wait3A_288 : memref<16x512xf32, #tpu.memory_space<hbm>>)
      } else {
      }
      %scan3A_258 = arith.constant 0 : i32
      %scan3A_259 = arith.constant 0 : i32
      %scan3A_260 = arith.constant 16 : i32
      %scan3A_261 = arith.addi %scan3A_259, %scan3A_260 : i32
      %scan3A_262 = arith.constant 1 : i32
      scf.for %scan3A_280 = %scan3A_259 to %scan3A_261 step %scan3A_262  : i32 {
        %mul3A_281 = arith.constant 32 : i32
        %mul3A_282 = arith.muli %scan3A_280, %mul3A_281 : i32
        %add3A_283 = arith.constant 0 : i32
        %add3A_284 = arith.addi %mul3A_282, %add3A_283 : i32
        %get3A = arith.constant 0 : i32
        %get3A_285 = arith.index_cast %get3A : i32 to index
        %get3A_286 = arith.index_cast %add3A_284 : i32 to index
        %get3A_287 = tpu.vector_load %arg5[%get3A_285, %get3A_286] {strides = array<i32>} : memref<64x512xf32, #tpu.memory_space<vmem>>, vector<1x16xf32>,
        %get3A_288 = vector.shape_cast %get3A_287 : vector<1x16xf32> to vector<16xf32>
        %get3A_289 = arith.constant 1 : i32
        %get3A_290 = arith.index_cast %get3A_289 : i32 to index
        %get3A_291 = arith.index_cast %add3A_284 : i32 to index
        %get3A_292 = tpu.vector_load %arg5[%get3A_290, %get3A_291] {strides = array<i32>} : memref<64x512xf32, #tpu.memory_space<vmem>>, vector<1x16xf32>,
        %get3A_293 = vector.shape_cast %get3A_292 : vector<1x16xf32> to vector<16xf32>
        %add3A_294 = arith.addf %get3A_288, %get3A_293 : vector<16xf32>
        %get3A_295 = arith.constant 2 : i32
        %get3A_296 = arith.index_cast %get3A_295 : i32 to index
        %get3A_297 = arith.index_cast %add3A_284 : i32 to index
        %get3A_298 = tpu.vector_load %arg5[%get3A_296, %get3A_297] {strides = array<i32>} : memref<64x512xf32, #tpu.memory_space<vmem>>, vector<1x16xf32>,
        %get3A_299 = vector.shape_cast %get3A_298 : vector<1x16xf32> to vector<16xf32>
        %add3A_300 = arith.addf %add3A_294, %get3A_299 : vector<16xf32>
        %get3A_301 = arith.constant 3 : i32
        %get3A_302 = arith.index_cast %get3A_301 : i32 to index
        %get3A_303 = arith.index_cast %add3A_284 : i32 to index
        %get3A_304 = tpu.vector_load %arg5[%get3A_302, %get3A_303] {strides = array<i32>} : memref<64x512xf32, #tpu.memory_space<vmem>>, vector<1x16xf32>,
        %get3A_305 = vector.shape_cast %get3A_304 : vector<1x16xf32> to vector<16xf32>
        %add3A_306 = arith.addf %add3A_300, %get3A_305 : vector<16xf32>
        %mul3A_307 = arith.constant 2.500000e-01 : f32
        %mul3A_308 = vector.broadcast %mul3A_307 : f32 to vector<16xf32>
        %mul3A_309 = arith.mulf %add3A_306, %mul3A_308 : vector<16xf32>
        %swap3A = arith.constant 0 : i32
        %swap3A_310 = arith.index_cast %swap3A : i32 to index
        %swap3A_311 = arith.index_cast %add3A_284 : i32 to index
        %swap3A_312 = tpu.vector_load %arg7[%swap3A_310, %swap3A_311] {strides = array<i32>} : memref<16x512xf32, #tpu.memory_space<vmem>>, vector<1x16xf32>,
        %swap3A_313 = vector.shape_cast %swap3A_312 : vector<1x16xf32> to vector<16xf32>
        %swap3A_314 = vector.shape_cast %mul3A_309 : vector<16xf32> to vector<1x16xf32>
        tpu.vector_store %arg7[%swap3A_310, %swap3A_311], %swap3A_314 {strides = array<i32>} : memref<16x512xf32, #tpu.memory_space<vmem>>, vector<1x16xf32>,
        %get3A_315 = arith.constant 4 : i32
        %get3A_316 = arith.index_cast %get3A_315 : i32 to index
        %get3A_317 = arith.index_cast %add3A_284 : i32 to index
        %get3A_318 = tpu.vector_load %arg5[%get3A_316, %get3A_317] {strides = array<i32>} : memref<64x512xf32, #tpu.memory_space<vmem>>, vector<1x16xf32>,
        %get3A_319 = vector.shape_cast %get3A_318 : vector<1x16xf32> to vector<16xf32>
        %get3A_320 = arith.constant 5 : i32
        %get3A_321 = arith.index_cast %get3A_320 : i32 to index
        %get3A_322 = arith.index_cast %add3A_284 : i32 to index
        %get3A_323 = tpu.vector_load %arg5[%get3A_321, %get3A_322] {strides = array<i32>} : memref<64x512xf32, #tpu.memory_space<vmem>>, vector<1x16xf32>,
        %get3A_324 = vector.shape_cast %get3A_323 : vector<1x16xf32> to vector<16xf32>
        %add3A_325 = arith.addf %get3A_319, %get3A_324 : vector<16xf32>
        %get3A_326 = arith.constant 6 : i32
        %get3A_327 = arith.index_cast %get3A_326 : i32 to index
        %get3A_328 = arith.index_cast %add3A_284 : i32 to index
        %get3A_329 = tpu.vector_load %arg5[%get3A_327, %get3A_328] {strides = array<i32>} : memref<64x512xf32, #tpu.memory_space<vmem>>, vector<1x16xf32>,
        %get3A_330 = vector.shape_cast %get3A_329 : vector<1x16xf32> to vector<16xf32>
        %add3A_331 = arith.addf %add3A_325, %get3A_330 : vector<16xf32>
        %get3A_332 = arith.constant 7 : i32
        %get3A_333 = arith.index_cast %get3A_332 : i32 to index
        %get3A_334 = arith.index_cast %add3A_284 : i32 to index
        %get3A_335 = tpu.vector_load %arg5[%get3A_333, %get3A_334] {strides = array<i32>} : memref<64x512xf32, #tpu.memory_space<vmem>>, vector<1x16xf32>,
        %get3A_336 = vector.shape_cast %get3A_335 : vector<1x16xf32> to vector<16xf32>
        %add3A_337 = arith.addf %add3A_331, %get3A_336 : vector<16xf32>
        %mul3A_338 = arith.constant 2.500000e-01 : f32
        %mul3A_339 = vector.broadcast %mul3A_338 : f32 to vector<16xf32>
        %mul3A_340 = arith.mulf %add3A_337, %mul3A_339 : vector<16xf32>
        %swap3A_341 = arith.constant 1 : i32
        %swap3A_342 = arith.index_cast %swap3A_341 : i32 to index
        %swap3A_343 = arith.index_cast %add3A_284 : i32 to index
        %swap3A_344 = tpu.vector_load %arg7[%swap3A_342, %swap3A_343] {strides = array<i32>} : memref<16x512xf32, #tpu.memory_space<vmem>>, vector<1x16xf32>,
        %swap3A_345 = vector.shape_cast %swap3A_344 : vector<1x16xf32> to vector<16xf32>
        %swap3A_346 = vector.shape_cast %mul3A_340 : vector<16xf32> to vector<1x16xf32>
        tpu.vector_store %arg7[%swap3A_342, %swap3A_343], %swap3A_346 {strides = array<i32>} : memref<16x512xf32, #tpu.memory_space<vmem>>, vector<1x16xf32>,
        %get3A_347 = arith.constant 8 : i32
        %get3A_348 = arith.index_cast %get3A_347 : i32 to index
        %get3A_349 = arith.index_cast %add3A_284 : i32 to index
        %get3A_350 = tpu.vector_load %arg5[%get3A_348, %get3A_349] {strides = array<i32>} : memref<64x512xf32, #tpu.memory_space<vmem>>, vector<1x16xf32>,
        %get3A_351 = vector.shape_cast %get3A_350 : vector<1x16xf32> to vector<16xf32>
        %get3A_352 = arith.constant 9 : i32
        %get3A_353 = arith.index_cast %get3A_352 : i32 to index
        %get3A_354 = arith.index_cast %add3A_284 : i32 to index
        %get3A_355 = tpu.vector_load %arg5[%get3A_353, %get3A_354] {strides = array<i32>} : memref<64x512xf32, #tpu.memory_space<vmem>>, vector<1x16xf32>,
        %get3A_356 = vector.shape_cast %get3A_355 : vector<1x16xf32> to vector<16xf32>
        %add3A_357 = arith.addf %get3A_351, %get3A_356 : vector<16xf32>
        %get3A_358 = arith.constant 10 : i32
        %get3A_359 = arith.index_cast %get3A_358 : i32 to index
        %get3A_360 = arith.index_cast %add3A_284 : i32 to index
        %get3A_361 = tpu.vector_load %arg5[%get3A_359, %get3A_360] {strides = array<i32>} : memref<64x512xf32, #tpu.memory_space<vmem>>, vector<1x16xf32>,
        %get3A_362 = vector.shape_cast %get3A_361 : vector<1x16xf32> to vector<16xf32>
        %add3A_363 = arith.addf %add3A_357, %get3A_362 : vector<16xf32>
        %get3A_364 = arith.constant 11 : i32
        %get3A_365 = arith.index_cast %get3A_364 : i32 to index
        %get3A_366 = arith.index_cast %add3A_284 : i32 to index
        %get3A_367 = tpu.vector_load %arg5[%get3A_365, %get3A_366] {strides = array<i32>} : memref<64x512xf32, #tpu.memory_space<vmem>>, vector<1x16xf32>,
        %get3A_368 = vector.shape_cast %get3A_367 : vector<1x16xf32> to vector<16xf32>
        %add3A_369 = arith.addf %add3A_363, %get3A_368 : vector<16xf32>
        %mul3A_370 = arith.constant 2.500000e-01 : f32
        %mul3A_371 = vector.broadcast %mul3A_370 : f32 to vector<16xf32>
        %mul3A_372 = arith.mulf %add3A_369, %mul3A_371 : vector<16xf32>
        %swap3A_373 = arith.constant 2 : i32
        %swap3A_374 = arith.index_cast %swap3A_373 : i32 to index
        %swap3A_375 = arith.index_cast %add3A_284 : i32 to index
        %swap3A_376 = tpu.vector_load %arg7[%swap3A_374, %swap3A_375] {strides = array<i32>} : memref<16x512xf32, #tpu.memory_space<vmem>>, vector<1x16xf32>,
        %swap3A_377 = vector.shape_cast %swap3A_376 : vector<1x16xf32> to vector<16xf32>
        %swap3A_378 = vector.shape_cast %mul3A_372 : vector<16xf32> to vector<1x16xf32>
        tpu.vector_store %arg7[%swap3A_374, %swap3A_375], %swap3A_378 {strides = array<i32>} : memref<16x512xf32, #tpu.memory_space<vmem>>, vector<1x16xf32>,
        %get3A_379 = arith.constant 12 : i32
        %get3A_380 = arith.index_cast %get3A_379 : i32 to index
        %get3A_381 = arith.index_cast %add3A_284 : i32 to index
        %get3A_382 = tpu.vector_load %arg5[%get3A_380, %get3A_381] {strides = array<i32>} : memref<64x512xf32, #tpu.memory_space<vmem>>, vector<1x16xf32>,
        %get3A_383 = vector.shape_cast %get3A_382 : vector<1x16xf32> to vector<16xf32>
        %get3A_384 = arith.constant 13 : i32
        %get3A_385 = arith.index_cast %get3A_384 : i32 to index
        %get3A_386 = arith.index_cast %add3A_284 : i32 to index
        %get3A_387 = tpu.vector_load %arg5[%get3A_385, %get3A_386] {strides = array<i32>} : memref<64x512xf32, #tpu.memory_space<vmem>>, vector<1x16xf32>,
        %get3A_388 = vector.shape_cast %get3A_387 : vector<1x16xf32> to vector<16xf32>
        %add3A_389 = arith.addf %get3A_383, %get3A_388 : vector<16xf32>
        %get3A_390 = arith.constant 14 : i32
        %get3A_391 = arith.index_cast %get3A_390 : i32 to index
        %get3A_392 = arith.index_cast %add3A_284 : i32 to index
        %get3A_393 = tpu.vector_load %arg5[%get3A_391, %get3A_392] {strides = array<i32>} : memref<64x512xf32, #tpu.memory_space<vmem>>, vector<1x16xf32>,
        %get3A_394 = vector.shape_cast %get3A_393 : vector<1x16xf32> to vector<16xf32>
        %add3A_395 = arith.addf %add3A_389, %get3A_394 : vector<16xf32>
        %get3A_396 = arith.constant 15 : i32
        %get3A_397 = arith.index_cast %get3A_396 : i32 to index
        %get3A_398 = arith.index_cast %add3A_284 : i32 to index
        %get3A_399 = tpu.vector_load %arg5[%get3A_397, %get3A_398] {strides = array<i32>} : memref<64x512xf32, #tpu.memory_space<vmem>>, vector<1x16xf32>,
        %get3A_400 = vector.shape_cast %get3A_399 : vector<1x16xf32> to vector<16xf32>
        %add3A_401 = arith.addf %add3A_395, %get3A_400 : vector<16xf32>
        %mul3A_402 = arith.constant 2.500000e-01 : f32
        %mul3A_403 = vector.broadcast %mul3A_402 : f32 to vector<16xf32>
        %mul3A_404 = arith.mulf %add3A_401, %mul3A_403 : vector<16xf32>
        %swap3A_405 = arith.constant 3 : i32
        %swap3A_406 = arith.index_cast %swap3A_405 : i32 to index
        %swap3A_407 = arith.index_cast %add3A_284 : i32 to index
        %swap3A_408 = tpu.vector_load %arg7[%swap3A_406, %swap3A_407] {strides = array<i32>} : memref<16x512xf32, #tpu.memory_space<vmem>>, vector<1x16xf32>,
        %swap3A_409 = vector.shape_cast %swap3A_408 : vector<1x16xf32> to vector<16xf32>
        %swap3A_410 = vector.shape_cast %mul3A_404 : vector<16xf32> to vector<1x16xf32>
        tpu.vector_store %arg7[%swap3A_406, %swap3A_407], %swap3A_410 {strides = array<i32>} : memref<16x512xf32, #tpu.memory_space<vmem>>, vector<1x16xf32>,
        %get3A_411 = arith.constant 16 : i32
        %get3A_412 = arith.index_cast %get3A_411 : i32 to index
        %get3A_413 = arith.index_cast %add3A_284 : i32 to index
        %get3A_414 = tpu.vector_load %arg5[%get3A_412, %get3A_413] {strides = array<i32>} : memref<64x512xf32, #tpu.memory_space<vmem>>, vector<1x16xf32>,
        %get3A_415 = vector.shape_cast %get3A_414 : vector<1x16xf32> to vector<16xf32>
        %get3A_416 = arith.constant 17 : i32
        %get3A_417 = arith.index_cast %get3A_416 : i32 to index
        %get3A_418 = arith.index_cast %add3A_284 : i32 to index
        %get3A_419 = tpu.vector_load %arg5[%get3A_417, %get3A_418] {strides = array<i32>} : memref<64x512xf32, #tpu.memory_space<vmem>>, vector<1x16xf32>,
        %get3A_420 = vector.shape_cast %get3A_419 : vector<1x16xf32> to vector<16xf32>
        %add3A_421 = arith.addf %get3A_415, %get3A_420 : vector<16xf32>
        %get3A_422 = arith.constant 18 : i32
        %get3A_423 = arith.index_cast %get3A_422 : i32 to index
        %get3A_424 = arith.index_cast %add3A_284 : i32 to index
        %get3A_425 = tpu.vector_load %arg5[%get3A_423, %get3A_424] {strides = array<i32>} : memref<64x512xf32, #tpu.memory_space<vmem>>, vector<1x16xf32>,
        %get3A_426 = vector.shape_cast %get3A_425 : vector<1x16xf32> to vector<16xf32>
        %add3A_427 = arith.addf %add3A_421, %get3A_426 : vector<16xf32>
        %get3A_428 = arith.constant 19 : i32
        %get3A_429 = arith.index_cast %get3A_428 : i32 to index
        %get3A_430 = arith.index_cast %add3A_284 : i32 to index
        %get3A_431 = tpu.vector_load %arg5[%get3A_429, %get3A_430] {strides = array<i32>} : memref<64x512xf32, #tpu.memory_space<vmem>>, vector<1x16xf32>,
        %get3A_432 = vector.shape_cast %get3A_431 : vector<1x16xf32> to vector<16xf32>
        %add3A_433 = arith.addf %add3A_427, %get3A_432 : vector<16xf32>
        %mul3A_434 = arith.constant 2.500000e-01 : f32
        %mul3A_435 = vector.broadcast %mul3A_434 : f32 to vector<16xf32>
        %mul3A_436 = arith.mulf %add3A_433, %mul3A_435 : vector<16xf32>
        %swap3A_437 = arith.constant 4 : i32
        %swap3A_438 = arith.index_cast %swap3A_437 : i32 to index
        %swap3A_439 = arith.index_cast %add3A_284 : i32 to index
        %swap3A_440 = tpu.vector_load %arg7[%swap3A_438, %swap3A_439] {strides = array<i32>} : memref<16x512xf32, #tpu.memory_space<vmem>>, vector<1x16xf32>,
        %swap3A_441 = vector.shape_cast %swap3A_440 : vector<1x16xf32> to vector<16xf32>
        %swap3A_442 = vector.shape_cast %mul3A_436 : vector<16xf32> to vector<1x16xf32>
        tpu.vector_store %arg7[%swap3A_438, %swap3A_439], %swap3A_442 {strides = array<i32>} : memref<16x512xf32, #tpu.memory_space<vmem>>, vector<1x16xf32>,
        %get3A_443 = arith.constant 20 : i32
        %get3A_444 = arith.index_cast %get3A_443 : i32 to index
        %get3A_445 = arith.index_cast %add3A_284 : i32 to index
        %get3A_446 = tpu.vector_load %arg5[%get3A_444, %get3A_445] {strides = array<i32>} : memref<64x512xf32, #tpu.memory_space<vmem>>, vector<1x16xf32>,
        %get3A_447 = vector.shape_cast %get3A_446 : vector<1x16xf32> to vector<16xf32>
        %get3A_448 = arith.constant 21 : i32
        %get3A_449 = arith.index_cast %get3A_448 : i32 to index
        %get3A_450 = arith.index_cast %add3A_284 : i32 to index
        %get3A_451 = tpu.vector_load %arg5[%get3A_449, %get3A_450] {strides = array<i32>} : memref<64x512xf32, #tpu.memory_space<vmem>>, vector<1x16xf32>,
        %get3A_452 = vector.shape_cast %get3A_451 : vector<1x16xf32> to vector<16xf32>
        %add3A_453 = arith.addf %get3A_447, %get3A_452 : vector<16xf32>
        %get3A_454 = arith.constant 22 : i32
        %get3A_455 = arith.index_cast %get3A_454 : i32 to index
        %get3A_456 = arith.index_cast %add3A_284 : i32 to index
        %get3A_457 = tpu.vector_load %arg5[%get3A_455, %get3A_456] {strides = array<i32>} : memref<64x512xf32, #tpu.memory_space<vmem>>, vector<1x16xf32>,
        %get3A_458 = vector.shape_cast %get3A_457 : vector<1x16xf32> to vector<16xf32>
        %add3A_459 = arith.addf %add3A_453, %get3A_458 : vector<16xf32>
        %get3A_460 = arith.constant 23 : i32
        %get3A_461 = arith.index_cast %get3A_460 : i32 to index
        %get3A_462 = arith.index_cast %add3A_284 : i32 to index
        %get3A_463 = tpu.vector_load %arg5[%get3A_461, %get3A_462] {strides = array<i32>} : memref<64x512xf32, #tpu.memory_space<vmem>>, vector<1x16xf32>,
        %get3A_464 = vector.shape_cast %get3A_463 : vector<1x16xf32> to vector<16xf32>
        %add3A_465 = arith.addf %add3A_459, %get3A_464 : vector<16xf32>
        %mul3A_466 = arith.constant 2.500000e-01 : f32
        %mul3A_467 = vector.broadcast %mul3A_466 : f32 to vector<16xf32>
        %mul3A_468 = arith.mulf %add3A_465, %mul3A_467 : vector<16xf32>
        %swap3A_469 = arith.constant 5 : i32
        %swap3A_470 = arith.index_cast %swap3A_469 : i32 to index
        %swap3A_471 = arith.index_cast %add3A_284 : i32 to index
        %swap3A_472 = tpu.vector_load %arg7[%swap3A_470, %swap3A_471] {strides = array<i32>} : memref<16x512xf32, #tpu.memory_space<vmem>>, vector<1x16xf32>,
        %swap3A_473 = vector.shape_cast %swap3A_472 : vector<1x16xf32> to vector<16xf32>
        %swap3A_474 = vector.shape_cast %mul3A_468 : vector<16xf32> to vector<1x16xf32>
        tpu.vector_store %arg7[%swap3A_470, %swap3A_471], %swap3A_474 {strides = array<i32>} : memref<16x512xf32, #tpu.memory_space<vmem>>, vector<1x16xf32>,
        %get3A_475 = arith.constant 24 : i32
        %get3A_476 = arith.index_cast %get3A_475 : i32 to index
        %get3A_477 = arith.index_cast %add3A_284 : i32 to index
        %get3A_478 = tpu.vector_load %arg5[%get3A_476, %get3A_477] {strides = array<i32>} : memref<64x512xf32, #tpu.memory_space<vmem>>, vector<1x16xf32>,
        %get3A_479 = vector.shape_cast %get3A_478 : vector<1x16xf32> to vector<16xf32>
        %get3A_480 = arith.constant 25 : i32
        %get3A_481 = arith.index_cast %get3A_480 : i32 to index
        %get3A_482 = arith.index_cast %add3A_284 : i32 to index
        %get3A_483 = tpu.vector_load %arg5[%get3A_481, %get3A_482] {strides = array<i32>} : memref<64x512xf32, #tpu.memory_space<vmem>>, vector<1x16xf32>,
        %get3A_484 = vector.shape_cast %get3A_483 : vector<1x16xf32> to vector<16xf32>
        %add3A_485 = arith.addf %get3A_479, %get3A_484 : vector<16xf32>
        %get3A_486 = arith.constant 26 : i32
        %get3A_487 = arith.index_cast %get3A_486 : i32 to index
        %get3A_488 = arith.index_cast %add3A_284 : i32 to index
        %get3A_489 = tpu.vector_load %arg5[%get3A_487, %get3A_488] {strides = array<i32>} : memref<64x512xf32, #tpu.memory_space<vmem>>, vector<1x16xf32>,
        %get3A_490 = vector.shape_cast %get3A_489 : vector<1x16xf32> to vector<16xf32>
        %add3A_491 = arith.addf %add3A_485, %get3A_490 : vector<16xf32>
        %get3A_492 = arith.constant 27 : i32
        %get3A_493 = arith.index_cast %get3A_492 : i32 to index
        %get3A_494 = arith.index_cast %add3A_284 : i32 to index
        %get3A_495 = tpu.vector_load %arg5[%get3A_493, %get3A_494] {strides = array<i32>} : memref<64x512xf32, #tpu.memory_space<vmem>>, vector<1x16xf32>,
        %get3A_496 = vector.shape_cast %get3A_495 : vector<1x16xf32> to vector<16xf32>
        %add3A_497 = arith.addf %add3A_491, %get3A_496 : vector<16xf32>
        %mul3A_498 = arith.constant 2.500000e-01 : f32
        %mul3A_499 = vector.broadcast %mul3A_498 : f32 to vector<16xf32>
        %mul3A_500 = arith.mulf %add3A_497, %mul3A_499 : vector<16xf32>
        %swap3A_501 = arith.constant 6 : i32
        %swap3A_502 = arith.index_cast %swap3A_501 : i32 to index
        %swap3A_503 = arith.index_cast %add3A_284 : i32 to index
        %swap3A_504 = tpu.vector_load %arg7[%swap3A_502, %swap3A_503] {strides = array<i32>} : memref<16x512xf32, #tpu.memory_space<vmem>>, vector<1x16xf32>,
        %swap3A_505 = vector.shape_cast %swap3A_504 : vector<1x16xf32> to vector<16xf32>
        %swap3A_506 = vector.shape_cast %mul3A_500 : vector<16xf32> to vector<1x16xf32>
        tpu.vector_store %arg7[%swap3A_502, %swap3A_503], %swap3A_506 {strides = array<i32>} : memref<16x512xf32, #tpu.memory_space<vmem>>, vector<1x16xf32>,
        %get3A_507 = arith.constant 28 : i32
        %get3A_508 = arith.index_cast %get3A_507 : i32 to index
        %get3A_509 = arith.index_cast %add3A_284 : i32 to index
        %get3A_510 = tpu.vector_load %arg5[%get3A_508, %get3A_509] {strides = array<i32>} : memref<64x512xf32, #tpu.memory_space<vmem>>, vector<1x16xf32>,
        %get3A_511 = vector.shape_cast %get3A_510 : vector<1x16xf32> to vector<16xf32>
        %get3A_512 = arith.constant 29 : i32
        %get3A_513 = arith.index_cast %get3A_512 : i32 to index
        %get3A_514 = arith.index_cast %add3A_284 : i32 to index
        %get3A_515 = tpu.vector_load %arg5[%get3A_513, %get3A_514] {strides = array<i32>} : memref<64x512xf32, #tpu.memory_space<vmem>>, vector<1x16xf32>,
        %get3A_516 = vector.shape_cast %get3A_515 : vector<1x16xf32> to vector<16xf32>
        %add3A_517 = arith.addf %get3A_511, %get3A_516 : vector<16xf32>
        %get3A_518 = arith.constant 30 : i32
        %get3A_519 = arith.index_cast %get3A_518 : i32 to index
        %get3A_520 = arith.index_cast %add3A_284 : i32 to index
        %get3A_521 = tpu.vector_load %arg5[%get3A_519, %get3A_520] {strides = array<i32>} : memref<64x512xf32, #tpu.memory_space<vmem>>, vector<1x16xf32>,
        %get3A_522 = vector.shape_cast %get3A_521 : vector<1x16xf32> to vector<16xf32>
        %add3A_523 = arith.addf %add3A_517, %get3A_522 : vector<16xf32>
        %get3A_524 = arith.constant 31 : i32
        %get3A_525 = arith.index_cast %get3A_524 : i32 to index
        %get3A_526 = arith.index_cast %add3A_284 : i32 to index
        %get3A_527 = tpu.vector_load %arg5[%get3A_525, %get3A_526] {strides = array<i32>} : memref<64x512xf32, #tpu.memory_space<vmem>>, vector<1x16xf32>,
        %get3A_528 = vector.shape_cast %get3A_527 : vector<1x16xf32> to vector<16xf32>
        %add3A_529 = arith.addf %add3A_523, %get3A_528 : vector<16xf32>
        %mul3A_530 = arith.constant 2.500000e-01 : f32
        %mul3A_531 = vector.broadcast %mul3A_530 : f32 to vector<16xf32>
        %mul3A_532 = arith.mulf %add3A_529, %mul3A_531 : vector<16xf32>
        %swap3A_533 = arith.constant 7 : i32
        %swap3A_534 = arith.index_cast %swap3A_533 : i32 to index
        %swap3A_535 = arith.index_cast %add3A_284 : i32 to index
        %swap3A_536 = tpu.vector_load %arg7[%swap3A_534, %swap3A_535] {strides = array<i32>} : memref<16x512xf32, #tpu.memory_space<vmem>>, vector<1x16xf32>,
        %swap3A_537 = vector.shape_cast %swap3A_536 : vector<1x16xf32> to vector<16xf32>
        %swap3A_538 = vector.shape_cast %mul3A_532 : vector<16xf32> to vector<1x16xf32>
        tpu.vector_store %arg7[%swap3A_534, %swap3A_535], %swap3A_538 {strides = array<i32>} : memref<16x512xf32, #tpu.memory_space<vmem>>, vector<1x16xf32>,
        %get3A_539 = arith.constant 32 : i32
        %get3A_540 = arith.index_cast %get3A_539 : i32 to index
        %get3A_541 = arith.index_cast %add3A_284 : i32 to index
        %get3A_542 = tpu.vector_load %arg5[%get3A_540, %get3A_541] {strides = array<i32>} : memref<64x512xf32, #tpu.memory_space<vmem>>, vector<1x16xf32>,
        %get3A_543 = vector.shape_cast %get3A_542 : vector<1x16xf32> to vector<16xf32>
        %get3A_544 = arith.constant 33 : i32
        %get3A_545 = arith.index_cast %get3A_544 : i32 to index
        %get3A_546 = arith.index_cast %add3A_284 : i32 to index
        %get3A_547 = tpu.vector_load %arg5[%get3A_545, %get3A_546] {strides = array<i32>} : memref<64x512xf32, #tpu.memory_space<vmem>>, vector<1x16xf32>,
        %get3A_548 = vector.shape_cast %get3A_547 : vector<1x16xf32> to vector<16xf32>
        %add3A_549 = arith.addf %get3A_543, %get3A_548 : vector<16xf32>
        %get3A_550 = arith.constant 34 : i32
        %get3A_551 = arith.index_cast %get3A_550 : i32 to index
        %get3A_552 = arith.index_cast %add3A_284 : i32 to index
        %get3A_553 = tpu.vector_load %arg5[%get3A_551, %get3A_552] {strides = array<i32>} : memref<64x512xf32, #tpu.memory_space<vmem>>, vector<1x16xf32>,
        %get3A_554 = vector.shape_cast %get3A_553 : vector<1x16xf32> to vector<16xf32>
        %add3A_555 = arith.addf %add3A_549, %get3A_554 : vector<16xf32>
        %get3A_556 = arith.constant 35 : i32
        %get3A_557 = arith.index_cast %get3A_556 : i32 to index
        %get3A_558 = arith.index_cast %add3A_284 : i32 to index
        %get3A_559 = tpu.vector_load %arg5[%get3A_557, %get3A_558] {strides = array<i32>} : memref<64x512xf32, #tpu.memory_space<vmem>>, vector<1x16xf32>,
        %get3A_560 = vector.shape_cast %get3A_559 : vector<1x16xf32> to vector<16xf32>
        %add3A_561 = arith.addf %add3A_555, %get3A_560 : vector<16xf32>
        %mul3A_562 = arith.constant 2.500000e-01 : f32
        %mul3A_563 = vector.broadcast %mul3A_562 : f32 to vector<16xf32>
        %mul3A_564 = arith.mulf %add3A_561, %mul3A_563 : vector<16xf32>
        %swap3A_565 = arith.constant 8 : i32
        %swap3A_566 = arith.index_cast %swap3A_565 : i32 to index
        %swap3A_567 = arith.index_cast %add3A_284 : i32 to index
        %swap3A_568 = tpu.vector_load %arg7[%swap3A_566, %swap3A_567] {strides = array<i32>} : memref<16x512xf32, #tpu.memory_space<vmem>>, vector<1x16xf32>,
        %swap3A_569 = vector.shape_cast %swap3A_568 : vector<1x16xf32> to vector<16xf32>
        %swap3A_570 = vector.shape_cast %mul3A_564 : vector<16xf32> to vector<1x16xf32>
        tpu.vector_store %arg7[%swap3A_566, %swap3A_567], %swap3A_570 {strides = array<i32>} : memref<16x512xf32, #tpu.memory_space<vmem>>, vector<1x16xf32>,
        %get3A_571 = arith.constant 36 : i32
        %get3A_572 = arith.index_cast %get3A_571 : i32 to index
        %get3A_573 = arith.index_cast %add3A_284 : i32 to index
        %get3A_574 = tpu.vector_load %arg5[%get3A_572, %get3A_573] {strides = array<i32>} : memref<64x512xf32, #tpu.memory_space<vmem>>, vector<1x16xf32>,
        %get3A_575 = vector.shape_cast %get3A_574 : vector<1x16xf32> to vector<16xf32>
        %get3A_576 = arith.constant 37 : i32
        %get3A_577 = arith.index_cast %get3A_576 : i32 to index
        %get3A_578 = arith.index_cast %add3A_284 : i32 to index
        %get3A_579 = tpu.vector_load %arg5[%get3A_577, %get3A_578] {strides = array<i32>} : memref<64x512xf32, #tpu.memory_space<vmem>>, vector<1x16xf32>,
        %get3A_580 = vector.shape_cast %get3A_579 : vector<1x16xf32> to vector<16xf32>
        %add3A_581 = arith.addf %get3A_575, %get3A_580 : vector<16xf32>
        %get3A_582 = arith.constant 38 : i32
        %get3A_583 = arith.index_cast %get3A_582 : i32 to index
        %get3A_584 = arith.index_cast %add3A_284 : i32 to index
        %get3A_585 = tpu.vector_load %arg5[%get3A_583, %get3A_584] {strides = array<i32>} : memref<64x512xf32, #tpu.memory_space<vmem>>, vector<1x16xf32>,
        %get3A_586 = vector.shape_cast %get3A_585 : vector<1x16xf32> to vector<16xf32>
        %add3A_587 = arith.addf %add3A_581, %get3A_586 : vector<16xf32>
        %get3A_588 = arith.constant 39 : i32
        %get3A_589 = arith.index_cast %get3A_588 : i32 to index
        %get3A_590 = arith.index_cast %add3A_284 : i32 to index
        %get3A_591 = tpu.vector_load %arg5[%get3A_589, %get3A_590] {strides = array<i32>} : memref<64x512xf32, #tpu.memory_space<vmem>>, vector<1x16xf32>,
        %get3A_592 = vector.shape_cast %get3A_591 : vector<1x16xf32> to vector<16xf32>
        %add3A_593 = arith.addf %add3A_587, %get3A_592 : vector<16xf32>
        %mul3A_594 = arith.constant 2.500000e-01 : f32
        %mul3A_595 = vector.broadcast %mul3A_594 : f32 to vector<16xf32>
        %mul3A_596 = arith.mulf %add3A_593, %mul3A_595 : vector<16xf32>
        %swap3A_597 = arith.constant 9 : i32
        %swap3A_598 = arith.index_cast %swap3A_597 : i32 to index
        %swap3A_599 = arith.index_cast %add3A_284 : i32 to index
        %swap3A_600 = tpu.vector_load %arg7[%swap3A_598, %swap3A_599] {strides = array<i32>} : memref<16x512xf32, #tpu.memory_space<vmem>>, vector<1x16xf32>,
        %swap3A_601 = vector.shape_cast %swap3A_600 : vector<1x16xf32> to vector<16xf32>
        %swap3A_602 = vector.shape_cast %mul3A_596 : vector<16xf32> to vector<1x16xf32>
        tpu.vector_store %arg7[%swap3A_598, %swap3A_599], %swap3A_602 {strides = array<i32>} : memref<16x512xf32, #tpu.memory_space<vmem>>, vector<1x16xf32>,
        %get3A_603 = arith.constant 40 : i32
        %get3A_604 = arith.index_cast %get3A_603 : i32 to index
        %get3A_605 = arith.index_cast %add3A_284 : i32 to index
        %get3A_606 = tpu.vector_load %arg5[%get3A_604, %get3A_605] {strides = array<i32>} : memref<64x512xf32, #tpu.memory_space<vmem>>, vector<1x16xf32>,
        %get3A_607 = vector.shape_cast %get3A_606 : vector<1x16xf32> to vector<16xf32>
        %get3A_608 = arith.constant 41 : i32
        %get3A_609 = arith.index_cast %get3A_608 : i32 to index
        %get3A_610 = arith.index_cast %add3A_284 : i32 to index
        %get3A_611 = tpu.vector_load %arg5[%get3A_609, %get3A_610] {strides = array<i32>} : memref<64x512xf32, #tpu.memory_space<vmem>>, vector<1x16xf32>,
        %get3A_612 = vector.shape_cast %get3A_611 : vector<1x16xf32> to vector<16xf32>
        %add3A_613 = arith.addf %get3A_607, %get3A_612 : vector<16xf32>
        %get3A_614 = arith.constant 42 : i32
        %get3A_615 = arith.index_cast %get3A_614 : i32 to index
        %get3A_616 = arith.index_cast %add3A_284 : i32 to index
        %get3A_617 = tpu.vector_load %arg5[%get3A_615, %get3A_616] {strides = array<i32>} : memref<64x512xf32, #tpu.memory_space<vmem>>, vector<1x16xf32>,
        %get3A_618 = vector.shape_cast %get3A_617 : vector<1x16xf32> to vector<16xf32>
        %add3A_619 = arith.addf %add3A_613, %get3A_618 : vector<16xf32>
        %get3A_620 = arith.constant 43 : i32
        %get3A_621 = arith.index_cast %get3A_620 : i32 to index
        %get3A_622 = arith.index_cast %add3A_284 : i32 to index
        %get3A_623 = tpu.vector_load %arg5[%get3A_621, %get3A_622] {strides = array<i32>} : memref<64x512xf32, #tpu.memory_space<vmem>>, vector<1x16xf32>,
        %get3A_624 = vector.shape_cast %get3A_623 : vector<1x16xf32> to vector<16xf32>
        %add3A_625 = arith.addf %add3A_619, %get3A_624 : vector<16xf32>
        %mul3A_626 = arith.constant 2.500000e-01 : f32
        %mul3A_627 = vector.broadcast %mul3A_626 : f32 to vector<16xf32>
        %mul3A_628 = arith.mulf %add3A_625, %mul3A_627 : vector<16xf32>
        %swap3A_629 = arith.constant 10 : i32
        %swap3A_630 = arith.index_cast %swap3A_629 : i32 to index
        %swap3A_631 = arith.index_cast %add3A_284 : i32 to index
        %swap3A_632 = tpu.vector_load %arg7[%swap3A_630, %swap3A_631] {strides = array<i32>} : memref<16x512xf32, #tpu.memory_space<vmem>>, vector<1x16xf32>,
        %swap3A_633 = vector.shape_cast %swap3A_632 : vector<1x16xf32> to vector<16xf32>
        %swap3A_634 = vector.shape_cast %mul3A_628 : vector<16xf32> to vector<1x16xf32>
        tpu.vector_store %arg7[%swap3A_630, %swap3A_631], %swap3A_634 {strides = array<i32>} : memref<16x512xf32, #tpu.memory_space<vmem>>, vector<1x16xf32>,
        %get3A_635 = arith.constant 44 : i32
        %get3A_636 = arith.index_cast %get3A_635 : i32 to index
        %get3A_637 = arith.index_cast %add3A_284 : i32 to index
        %get3A_638 = tpu.vector_load %arg5[%get3A_636, %get3A_637] {strides = array<i32>} : memref<64x512xf32, #tpu.memory_space<vmem>>, vector<1x16xf32>,
        %get3A_639 = vector.shape_cast %get3A_638 : vector<1x16xf32> to vector<16xf32>
        %get3A_640 = arith.constant 45 : i32
        %get3A_641 = arith.index_cast %get3A_640 : i32 to index
        %get3A_642 = arith.index_cast %add3A_284 : i32 to index
        %get3A_643 = tpu.vector_load %arg5[%get3A_641, %get3A_642] {strides = array<i32>} : memref<64x512xf32, #tpu.memory_space<vmem>>, vector<1x16xf32>,
        %get3A_644 = vector.shape_cast %get3A_643 : vector<1x16xf32> to vector<16xf32>
        %add3A_645 = arith.addf %get3A_639, %get3A_644 : vector<16xf32>
        %get3A_646 = arith.constant 46 : i32
        %get3A_647 = arith.index_cast %get3A_646 : i32 to index
        %get3A_648 = arith.index_cast %add3A_284 : i32 to index
        %get3A_649 = tpu.vector_load %arg5[%get3A_647, %get3A_648] {strides = array<i32>} : memref<64x512xf32, #tpu.memory_space<vmem>>, vector<1x16xf32>,
        %get3A_650 = vector.shape_cast %get3A_649 : vector<1x16xf32> to vector<16xf32>
        %add3A_651 = arith.addf %add3A_645, %get3A_650 : vector<16xf32>
        %get3A_652 = arith.constant 47 : i32
        %get3A_653 = arith.index_cast %get3A_652 : i32 to index
        %get3A_654 = arith.index_cast %add3A_284 : i32 to index
        %get3A_655 = tpu.vector_load %arg5[%get3A_653, %get3A_654] {strides = array<i32>} : memref<64x512xf32, #tpu.memory_space<vmem>>, vector<1x16xf32>,
        %get3A_656 = vector.shape_cast %get3A_655 : vector<1x16xf32> to vector<16xf32>
        %add3A_657 = arith.addf %add3A_651, %get3A_656 : vector<16xf32>
        %mul3A_658 = arith.constant 2.500000e-01 : f32
        %mul3A_659 = vector.broadcast %mul3A_658 : f32 to vector<16xf32>
        %mul3A_660 = arith.mulf %add3A_657, %mul3A_659 : vector<16xf32>
        %swap3A_661 = arith.constant 11 : i32
        %swap3A_662 = arith.index_cast %swap3A_661 : i32 to index
        %swap3A_663 = arith.index_cast %add3A_284 : i32 to index
        %swap3A_664 = tpu.vector_load %arg7[%swap3A_662, %swap3A_663] {strides = array<i32>} : memref<16x512xf32, #tpu.memory_space<vmem>>, vector<1x16xf32>,
        %swap3A_665 = vector.shape_cast %swap3A_664 : vector<1x16xf32> to vector<16xf32>
        %swap3A_666 = vector.shape_cast %mul3A_660 : vector<16xf32> to vector<1x16xf32>
        tpu.vector_store %arg7[%swap3A_662, %swap3A_663], %swap3A_666 {strides = array<i32>} : memref<16x512xf32, #tpu.memory_space<vmem>>, vector<1x16xf32>,
        %get3A_667 = arith.constant 48 : i32
        %get3A_668 = arith.index_cast %get3A_667 : i32 to index
        %get3A_669 = arith.index_cast %add3A_284 : i32 to index
        %get3A_670 = tpu.vector_load %arg5[%get3A_668, %get3A_669] {strides = array<i32>} : memref<64x512xf32, #tpu.memory_space<vmem>>, vector<1x16xf32>,
        %get3A_671 = vector.shape_cast %get3A_670 : vector<1x16xf32> to vector<16xf32>
        %get3A_672 = arith.constant 49 : i32
        %get3A_673 = arith.index_cast %get3A_672 : i32 to index
        %get3A_674 = arith.index_cast %add3A_284 : i32 to index
        %get3A_675 = tpu.vector_load %arg5[%get3A_673, %get3A_674] {strides = array<i32>} : memref<64x512xf32, #tpu.memory_space<vmem>>, vector<1x16xf32>,
        %get3A_676 = vector.shape_cast %get3A_675 : vector<1x16xf32> to vector<16xf32>
        %add3A_677 = arith.addf %get3A_671, %get3A_676 : vector<16xf32>
        %get3A_678 = arith.constant 50 : i32
        %get3A_679 = arith.index_cast %get3A_678 : i32 to index
        %get3A_680 = arith.index_cast %add3A_284 : i32 to index
        %get3A_681 = tpu.vector_load %arg5[%get3A_679, %get3A_680] {strides = array<i32>} : memref<64x512xf32, #tpu.memory_space<vmem>>, vector<1x16xf32>,
        %get3A_682 = vector.shape_cast %get3A_681 : vector<1x16xf32> to vector<16xf32>
        %add3A_683 = arith.addf %add3A_677, %get3A_682 : vector<16xf32>
        %get3A_684 = arith.constant 51 : i32
        %get3A_685 = arith.index_cast %get3A_684 : i32 to index
        %get3A_686 = arith.index_cast %add3A_284 : i32 to index
        %get3A_687 = tpu.vector_load %arg5[%get3A_685, %get3A_686] {strides = array<i32>} : memref<64x512xf32, #tpu.memory_space<vmem>>, vector<1x16xf32>,
        %get3A_688 = vector.shape_cast %get3A_687 : vector<1x16xf32> to vector<16xf32>
        %add3A_689 = arith.addf %add3A_683, %get3A_688 : vector<16xf32>
        %mul3A_690 = arith.constant 2.500000e-01 : f32
        %mul3A_691 = vector.broadcast %mul3A_690 : f32 to vector<16xf32>
        %mul3A_692 = arith.mulf %add3A_689, %mul3A_691 : vector<16xf32>
        %swap3A_693 = arith.constant 12 : i32
        %swap3A_694 = arith.index_cast %swap3A_693 : i32 to index
        %swap3A_695 = arith.index_cast %add3A_284 : i32 to index
        %swap3A_696 = tpu.vector_load %arg7[%swap3A_694, %swap3A_695] {strides = array<i32>} : memref<16x512xf32, #tpu.memory_space<vmem>>, vector<1x16xf32>,
        %swap3A_697 = vector.shape_cast %swap3A_696 : vector<1x16xf32> to vector<16xf32>
        %swap3A_698 = vector.shape_cast %mul3A_692 : vector<16xf32> to vector<1x16xf32>
        tpu.vector_store %arg7[%swap3A_694, %swap3A_695], %swap3A_698 {strides = array<i32>} : memref<16x512xf32, #tpu.memory_space<vmem>>, vector<1x16xf32>,
        %get3A_699 = arith.constant 52 : i32
        %get3A_700 = arith.index_cast %get3A_699 : i32 to index
        %get3A_701 = arith.index_cast %add3A_284 : i32 to index
        %get3A_702 = tpu.vector_load %arg5[%get3A_700, %get3A_701] {strides = array<i32>} : memref<64x512xf32, #tpu.memory_space<vmem>>, vector<1x16xf32>,
        %get3A_703 = vector.shape_cast %get3A_702 : vector<1x16xf32> to vector<16xf32>
        %get3A_704 = arith.constant 53 : i32
        %get3A_705 = arith.index_cast %get3A_704 : i32 to index
        %get3A_706 = arith.index_cast %add3A_284 : i32 to index
        %get3A_707 = tpu.vector_load %arg5[%get3A_705, %get3A_706] {strides = array<i32>} : memref<64x512xf32, #tpu.memory_space<vmem>>, vector<1x16xf32>,
        %get3A_708 = vector.shape_cast %get3A_707 : vector<1x16xf32> to vector<16xf32>
        %add3A_709 = arith.addf %get3A_703, %get3A_708 : vector<16xf32>
        %get3A_710 = arith.constant 54 : i32
        %get3A_711 = arith.index_cast %get3A_710 : i32 to index
        %get3A_712 = arith.index_cast %add3A_284 : i32 to index
        %get3A_713 = tpu.vector_load %arg5[%get3A_711, %get3A_712] {strides = array<i32>} : memref<64x512xf32, #tpu.memory_space<vmem>>, vector<1x16xf32>,
        %get3A_714 = vector.shape_cast %get3A_713 : vector<1x16xf32> to vector<16xf32>
        %add3A_715 = arith.addf %add3A_709, %get3A_714 : vector<16xf32>
        %get3A_716 = arith.constant 55 : i32
        %get3A_717 = arith.index_cast %get3A_716 : i32 to index
        %get3A_718 = arith.index_cast %add3A_284 : i32 to index
        %get3A_719 = tpu.vector_load %arg5[%get3A_717, %get3A_718] {strides = array<i32>} : memref<64x512xf32, #tpu.memory_space<vmem>>, vector<1x16xf32>,
        %get3A_720 = vector.shape_cast %get3A_719 : vector<1x16xf32> to vector<16xf32>
        %add3A_721 = arith.addf %add3A_715, %get3A_720 : vector<16xf32>
        %mul3A_722 = arith.constant 2.500000e-01 : f32
        %mul3A_723 = vector.broadcast %mul3A_722 : f32 to vector<16xf32>
        %mul3A_724 = arith.mulf %add3A_721, %mul3A_723 : vector<16xf32>
        %swap3A_725 = arith.constant 13 : i32
        %swap3A_726 = arith.index_cast %swap3A_725 : i32 to index
        %swap3A_727 = arith.index_cast %add3A_284 : i32 to index
        %swap3A_728 = tpu.vector_load %arg7[%swap3A_726, %swap3A_727] {strides = array<i32>} : memref<16x512xf32, #tpu.memory_space<vmem>>, vector<1x16xf32>,
        %swap3A_729 = vector.shape_cast %swap3A_728 : vector<1x16xf32> to vector<16xf32>
        %swap3A_730 = vector.shape_cast %mul3A_724 : vector<16xf32> to vector<1x16xf32>
        tpu.vector_store %arg7[%swap3A_726, %swap3A_727], %swap3A_730 {strides = array<i32>} : memref<16x512xf32, #tpu.memory_space<vmem>>, vector<1x16xf32>,
        %get3A_731 = arith.constant 56 : i32
        %get3A_732 = arith.index_cast %get3A_731 : i32 to index
        %get3A_733 = arith.index_cast %add3A_284 : i32 to index
        %get3A_734 = tpu.vector_load %arg5[%get3A_732, %get3A_733] {strides = array<i32>} : memref<64x512xf32, #tpu.memory_space<vmem>>, vector<1x16xf32>,
        %get3A_735 = vector.shape_cast %get3A_734 : vector<1x16xf32> to vector<16xf32>
        %get3A_736 = arith.constant 57 : i32
        %get3A_737 = arith.index_cast %get3A_736 : i32 to index
        %get3A_738 = arith.index_cast %add3A_284 : i32 to index
        %get3A_739 = tpu.vector_load %arg5[%get3A_737, %get3A_738] {strides = array<i32>} : memref<64x512xf32, #tpu.memory_space<vmem>>, vector<1x16xf32>,
        %get3A_740 = vector.shape_cast %get3A_739 : vector<1x16xf32> to vector<16xf32>
        %add3A_741 = arith.addf %get3A_735, %get3A_740 : vector<16xf32>
        %get3A_742 = arith.constant 58 : i32
        %get3A_743 = arith.index_cast %get3A_742 : i32 to index
        %get3A_744 = arith.index_cast %add3A_284 : i32 to index
        %get3A_745 = tpu.vector_load %arg5[%get3A_743, %get3A_744] {strides = array<i32>} : memref<64x512xf32, #tpu.memory_space<vmem>>, vector<1x16xf32>,
        %get3A_746 = vector.shape_cast %get3A_745 : vector<1x16xf32> to vector<16xf32>
        %add3A_747 = arith.addf %add3A_741, %get3A_746 : vector<16xf32>
        %get3A_748 = arith.constant 59 : i32
        %get3A_749 = arith.index_cast %get3A_748 : i32 to index
        %get3A_750 = arith.index_cast %add3A_284 : i32 to index
        %get3A_751 = tpu.vector_load %arg5[%get3A_749, %get3A_750] {strides = array<i32>} : memref<64x512xf32, #tpu.memory_space<vmem>>, vector<1x16xf32>,
        %get3A_752 = vector.shape_cast %get3A_751 : vector<1x16xf32> to vector<16xf32>
        %add3A_753 = arith.addf %add3A_747, %get3A_752 : vector<16xf32>
        %mul3A_754 = arith.constant 2.500000e-01 : f32
        %mul3A_755 = vector.broadcast %mul3A_754 : f32 to vector<16xf32>
        %mul3A_756 = arith.mulf %add3A_753, %mul3A_755 : vector<16xf32>
        %swap3A_757 = arith.constant 14 : i32
        %swap3A_758 = arith.index_cast %swap3A_757 : i32 to index
        %swap3A_759 = arith.index_cast %add3A_284 : i32 to index
        %swap3A_760 = tpu.vector_load %arg7[%swap3A_758, %swap3A_759] {strides = array<i32>} : memref<16x512xf32, #tpu.memory_space<vmem>>, vector<1x16xf32>,
        %swap3A_761 = vector.shape_cast %swap3A_760 : vector<1x16xf32> to vector<16xf32>
        %swap3A_762 = vector.shape_cast %mul3A_756 : vector<16xf32> to vector<1x16xf32>
        tpu.vector_store %arg7[%swap3A_758, %swap3A_759], %swap3A_762 {strides = array<i32>} : memref<16x512xf32, #tpu.memory_space<vmem>>, vector<1x16xf32>,
        %get3A_763 = arith.constant 60 : i32
        %get3A_764 = arith.index_cast %get3A_763 : i32 to index
        %get3A_765 = arith.index_cast %add3A_284 : i32 to index
        %get3A_766 = tpu.vector_load %arg5[%get3A_764, %get3A_765] {strides = array<i32>} : memref<64x512xf32, #tpu.memory_space<vmem>>, vector<1x16xf32>,
        %get3A_767 = vector.shape_cast %get3A_766 : vector<1x16xf32> to vector<16xf32>
        %get3A_768 = arith.constant 61 : i32
        %get3A_769 = arith.index_cast %get3A_768 : i32 to index
        %get3A_770 = arith.index_cast %add3A_284 : i32 to index
        %get3A_771 = tpu.vector_load %arg5[%get3A_769, %get3A_770] {strides = array<i32>} : memref<64x512xf32, #tpu.memory_space<vmem>>, vector<1x16xf32>,
        %get3A_772 = vector.shape_cast %get3A_771 : vector<1x16xf32> to vector<16xf32>
        %add3A_773 = arith.addf %get3A_767, %get3A_772 : vector<16xf32>
        %get3A_774 = arith.constant 62 : i32
        %get3A_775 = arith.index_cast %get3A_774 : i32 to index
        %get3A_776 = arith.index_cast %add3A_284 : i32 to index
        %get3A_777 = tpu.vector_load %arg5[%get3A_775, %get3A_776] {strides = array<i32>} : memref<64x512xf32, #tpu.memory_space<vmem>>, vector<1x16xf32>,
        %get3A_778 = vector.shape_cast %get3A_777 : vector<1x16xf32> to vector<16xf32>
        %add3A_779 = arith.addf %add3A_773, %get3A_778 : vector<16xf32>
        %get3A_780 = arith.constant 63 : i32
        %get3A_781 = arith.index_cast %get3A_780 : i32 to index
        %get3A_782 = arith.index_cast %add3A_284 : i32 to index
        %get3A_783 = tpu.vector_load %arg5[%get3A_781, %get3A_782] {strides = array<i32>} : memref<64x512xf32, #tpu.memory_space<vmem>>, vector<1x16xf32>,
        %get3A_784 = vector.shape_cast %get3A_783 : vector<1x16xf32> to vector<16xf32>
        %add3A_785 = arith.addf %add3A_779, %get3A_784 : vector<16xf32>
        %mul3A_786 = arith.constant 2.500000e-01 : f32
        %mul3A_787 = vector.broadcast %mul3A_786 : f32 to vector<16xf32>
        %mul3A_788 = arith.mulf %add3A_785, %mul3A_787 : vector<16xf32>
        %swap3A_789 = arith.constant 15 : i32
        %swap3A_790 = arith.index_cast %swap3A_789 : i32 to index
        %swap3A_791 = arith.index_cast %add3A_284 : i32 to index
        %swap3A_792 = tpu.vector_load %arg7[%swap3A_790, %swap3A_791] {strides = array<i32>} : memref<16x512xf32, #tpu.memory_space<vmem>>, vector<1x16xf32>,
        %swap3A_793 = vector.shape_cast %swap3A_792 : vector<1x16xf32> to vector<16xf32>
        %swap3A_794 = vector.shape_cast %mul3A_788 : vector<16xf32> to vector<1x16xf32>
        tpu.vector_store %arg7[%swap3A_790, %swap3A_791], %swap3A_794 {strides = array<i32>} : memref<16x512xf32, #tpu.memory_space<vmem>>, vector<1x16xf32>,
        %mul3A_795 = arith.constant 32 : i32
        %mul3A_796 = arith.muli %scan3A_280, %mul3A_795 : i32
        %add3A_797 = arith.constant 16 : i32
        %add3A_798 = arith.addi %mul3A_796, %add3A_797 : i32
        %get3A_799 = arith.constant 0 : i32
        %get3A_800 = arith.index_cast %get3A_799 : i32 to index
        %get3A_801 = arith.index_cast %add3A_798 : i32 to index
        %get3A_802 = tpu.vector_load %arg5[%get3A_800, %get3A_801] {strides = array<i32>} : memref<64x512xf32, #tpu.memory_space<vmem>>, vector<1x16xf32>,
        %get3A_803 = vector.shape_cast %get3A_802 : vector<1x16xf32> to vector<16xf32>
        %get3A_804 = arith.constant 1 : i32
        %get3A_805 = arith.index_cast %get3A_804 : i32 to index
        %get3A_806 = arith.index_cast %add3A_798 : i32 to index
        %get3A_807 = tpu.vector_load %arg5[%get3A_805, %get3A_806] {strides = array<i32>} : memref<64x512xf32, #tpu.memory_space<vmem>>, vector<1x16xf32>,
        %get3A_808 = vector.shape_cast %get3A_807 : vector<1x16xf32> to vector<16xf32>
        %add3A_809 = arith.addf %get3A_803, %get3A_808 : vector<16xf32>
        %get3A_810 = arith.constant 2 : i32
        %get3A_811 = arith.index_cast %get3A_810 : i32 to index
        %get3A_812 = arith.index_cast %add3A_798 : i32 to index
        %get3A_813 = tpu.vector_load %arg5[%get3A_811, %get3A_812] {strides = array<i32>} : memref<64x512xf32, #tpu.memory_space<vmem>>, vector<1x16xf32>,
        %get3A_814 = vector.shape_cast %get3A_813 : vector<1x16xf32> to vector<16xf32>
        %add3A_815 = arith.addf %add3A_809, %get3A_814 : vector<16xf32>
        %get3A_816 = arith.constant 3 : i32
        %get3A_817 = arith.index_cast %get3A_816 : i32 to index
        %get3A_818 = arith.index_cast %add3A_798 : i32 to index
        %get3A_819 = tpu.vector_load %arg5[%get3A_817, %get3A_818] {strides = array<i32>} : memref<64x512xf32, #tpu.memory_space<vmem>>, vector<1x16xf32>,
        %get3A_820 = vector.shape_cast %get3A_819 : vector<1x16xf32> to vector<16xf32>
        %add3A_821 = arith.addf %add3A_815, %get3A_820 : vector<16xf32>
        %mul3A_822 = arith.constant 2.500000e-01 : f32
        %mul3A_823 = vector.broadcast %mul3A_822 : f32 to vector<16xf32>
        %mul3A_824 = arith.mulf %add3A_821, %mul3A_823 : vector<16xf32>
        %swap3A_825 = arith.constant 0 : i32
        %swap3A_826 = arith.index_cast %swap3A_825 : i32 to index
        %swap3A_827 = arith.index_cast %add3A_798 : i32 to index
        %swap3A_828 = tpu.vector_load %arg7[%swap3A_826, %swap3A_827] {strides = array<i32>} : memref<16x512xf32, #tpu.memory_space<vmem>>, vector<1x16xf32>,
        %swap3A_829 = vector.shape_cast %swap3A_828 : vector<1x16xf32> to vector<16xf32>
        %swap3A_830 = vector.shape_cast %mul3A_824 : vector<16xf32> to vector<1x16xf32>
        tpu.vector_store %arg7[%swap3A_826, %swap3A_827], %swap3A_830 {strides = array<i32>} : memref<16x512xf32, #tpu.memory_space<vmem>>, vector<1x16xf32>,
        %get3A_831 = arith.constant 4 : i32
        %get3A_832 = arith.index_cast %get3A_831 : i32 to index
        %get3A_833 = arith.index_cast %add3A_798 : i32 to index
        %get3A_834 = tpu.vector_load %arg5[%get3A_832, %get3A_833] {strides = array<i32>} : memref<64x512xf32, #tpu.memory_space<vmem>>, vector<1x16xf32>,
        %get3A_835 = vector.shape_cast %get3A_834 : vector<1x16xf32> to vector<16xf32>
        %get3A_836 = arith.constant 5 : i32
        %get3A_837 = arith.index_cast %get3A_836 : i32 to index
        %get3A_838 = arith.index_cast %add3A_798 : i32 to index
        %get3A_839 = tpu.vector_load %arg5[%get3A_837, %get3A_838] {strides = array<i32>} : memref<64x512xf32, #tpu.memory_space<vmem>>, vector<1x16xf32>,
        %get3A_840 = vector.shape_cast %get3A_839 : vector<1x16xf32> to vector<16xf32>
        %add3A_841 = arith.addf %get3A_835, %get3A_840 : vector<16xf32>
        %get3A_842 = arith.constant 6 : i32
        %get3A_843 = arith.index_cast %get3A_842 : i32 to index
        %get3A_844 = arith.index_cast %add3A_798 : i32 to index
        %get3A_845 = tpu.vector_load %arg5[%get3A_843, %get3A_844] {strides = array<i32>} : memref<64x512xf32, #tpu.memory_space<vmem>>, vector<1x16xf32>,
        %get3A_846 = vector.shape_cast %get3A_845 : vector<1x16xf32> to vector<16xf32>
        %add3A_847 = arith.addf %add3A_841, %get3A_846 : vector<16xf32>
        %get3A_848 = arith.constant 7 : i32
        %get3A_849 = arith.index_cast %get3A_848 : i32 to index
        %get3A_850 = arith.index_cast %add3A_798 : i32 to index
        %get3A_851 = tpu.vector_load %arg5[%get3A_849, %get3A_850] {strides = array<i32>} : memref<64x512xf32, #tpu.memory_space<vmem>>, vector<1x16xf32>,
        %get3A_852 = vector.shape_cast %get3A_851 : vector<1x16xf32> to vector<16xf32>
        %add3A_853 = arith.addf %add3A_847, %get3A_852 : vector<16xf32>
        %mul3A_854 = arith.constant 2.500000e-01 : f32
        %mul3A_855 = vector.broadcast %mul3A_854 : f32 to vector<16xf32>
        %mul3A_856 = arith.mulf %add3A_853, %mul3A_855 : vector<16xf32>
        %swap3A_857 = arith.constant 1 : i32
        %swap3A_858 = arith.index_cast %swap3A_857 : i32 to index
        %swap3A_859 = arith.index_cast %add3A_798 : i32 to index
        %swap3A_860 = tpu.vector_load %arg7[%swap3A_858, %swap3A_859] {strides = array<i32>} : memref<16x512xf32, #tpu.memory_space<vmem>>, vector<1x16xf32>,
        %swap3A_861 = vector.shape_cast %swap3A_860 : vector<1x16xf32> to vector<16xf32>
        %swap3A_862 = vector.shape_cast %mul3A_856 : vector<16xf32> to vector<1x16xf32>
        tpu.vector_store %arg7[%swap3A_858, %swap3A_859], %swap3A_862 {strides = array<i32>} : memref<16x512xf32, #tpu.memory_space<vmem>>, vector<1x16xf32>,
        %get3A_863 = arith.constant 8 : i32
        %get3A_864 = arith.index_cast %get3A_863 : i32 to index
        %get3A_865 = arith.index_cast %add3A_798 : i32 to index
        %get3A_866 = tpu.vector_load %arg5[%get3A_864, %get3A_865] {strides = array<i32>} : memref<64x512xf32, #tpu.memory_space<vmem>>, vector<1x16xf32>,
        %get3A_867 = vector.shape_cast %get3A_866 : vector<1x16xf32> to vector<16xf32>
        %get3A_868 = arith.constant 9 : i32
        %get3A_869 = arith.index_cast %get3A_868 : i32 to index
        %get3A_870 = arith.index_cast %add3A_798 : i32 to index
        %get3A_871 = tpu.vector_load %arg5[%get3A_869, %get3A_870] {strides = array<i32>} : memref<64x512xf32, #tpu.memory_space<vmem>>, vector<1x16xf32>,
        %get3A_872 = vector.shape_cast %get3A_871 : vector<1x16xf32> to vector<16xf32>
        %add3A_873 = arith.addf %get3A_867, %get3A_872 : vector<16xf32>
        %get3A_874 = arith.constant 10 : i32
        %get3A_875 = arith.index_cast %get3A_874 : i32 to index
        %get3A_876 = arith.index_cast %add3A_798 : i32 to index
        %get3A_877 = tpu.vector_load %arg5[%get3A_875, %get3A_876] {strides = array<i32>} : memref<64x512xf32, #tpu.memory_space<vmem>>, vector<1x16xf32>,
        %get3A_878 = vector.shape_cast %get3A_877 : vector<1x16xf32> to vector<16xf32>
        %add3A_879 = arith.addf %add3A_873, %get3A_878 : vector<16xf32>
        %get3A_880 = arith.constant 11 : i32
        %get3A_881 = arith.index_cast %get3A_880 : i32 to index
        %get3A_882 = arith.index_cast %add3A_798 : i32 to index
        %get3A_883 = tpu.vector_load %arg5[%get3A_881, %get3A_882] {strides = array<i32>} : memref<64x512xf32, #tpu.memory_space<vmem>>, vector<1x16xf32>,
        %get3A_884 = vector.shape_cast %get3A_883 : vector<1x16xf32> to vector<16xf32>
        %add3A_885 = arith.addf %add3A_879, %get3A_884 : vector<16xf32>
        %mul3A_886 = arith.constant 2.500000e-01 : f32
        %mul3A_887 = vector.broadcast %mul3A_886 : f32 to vector<16xf32>
        %mul3A_888 = arith.mulf %add3A_885, %mul3A_887 : vector<16xf32>
        %swap3A_889 = arith.constant 2 : i32
        %swap3A_890 = arith.index_cast %swap3A_889 : i32 to index
        %swap3A_891 = arith.index_cast %add3A_798 : i32 to index
        %swap3A_892 = tpu.vector_load %arg7[%swap3A_890, %swap3A_891] {strides = array<i32>} : memref<16x512xf32, #tpu.memory_space<vmem>>, vector<1x16xf32>,
        %swap3A_893 = vector.shape_cast %swap3A_892 : vector<1x16xf32> to vector<16xf32>
        %swap3A_894 = vector.shape_cast %mul3A_888 : vector<16xf32> to vector<1x16xf32>
        tpu.vector_store %arg7[%swap3A_890, %swap3A_891], %swap3A_894 {strides = array<i32>} : memref<16x512xf32, #tpu.memory_space<vmem>>, vector<1x16xf32>,
        %get3A_895 = arith.constant 12 : i32
        %get3A_896 = arith.index_cast %get3A_895 : i32 to index
        %get3A_897 = arith.index_cast %add3A_798 : i32 to index
        %get3A_898 = tpu.vector_load %arg5[%get3A_896, %get3A_897] {strides = array<i32>} : memref<64x512xf32, #tpu.memory_space<vmem>>, vector<1x16xf32>,
        %get3A_899 = vector.shape_cast %get3A_898 : vector<1x16xf32> to vector<16xf32>
        %get3A_900 = arith.constant 13 : i32
        %get3A_901 = arith.index_cast %get3A_900 : i32 to index
        %get3A_902 = arith.index_cast %add3A_798 : i32 to index
        %get3A_903 = tpu.vector_load %arg5[%get3A_901, %get3A_902] {strides = array<i32>} : memref<64x512xf32, #tpu.memory_space<vmem>>, vector<1x16xf32>,
        %get3A_904 = vector.shape_cast %get3A_903 : vector<1x16xf32> to vector<16xf32>
        %add3A_905 = arith.addf %get3A_899, %get3A_904 : vector<16xf32>
        %get3A_906 = arith.constant 14 : i32
        %get3A_907 = arith.index_cast %get3A_906 : i32 to index
        %get3A_908 = arith.index_cast %add3A_798 : i32 to index
        %get3A_909 = tpu.vector_load %arg5[%get3A_907, %get3A_908] {strides = array<i32>} : memref<64x512xf32, #tpu.memory_space<vmem>>, vector<1x16xf32>,
        %get3A_910 = vector.shape_cast %get3A_909 : vector<1x16xf32> to vector<16xf32>
        %add3A_911 = arith.addf %add3A_905, %get3A_910 : vector<16xf32>
        %get3A_912 = arith.constant 15 : i32
        %get3A_913 = arith.index_cast %get3A_912 : i32 to index
        %get3A_914 = arith.index_cast %add3A_798 : i32 to index
        %get3A_915 = tpu.vector_load %arg5[%get3A_913, %get3A_914] {strides = array<i32>} : memref<64x512xf32, #tpu.memory_space<vmem>>, vector<1x16xf32>,
        %get3A_916 = vector.shape_cast %get3A_915 : vector<1x16xf32> to vector<16xf32>
        %add3A_917 = arith.addf %add3A_911, %get3A_916 : vector<16xf32>
        %mul3A_918 = arith.constant 2.500000e-01 : f32
        %mul3A_919 = vector.broadcast %mul3A_918 : f32 to vector<16xf32>
        %mul3A_920 = arith.mulf %add3A_917, %mul3A_919 : vector<16xf32>
        %swap3A_921 = arith.constant 3 : i32
        %swap3A_922 = arith.index_cast %swap3A_921 : i32 to index
        %swap3A_923 = arith.index_cast %add3A_798 : i32 to index
        %swap3A_924 = tpu.vector_load %arg7[%swap3A_922, %swap3A_923] {strides = array<i32>} : memref<16x512xf32, #tpu.memory_space<vmem>>, vector<1x16xf32>,
        %swap3A_925 = vector.shape_cast %swap3A_924 : vector<1x16xf32> to vector<16xf32>
        %swap3A_926 = vector.shape_cast %mul3A_920 : vector<16xf32> to vector<1x16xf32>
        tpu.vector_store %arg7[%swap3A_922, %swap3A_923], %swap3A_926 {strides = array<i32>} : memref<16x512xf32, #tpu.memory_space<vmem>>, vector<1x16xf32>,
        %get3A_927 = arith.constant 16 : i32
        %get3A_928 = arith.index_cast %get3A_927 : i32 to index
        %get3A_929 = arith.index_cast %add3A_798 : i32 to index
        %get3A_930 = tpu.vector_load %arg5[%get3A_928, %get3A_929] {strides = array<i32>} : memref<64x512xf32, #tpu.memory_space<vmem>>, vector<1x16xf32>,
        %get3A_931 = vector.shape_cast %get3A_930 : vector<1x16xf32> to vector<16xf32>
        %get3A_932 = arith.constant 17 : i32
        %get3A_933 = arith.index_cast %get3A_932 : i32 to index
        %get3A_934 = arith.index_cast %add3A_798 : i32 to index
        %get3A_935 = tpu.vector_load %arg5[%get3A_933, %get3A_934] {strides = array<i32>} : memref<64x512xf32, #tpu.memory_space<vmem>>, vector<1x16xf32>,
        %get3A_936 = vector.shape_cast %get3A_935 : vector<1x16xf32> to vector<16xf32>
        %add3A_937 = arith.addf %get3A_931, %get3A_936 : vector<16xf32>
        %get3A_938 = arith.constant 18 : i32
        %get3A_939 = arith.index_cast %get3A_938 : i32 to index
        %get3A_940 = arith.index_cast %add3A_798 : i32 to index
        %get3A_941 = tpu.vector_load %arg5[%get3A_939, %get3A_940] {strides = array<i32>} : memref<64x512xf32, #tpu.memory_space<vmem>>, vector<1x16xf32>,
        %get3A_942 = vector.shape_cast %get3A_941 : vector<1x16xf32> to vector<16xf32>
        %add3A_943 = arith.addf %add3A_937, %get3A_942 : vector<16xf32>
        %get3A_944 = arith.constant 19 : i32
        %get3A_945 = arith.index_cast %get3A_944 : i32 to index
        %get3A_946 = arith.index_cast %add3A_798 : i32 to index
        %get3A_947 = tpu.vector_load %arg5[%get3A_945, %get3A_946] {strides = array<i32>} : memref<64x512xf32, #tpu.memory_space<vmem>>, vector<1x16xf32>,
        %get3A_948 = vector.shape_cast %get3A_947 : vector<1x16xf32> to vector<16xf32>
        %add3A_949 = arith.addf %add3A_943, %get3A_948 : vector<16xf32>
        %mul3A_950 = arith.constant 2.500000e-01 : f32
        %mul3A_951 = vector.broadcast %mul3A_950 : f32 to vector<16xf32>
        %mul3A_952 = arith.mulf %add3A_949, %mul3A_951 : vector<16xf32>
        %swap3A_953 = arith.constant 4 : i32
        %swap3A_954 = arith.index_cast %swap3A_953 : i32 to index
        %swap3A_955 = arith.index_cast %add3A_798 : i32 to index
        %swap3A_956 = tpu.vector_load %arg7[%swap3A_954, %swap3A_955] {strides = array<i32>} : memref<16x512xf32, #tpu.memory_space<vmem>>, vector<1x16xf32>,
        %swap3A_957 = vector.shape_cast %swap3A_956 : vector<1x16xf32> to vector<16xf32>
        %swap3A_958 = vector.shape_cast %mul3A_952 : vector<16xf32> to vector<1x16xf32>
        tpu.vector_store %arg7[%swap3A_954, %swap3A_955], %swap3A_958 {strides = array<i32>} : memref<16x512xf32, #tpu.memory_space<vmem>>, vector<1x16xf32>,
        %get3A_959 = arith.constant 20 : i32
        %get3A_960 = arith.index_cast %get3A_959 : i32 to index
        %get3A_961 = arith.index_cast %add3A_798 : i32 to index
        %get3A_962 = tpu.vector_load %arg5[%get3A_960, %get3A_961] {strides = array<i32>} : memref<64x512xf32, #tpu.memory_space<vmem>>, vector<1x16xf32>,
        %get3A_963 = vector.shape_cast %get3A_962 : vector<1x16xf32> to vector<16xf32>
        %get3A_964 = arith.constant 21 : i32
        %get3A_965 = arith.index_cast %get3A_964 : i32 to index
        %get3A_966 = arith.index_cast %add3A_798 : i32 to index
        %get3A_967 = tpu.vector_load %arg5[%get3A_965, %get3A_966] {strides = array<i32>} : memref<64x512xf32, #tpu.memory_space<vmem>>, vector<1x16xf32>,
        %get3A_968 = vector.shape_cast %get3A_967 : vector<1x16xf32> to vector<16xf32>
        %add3A_969 = arith.addf %get3A_963, %get3A_968 : vector<16xf32>
        %get3A_970 = arith.constant 22 : i32
        %get3A_971 = arith.index_cast %get3A_970 : i32 to index
        %get3A_972 = arith.index_cast %add3A_798 : i32 to index
        %get3A_973 = tpu.vector_load %arg5[%get3A_971, %get3A_972] {strides = array<i32>} : memref<64x512xf32, #tpu.memory_space<vmem>>, vector<1x16xf32>,
        %get3A_974 = vector.shape_cast %get3A_973 : vector<1x16xf32> to vector<16xf32>
        %add3A_975 = arith.addf %add3A_969, %get3A_974 : vector<16xf32>
        %get3A_976 = arith.constant 23 : i32
        %get3A_977 = arith.index_cast %get3A_976 : i32 to index
        %get3A_978 = arith.index_cast %add3A_798 : i32 to index
        %get3A_979 = tpu.vector_load %arg5[%get3A_977, %get3A_978] {strides = array<i32>} : memref<64x512xf32, #tpu.memory_space<vmem>>, vector<1x16xf32>,
        %get3A_980 = vector.shape_cast %get3A_979 : vector<1x16xf32> to vector<16xf32>
        %add3A_981 = arith.addf %add3A_975, %get3A_980 : vector<16xf32>
        %mul3A_982 = arith.constant 2.500000e-01 : f32
        %mul3A_983 = vector.broadcast %mul3A_982 : f32 to vector<16xf32>
        %mul3A_984 = arith.mulf %add3A_981, %mul3A_983 : vector<16xf32>
        %swap3A_985 = arith.constant 5 : i32
        %swap3A_986 = arith.index_cast %swap3A_985 : i32 to index
        %swap3A_987 = arith.index_cast %add3A_798 : i32 to index
        %swap3A_988 = tpu.vector_load %arg7[%swap3A_986, %swap3A_987] {strides = array<i32>} : memref<16x512xf32, #tpu.memory_space<vmem>>, vector<1x16xf32>,
        %swap3A_989 = vector.shape_cast %swap3A_988 : vector<1x16xf32> to vector<16xf32>
        %swap3A_990 = vector.shape_cast %mul3A_984 : vector<16xf32> to vector<1x16xf32>
        tpu.vector_store %arg7[%swap3A_986, %swap3A_987], %swap3A_990 {strides = array<i32>} : memref<16x512xf32, #tpu.memory_space<vmem>>, vector<1x16xf32>,
        %get3A_991 = arith.constant 24 : i32
        %get3A_992 = arith.index_cast %get3A_991 : i32 to index
        %get3A_993 = arith.index_cast %add3A_798 : i32 to index
        %get3A_994 = tpu.vector_load %arg5[%get3A_992, %get3A_993] {strides = array<i32>} : memref<64x512xf32, #tpu.memory_space<vmem>>, vector<1x16xf32>,
        %get3A_995 = vector.shape_cast %get3A_994 : vector<1x16xf32> to vector<16xf32>
        %get3A_996 = arith.constant 25 : i32
        %get3A_997 = arith.index_cast %get3A_996 : i32 to index
        %get3A_998 = arith.index_cast %add3A_798 : i32 to index
        %get3A_999 = tpu.vector_load %arg5[%get3A_997, %get3A_998] {strides = array<i32>} : memref<64x512xf32, #tpu.memory_space<vmem>>, vector<1x16xf32>,
        %get3A_1000 = vector.shape_cast %get3A_999 : vector<1x16xf32> to vector<16xf32>
        %add3A_1001 = arith.addf %get3A_995, %get3A_1000 : vector<16xf32>
        %get3A_1002 = arith.constant 26 : i32
        %get3A_1003 = arith.index_cast %get3A_1002 : i32 to index
        %get3A_1004 = arith.index_cast %add3A_798 : i32 to index
        %get3A_1005 = tpu.vector_load %arg5[%get3A_1003, %get3A_1004] {strides = array<i32>} : memref<64x512xf32, #tpu.memory_space<vmem>>, vector<1x16xf32>,
        %get3A_1006 = vector.shape_cast %get3A_1005 : vector<1x16xf32> to vector<16xf32>
        %add3A_1007 = arith.addf %add3A_1001, %get3A_1006 : vector<16xf32>
        %get3A_1008 = arith.constant 27 : i32
        %get3A_1009 = arith.index_cast %get3A_1008 : i32 to index
        %get3A_1010 = arith.index_cast %add3A_798 : i32 to index
        %get3A_1011 = tpu.vector_load %arg5[%get3A_1009, %get3A_1010] {strides = array<i32>} : memref<64x512xf32, #tpu.memory_space<vmem>>, vector<1x16xf32>,
        %get3A_1012 = vector.shape_cast %get3A_1011 : vector<1x16xf32> to vector<16xf32>
        %add3A_1013 = arith.addf %add3A_1007, %get3A_1012 : vector<16xf32>
        %mul3A_1014 = arith.constant 2.500000e-01 : f32
        %mul3A_1015 = vector.broadcast %mul3A_1014 : f32 to vector<16xf32>
        %mul3A_1016 = arith.mulf %add3A_1013, %mul3A_1015 : vector<16xf32>
        %swap3A_1017 = arith.constant 6 : i32
        %swap3A_1018 = arith.index_cast %swap3A_1017 : i32 to index
        %swap3A_1019 = arith.index_cast %add3A_798 : i32 to index
        %swap3A_1020 = tpu.vector_load %arg7[%swap3A_1018, %swap3A_1019] {strides = array<i32>} : memref<16x512xf32, #tpu.memory_space<vmem>>, vector<1x16xf32>,
        %swap3A_1021 = vector.shape_cast %swap3A_1020 : vector<1x16xf32> to vector<16xf32>
        %swap3A_1022 = vector.shape_cast %mul3A_1016 : vector<16xf32> to vector<1x16xf32>
        tpu.vector_store %arg7[%swap3A_1018, %swap3A_1019], %swap3A_1022 {strides = array<i32>} : memref<16x512xf32, #tpu.memory_space<vmem>>, vector<1x16xf32>,
        %get3A_1023 = arith.constant 28 : i32
        %get3A_1024 = arith.index_cast %get3A_1023 : i32 to index
        %get3A_1025 = arith.index_cast %add3A_798 : i32 to index
        %get3A_1026 = tpu.vector_load %arg5[%get3A_1024, %get3A_1025] {strides = array<i32>} : memref<64x512xf32, #tpu.memory_space<vmem>>, vector<1x16xf32>,
        %get3A_1027 = vector.shape_cast %get3A_1026 : vector<1x16xf32> to vector<16xf32>
        %get3A_1028 = arith.constant 29 : i32
        %get3A_1029 = arith.index_cast %get3A_1028 : i32 to index
        %get3A_1030 = arith.index_cast %add3A_798 : i32 to index
        %get3A_1031 = tpu.vector_load %arg5[%get3A_1029, %get3A_1030] {strides = array<i32>} : memref<64x512xf32, #tpu.memory_space<vmem>>, vector<1x16xf32>,
        %get3A_1032 = vector.shape_cast %get3A_1031 : vector<1x16xf32> to vector<16xf32>
        %add3A_1033 = arith.addf %get3A_1027, %get3A_1032 : vector<16xf32>
        %get3A_1034 = arith.constant 30 : i32
        %get3A_1035 = arith.index_cast %get3A_1034 : i32 to index
        %get3A_1036 = arith.index_cast %add3A_798 : i32 to index
        %get3A_1037 = tpu.vector_load %arg5[%get3A_1035, %get3A_1036] {strides = array<i32>} : memref<64x512xf32, #tpu.memory_space<vmem>>, vector<1x16xf32>,
        %get3A_1038 = vector.shape_cast %get3A_1037 : vector<1x16xf32> to vector<16xf32>
        %add3A_1039 = arith.addf %add3A_1033, %get3A_1038 : vector<16xf32>
        %get3A_1040 = arith.constant 31 : i32
        %get3A_1041 = arith.index_cast %get3A_1040 : i32 to index
        %get3A_1042 = arith.index_cast %add3A_798 : i32 to index
        %get3A_1043 = tpu.vector_load %arg5[%get3A_1041, %get3A_1042] {strides = array<i32>} : memref<64x512xf32, #tpu.memory_space<vmem>>, vector<1x16xf32>,
        %get3A_1044 = vector.shape_cast %get3A_1043 : vector<1x16xf32> to vector<16xf32>
        %add3A_1045 = arith.addf %add3A_1039, %get3A_1044 : vector<16xf32>
        %mul3A_1046 = arith.constant 2.500000e-01 : f32
        %mul3A_1047 = vector.broadcast %mul3A_1046 : f32 to vector<16xf32>
        %mul3A_1048 = arith.mulf %add3A_1045, %mul3A_1047 : vector<16xf32>
        %swap3A_1049 = arith.constant 7 : i32
        %swap3A_1050 = arith.index_cast %swap3A_1049 : i32 to index
        %swap3A_1051 = arith.index_cast %add3A_798 : i32 to index
        %swap3A_1052 = tpu.vector_load %arg7[%swap3A_1050, %swap3A_1051] {strides = array<i32>} : memref<16x512xf32, #tpu.memory_space<vmem>>, vector<1x16xf32>,
        %swap3A_1053 = vector.shape_cast %swap3A_1052 : vector<1x16xf32> to vector<16xf32>
        %swap3A_1054 = vector.shape_cast %mul3A_1048 : vector<16xf32> to vector<1x16xf32>
        tpu.vector_store %arg7[%swap3A_1050, %swap3A_1051], %swap3A_1054 {strides = array<i32>} : memref<16x512xf32, #tpu.memory_space<vmem>>, vector<1x16xf32>,
        %get3A_1055 = arith.constant 32 : i32
        %get3A_1056 = arith.index_cast %get3A_1055 : i32 to index
        %get3A_1057 = arith.index_cast %add3A_798 : i32 to index
        %get3A_1058 = tpu.vector_load %arg5[%get3A_1056, %get3A_1057] {strides = array<i32>} : memref<64x512xf32, #tpu.memory_space<vmem>>, vector<1x16xf32>,
        %get3A_1059 = vector.shape_cast %get3A_1058 : vector<1x16xf32> to vector<16xf32>
        %get3A_1060 = arith.constant 33 : i32
        %get3A_1061 = arith.index_cast %get3A_1060 : i32 to index
        %get3A_1062 = arith.index_cast %add3A_798 : i32 to index
        %get3A_1063 = tpu.vector_load %arg5[%get3A_1061, %get3A_1062] {strides = array<i32>} : memref<64x512xf32, #tpu.memory_space<vmem>>, vector<1x16xf32>,
        %get3A_1064 = vector.shape_cast %get3A_1063 : vector<1x16xf32> to vector<16xf32>
        %add3A_1065 = arith.addf %get3A_1059, %get3A_1064 : vector<16xf32>
        %get3A_1066 = arith.constant 34 : i32
        %get3A_1067 = arith.index_cast %get3A_1066 : i32 to index
        %get3A_1068 = arith.index_cast %add3A_798 : i32 to index
        %get3A_1069 = tpu.vector_load %arg5[%get3A_1067, %get3A_1068] {strides = array<i32>} : memref<64x512xf32, #tpu.memory_space<vmem>>, vector<1x16xf32>,
        %get3A_1070 = vector.shape_cast %get3A_1069 : vector<1x16xf32> to vector<16xf32>
        %add3A_1071 = arith.addf %add3A_1065, %get3A_1070 : vector<16xf32>
        %get3A_1072 = arith.constant 35 : i32
        %get3A_1073 = arith.index_cast %get3A_1072 : i32 to index
        %get3A_1074 = arith.index_cast %add3A_798 : i32 to index
        %get3A_1075 = tpu.vector_load %arg5[%get3A_1073, %get3A_1074] {strides = array<i32>} : memref<64x512xf32, #tpu.memory_space<vmem>>, vector<1x16xf32>,
        %get3A_1076 = vector.shape_cast %get3A_1075 : vector<1x16xf32> to vector<16xf32>
        %add3A_1077 = arith.addf %add3A_1071, %get3A_1076 : vector<16xf32>
        %mul3A_1078 = arith.constant 2.500000e-01 : f32
        %mul3A_1079 = vector.broadcast %mul3A_1078 : f32 to vector<16xf32>
        %mul3A_1080 = arith.mulf %add3A_1077, %mul3A_1079 : vector<16xf32>
        %swap3A_1081 = arith.constant 8 : i32
        %swap3A_1082 = arith.index_cast %swap3A_1081 : i32 to index
        %swap3A_1083 = arith.index_cast %add3A_798 : i32 to index
        %swap3A_1084 = tpu.vector_load %arg7[%swap3A_1082, %swap3A_1083] {strides = array<i32>} : memref<16x512xf32, #tpu.memory_space<vmem>>, vector<1x16xf32>,
        %swap3A_1085 = vector.shape_cast %swap3A_1084 : vector<1x16xf32> to vector<16xf32>
        %swap3A_1086 = vector.shape_cast %mul3A_1080 : vector<16xf32> to vector<1x16xf32>
        tpu.vector_store %arg7[%swap3A_1082, %swap3A_1083], %swap3A_1086 {strides = array<i32>} : memref<16x512xf32, #tpu.memory_space<vmem>>, vector<1x16xf32>,
        %get3A_1087 = arith.constant 36 : i32
        %get3A_1088 = arith.index_cast %get3A_1087 : i32 to index
        %get3A_1089 = arith.index_cast %add3A_798 : i32 to index
        %get3A_1090 = tpu.vector_load %arg5[%get3A_1088, %get3A_1089] {strides = array<i32>} : memref<64x512xf32, #tpu.memory_space<vmem>>, vector<1x16xf32>,
        %get3A_1091 = vector.shape_cast %get3A_1090 : vector<1x16xf32> to vector<16xf32>
        %get3A_1092 = arith.constant 37 : i32
        %get3A_1093 = arith.index_cast %get3A_1092 : i32 to index
        %get3A_1094 = arith.index_cast %add3A_798 : i32 to index
        %get3A_1095 = tpu.vector_load %arg5[%get3A_1093, %get3A_1094] {strides = array<i32>} : memref<64x512xf32, #tpu.memory_space<vmem>>, vector<1x16xf32>,
        %get3A_1096 = vector.shape_cast %get3A_1095 : vector<1x16xf32> to vector<16xf32>
        %add3A_1097 = arith.addf %get3A_1091, %get3A_1096 : vector<16xf32>
        %get3A_1098 = arith.constant 38 : i32
        %get3A_1099 = arith.index_cast %get3A_1098 : i32 to index
        %get3A_1100 = arith.index_cast %add3A_798 : i32 to index
        %get3A_1101 = tpu.vector_load %arg5[%get3A_1099, %get3A_1100] {strides = array<i32>} : memref<64x512xf32, #tpu.memory_space<vmem>>, vector<1x16xf32>,
        %get3A_1102 = vector.shape_cast %get3A_1101 : vector<1x16xf32> to vector<16xf32>
        %add3A_1103 = arith.addf %add3A_1097, %get3A_1102 : vector<16xf32>
        %get3A_1104 = arith.constant 39 : i32
        %get3A_1105 = arith.index_cast %get3A_1104 : i32 to index
        %get3A_1106 = arith.index_cast %add3A_798 : i32 to index
        %get3A_1107 = tpu.vector_load %arg5[%get3A_1105, %get3A_1106] {strides = array<i32>} : memref<64x512xf32, #tpu.memory_space<vmem>>, vector<1x16xf32>,
        %get3A_1108 = vector.shape_cast %get3A_1107 : vector<1x16xf32> to vector<16xf32>
        %add3A_1109 = arith.addf %add3A_1103, %get3A_1108 : vector<16xf32>
        %mul3A_1110 = arith.constant 2.500000e-01 : f32
        %mul3A_1111 = vector.broadcast %mul3A_1110 : f32 to vector<16xf32>
        %mul3A_1112 = arith.mulf %add3A_1109, %mul3A_1111 : vector<16xf32>
        %swap3A_1113 = arith.constant 9 : i32
        %swap3A_1114 = arith.index_cast %swap3A_1113 : i32 to index
        %swap3A_1115 = arith.index_cast %add3A_798 : i32 to index
        %swap3A_1116 = tpu.vector_load %arg7[%swap3A_1114, %swap3A_1115] {strides = array<i32>} : memref<16x512xf32, #tpu.memory_space<vmem>>, vector<1x16xf32>,
        %swap3A_1117 = vector.shape_cast %swap3A_1116 : vector<1x16xf32> to vector<16xf32>
        %swap3A_1118 = vector.shape_cast %mul3A_1112 : vector<16xf32> to vector<1x16xf32>
        tpu.vector_store %arg7[%swap3A_1114, %swap3A_1115], %swap3A_1118 {strides = array<i32>} : memref<16x512xf32, #tpu.memory_space<vmem>>, vector<1x16xf32>,
        %get3A_1119 = arith.constant 40 : i32
        %get3A_1120 = arith.index_cast %get3A_1119 : i32 to index
        %get3A_1121 = arith.index_cast %add3A_798 : i32 to index
        %get3A_1122 = tpu.vector_load %arg5[%get3A_1120, %get3A_1121] {strides = array<i32>} : memref<64x512xf32, #tpu.memory_space<vmem>>, vector<1x16xf32>,
        %get3A_1123 = vector.shape_cast %get3A_1122 : vector<1x16xf32> to vector<16xf32>
        %get3A_1124 = arith.constant 41 : i32
        %get3A_1125 = arith.index_cast %get3A_1124 : i32 to index
        %get3A_1126 = arith.index_cast %add3A_798 : i32 to index
        %get3A_1127 = tpu.vector_load %arg5[%get3A_1125, %get3A_1126] {strides = array<i32>} : memref<64x512xf32, #tpu.memory_space<vmem>>, vector<1x16xf32>,
        %get3A_1128 = vector.shape_cast %get3A_1127 : vector<1x16xf32> to vector<16xf32>
        %add3A_1129 = arith.addf %get3A_1123, %get3A_1128 : vector<16xf32>
        %get3A_1130 = arith.constant 42 : i32
        %get3A_1131 = arith.index_cast %get3A_1130 : i32 to index
        %get3A_1132 = arith.index_cast %add3A_798 : i32 to index
        %get3A_1133 = tpu.vector_load %arg5[%get3A_1131, %get3A_1132] {strides = array<i32>} : memref<64x512xf32, #tpu.memory_space<vmem>>, vector<1x16xf32>,
        %get3A_1134 = vector.shape_cast %get3A_1133 : vector<1x16xf32> to vector<16xf32>
        %add3A_1135 = arith.addf %add3A_1129, %get3A_1134 : vector<16xf32>
        %get3A_1136 = arith.constant 43 : i32
        %get3A_1137 = arith.index_cast %get3A_1136 : i32 to index
        %get3A_1138 = arith.index_cast %add3A_798 : i32 to index
        %get3A_1139 = tpu.vector_load %arg5[%get3A_1137, %get3A_1138] {strides = array<i32>} : memref<64x512xf32, #tpu.memory_space<vmem>>, vector<1x16xf32>,
        %get3A_1140 = vector.shape_cast %get3A_1139 : vector<1x16xf32> to vector<16xf32>
        %add3A_1141 = arith.addf %add3A_1135, %get3A_1140 : vector<16xf32>
        %mul3A_1142 = arith.constant 2.500000e-01 : f32
        %mul3A_1143 = vector.broadcast %mul3A_1142 : f32 to vector<16xf32>
        %mul3A_1144 = arith.mulf %add3A_1141, %mul3A_1143 : vector<16xf32>
        %swap3A_1145 = arith.constant 10 : i32
        %swap3A_1146 = arith.index_cast %swap3A_1145 : i32 to index
        %swap3A_1147 = arith.index_cast %add3A_798 : i32 to index
        %swap3A_1148 = tpu.vector_load %arg7[%swap3A_1146, %swap3A_1147] {strides = array<i32>} : memref<16x512xf32, #tpu.memory_space<vmem>>, vector<1x16xf32>,
        %swap3A_1149 = vector.shape_cast %swap3A_1148 : vector<1x16xf32> to vector<16xf32>
        %swap3A_1150 = vector.shape_cast %mul3A_1144 : vector<16xf32> to vector<1x16xf32>
        tpu.vector_store %arg7[%swap3A_1146, %swap3A_1147], %swap3A_1150 {strides = array<i32>} : memref<16x512xf32, #tpu.memory_space<vmem>>, vector<1x16xf32>,
        %get3A_1151 = arith.constant 44 : i32
        %get3A_1152 = arith.index_cast %get3A_1151 : i32 to index
        %get3A_1153 = arith.index_cast %add3A_798 : i32 to index
        %get3A_1154 = tpu.vector_load %arg5[%get3A_1152, %get3A_1153] {strides = array<i32>} : memref<64x512xf32, #tpu.memory_space<vmem>>, vector<1x16xf32>,
        %get3A_1155 = vector.shape_cast %get3A_1154 : vector<1x16xf32> to vector<16xf32>
        %get3A_1156 = arith.constant 45 : i32
        %get3A_1157 = arith.index_cast %get3A_1156 : i32 to index
        %get3A_1158 = arith.index_cast %add3A_798 : i32 to index
        %get3A_1159 = tpu.vector_load %arg5[%get3A_1157, %get3A_1158] {strides = array<i32>} : memref<64x512xf32, #tpu.memory_space<vmem>>, vector<1x16xf32>,
        %get3A_1160 = vector.shape_cast %get3A_1159 : vector<1x16xf32> to vector<16xf32>
        %add3A_1161 = arith.addf %get3A_1155, %get3A_1160 : vector<16xf32>
        %get3A_1162 = arith.constant 46 : i32
        %get3A_1163 = arith.index_cast %get3A_1162 : i32 to index
        %get3A_1164 = arith.index_cast %add3A_798 : i32 to index
        %get3A_1165 = tpu.vector_load %arg5[%get3A_1163, %get3A_1164] {strides = array<i32>} : memref<64x512xf32, #tpu.memory_space<vmem>>, vector<1x16xf32>,
        %get3A_1166 = vector.shape_cast %get3A_1165 : vector<1x16xf32> to vector<16xf32>
        %add3A_1167 = arith.addf %add3A_1161, %get3A_1166 : vector<16xf32>
        %get3A_1168 = arith.constant 47 : i32
        %get3A_1169 = arith.index_cast %get3A_1168 : i32 to index
        %get3A_1170 = arith.index_cast %add3A_798 : i32 to index
        %get3A_1171 = tpu.vector_load %arg5[%get3A_1169, %get3A_1170] {strides = array<i32>} : memref<64x512xf32, #tpu.memory_space<vmem>>, vector<1x16xf32>,
        %get3A_1172 = vector.shape_cast %get3A_1171 : vector<1x16xf32> to vector<16xf32>
        %add3A_1173 = arith.addf %add3A_1167, %get3A_1172 : vector<16xf32>
        %mul3A_1174 = arith.constant 2.500000e-01 : f32
        %mul3A_1175 = vector.broadcast %mul3A_1174 : f32 to vector<16xf32>
        %mul3A_1176 = arith.mulf %add3A_1173, %mul3A_1175 : vector<16xf32>
        %swap3A_1177 = arith.constant 11 : i32
        %swap3A_1178 = arith.index_cast %swap3A_1177 : i32 to index
        %swap3A_1179 = arith.index_cast %add3A_798 : i32 to index
        %swap3A_1180 = tpu.vector_load %arg7[%swap3A_1178, %swap3A_1179] {strides = array<i32>} : memref<16x512xf32, #tpu.memory_space<vmem>>, vector<1x16xf32>,
        %swap3A_1181 = vector.shape_cast %swap3A_1180 : vector<1x16xf32> to vector<16xf32>
        %swap3A_1182 = vector.shape_cast %mul3A_1176 : vector<16xf32> to vector<1x16xf32>
        tpu.vector_store %arg7[%swap3A_1178, %swap3A_1179], %swap3A_1182 {strides = array<i32>} : memref<16x512xf32, #tpu.memory_space<vmem>>, vector<1x16xf32>,
        %get3A_1183 = arith.constant 48 : i32
        %get3A_1184 = arith.index_cast %get3A_1183 : i32 to index
        %get3A_1185 = arith.index_cast %add3A_798 : i32 to index
        %get3A_1186 = tpu.vector_load %arg5[%get3A_1184, %get3A_1185] {strides = array<i32>} : memref<64x512xf32, #tpu.memory_space<vmem>>, vector<1x16xf32>,
        %get3A_1187 = vector.shape_cast %get3A_1186 : vector<1x16xf32> to vector<16xf32>
        %get3A_1188 = arith.constant 49 : i32
        %get3A_1189 = arith.index_cast %get3A_1188 : i32 to index
        %get3A_1190 = arith.index_cast %add3A_798 : i32 to index
        %get3A_1191 = tpu.vector_load %arg5[%get3A_1189, %get3A_1190] {strides = array<i32>} : memref<64x512xf32, #tpu.memory_space<vmem>>, vector<1x16xf32>,
        %get3A_1192 = vector.shape_cast %get3A_1191 : vector<1x16xf32> to vector<16xf32>
        %add3A_1193 = arith.addf %get3A_1187, %get3A_1192 : vector<16xf32>
        %get3A_1194 = arith.constant 50 : i32
        %get3A_1195 = arith.index_cast %get3A_1194 : i32 to index
        %get3A_1196 = arith.index_cast %add3A_798 : i32 to index
        %get3A_1197 = tpu.vector_load %arg5[%get3A_1195, %get3A_1196] {strides = array<i32>} : memref<64x512xf32, #tpu.memory_space<vmem>>, vector<1x16xf32>,
        %get3A_1198 = vector.shape_cast %get3A_1197 : vector<1x16xf32> to vector<16xf32>
        %add3A_1199 = arith.addf %add3A_1193, %get3A_1198 : vector<16xf32>
        %get3A_1200 = arith.constant 51 : i32
        %get3A_1201 = arith.index_cast %get3A_1200 : i32 to index
        %get3A_1202 = arith.index_cast %add3A_798 : i32 to index
        %get3A_1203 = tpu.vector_load %arg5[%get3A_1201, %get3A_1202] {strides = array<i32>} : memref<64x512xf32, #tpu.memory_space<vmem>>, vector<1x16xf32>,
        %get3A_1204 = vector.shape_cast %get3A_1203 : vector<1x16xf32> to vector<16xf32>
        %add3A_1205 = arith.addf %add3A_1199, %get3A_1204 : vector<16xf32>
        %mul3A_1206 = arith.constant 2.500000e-01 : f32
        %mul3A_1207 = vector.broadcast %mul3A_1206 : f32 to vector<16xf32>
        %mul3A_1208 = arith.mulf %add3A_1205, %mul3A_1207 : vector<16xf32>
        %swap3A_1209 = arith.constant 12 : i32
        %swap3A_1210 = arith.index_cast %swap3A_1209 : i32 to index
        %swap3A_1211 = arith.index_cast %add3A_798 : i32 to index
        %swap3A_1212 = tpu.vector_load %arg7[%swap3A_1210, %swap3A_1211] {strides = array<i32>} : memref<16x512xf32, #tpu.memory_space<vmem>>, vector<1x16xf32>,
        %swap3A_1213 = vector.shape_cast %swap3A_1212 : vector<1x16xf32> to vector<16xf32>
        %swap3A_1214 = vector.shape_cast %mul3A_1208 : vector<16xf32> to vector<1x16xf32>
        tpu.vector_store %arg7[%swap3A_1210, %swap3A_1211], %swap3A_1214 {strides = array<i32>} : memref<16x512xf32, #tpu.memory_space<vmem>>, vector<1x16xf32>,
        %get3A_1215 = arith.constant 52 : i32
        %get3A_1216 = arith.index_cast %get3A_1215 : i32 to index
        %get3A_1217 = arith.index_cast %add3A_798 : i32 to index
        %get3A_1218 = tpu.vector_load %arg5[%get3A_1216, %get3A_1217] {strides = array<i32>} : memref<64x512xf32, #tpu.memory_space<vmem>>, vector<1x16xf32>,
        %get3A_1219 = vector.shape_cast %get3A_1218 : vector<1x16xf32> to vector<16xf32>
        %get3A_1220 = arith.constant 53 : i32
        %get3A_1221 = arith.index_cast %get3A_1220 : i32 to index
        %get3A_1222 = arith.index_cast %add3A_798 : i32 to index
        %get3A_1223 = tpu.vector_load %arg5[%get3A_1221, %get3A_1222] {strides = array<i32>} : memref<64x512xf32, #tpu.memory_space<vmem>>, vector<1x16xf32>,
        %get3A_1224 = vector.shape_cast %get3A_1223 : vector<1x16xf32> to vector<16xf32>
        %add3A_1225 = arith.addf %get3A_1219, %get3A_1224 : vector<16xf32>
        %get3A_1226 = arith.constant 54 : i32
        %get3A_1227 = arith.index_cast %get3A_1226 : i32 to index
        %get3A_1228 = arith.index_cast %add3A_798 : i32 to index
        %get3A_1229 = tpu.vector_load %arg5[%get3A_1227, %get3A_1228] {strides = array<i32>} : memref<64x512xf32, #tpu.memory_space<vmem>>, vector<1x16xf32>,
        %get3A_1230 = vector.shape_cast %get3A_1229 : vector<1x16xf32> to vector<16xf32>
        %add3A_1231 = arith.addf %add3A_1225, %get3A_1230 : vector<16xf32>
        %get3A_1232 = arith.constant 55 : i32
        %get3A_1233 = arith.index_cast %get3A_1232 : i32 to index
        %get3A_1234 = arith.index_cast %add3A_798 : i32 to index
        %get3A_1235 = tpu.vector_load %arg5[%get3A_1233, %get3A_1234] {strides = array<i32>} : memref<64x512xf32, #tpu.memory_space<vmem>>, vector<1x16xf32>,
        %get3A_1236 = vector.shape_cast %get3A_1235 : vector<1x16xf32> to vector<16xf32>
        %add3A_1237 = arith.addf %add3A_1231, %get3A_1236 : vector<16xf32>
        %mul3A_1238 = arith.constant 2.500000e-01 : f32
        %mul3A_1239 = vector.broadcast %mul3A_1238 : f32 to vector<16xf32>
        %mul3A_1240 = arith.mulf %add3A_1237, %mul3A_1239 : vector<16xf32>
        %swap3A_1241 = arith.constant 13 : i32
        %swap3A_1242 = arith.index_cast %swap3A_1241 : i32 to index
        %swap3A_1243 = arith.index_cast %add3A_798 : i32 to index
        %swap3A_1244 = tpu.vector_load %arg7[%swap3A_1242, %swap3A_1243] {strides = array<i32>} : memref<16x512xf32, #tpu.memory_space<vmem>>, vector<1x16xf32>,
        %swap3A_1245 = vector.shape_cast %swap3A_1244 : vector<1x16xf32> to vector<16xf32>
        %swap3A_1246 = vector.shape_cast %mul3A_1240 : vector<16xf32> to vector<1x16xf32>
        tpu.vector_store %arg7[%swap3A_1242, %swap3A_1243], %swap3A_1246 {strides = array<i32>} : memref<16x512xf32, #tpu.memory_space<vmem>>, vector<1x16xf32>,
        %get3A_1247 = arith.constant 56 : i32
        %get3A_1248 = arith.index_cast %get3A_1247 : i32 to index
        %get3A_1249 = arith.index_cast %add3A_798 : i32 to index
        %get3A_1250 = tpu.vector_load %arg5[%get3A_1248, %get3A_1249] {strides = array<i32>} : memref<64x512xf32, #tpu.memory_space<vmem>>, vector<1x16xf32>,
        %get3A_1251 = vector.shape_cast %get3A_1250 : vector<1x16xf32> to vector<16xf32>
        %get3A_1252 = arith.constant 57 : i32
        %get3A_1253 = arith.index_cast %get3A_1252 : i32 to index
        %get3A_1254 = arith.index_cast %add3A_798 : i32 to index
        %get3A_1255 = tpu.vector_load %arg5[%get3A_1253, %get3A_1254] {strides = array<i32>} : memref<64x512xf32, #tpu.memory_space<vmem>>, vector<1x16xf32>,
        %get3A_1256 = vector.shape_cast %get3A_1255 : vector<1x16xf32> to vector<16xf32>
        %add3A_1257 = arith.addf %get3A_1251, %get3A_1256 : vector<16xf32>
        %get3A_1258 = arith.constant 58 : i32
        %get3A_1259 = arith.index_cast %get3A_1258 : i32 to index
        %get3A_1260 = arith.index_cast %add3A_798 : i32 to index
        %get3A_1261 = tpu.vector_load %arg5[%get3A_1259, %get3A_1260] {strides = array<i32>} : memref<64x512xf32, #tpu.memory_space<vmem>>, vector<1x16xf32>,
        %get3A_1262 = vector.shape_cast %get3A_1261 : vector<1x16xf32> to vector<16xf32>
        %add3A_1263 = arith.addf %add3A_1257, %get3A_1262 : vector<16xf32>
        %get3A_1264 = arith.constant 59 : i32
        %get3A_1265 = arith.index_cast %get3A_1264 : i32 to index
        %get3A_1266 = arith.index_cast %add3A_798 : i32 to index
        %get3A_1267 = tpu.vector_load %arg5[%get3A_1265, %get3A_1266] {strides = array<i32>} : memref<64x512xf32, #tpu.memory_space<vmem>>, vector<1x16xf32>,
        %get3A_1268 = vector.shape_cast %get3A_1267 : vector<1x16xf32> to vector<16xf32>
        %add3A_1269 = arith.addf %add3A_1263, %get3A_1268 : vector<16xf32>
        %mul3A_1270 = arith.constant 2.500000e-01 : f32
        %mul3A_1271 = vector.broadcast %mul3A_1270 : f32 to vector<16xf32>
        %mul3A_1272 = arith.mulf %add3A_1269, %mul3A_1271 : vector<16xf32>
        %swap3A_1273 = arith.constant 14 : i32
        %swap3A_1274 = arith.index_cast %swap3A_1273 : i32 to index
        %swap3A_1275 = arith.index_cast %add3A_798 : i32 to index
        %swap3A_1276 = tpu.vector_load %arg7[%swap3A_1274, %swap3A_1275] {strides = array<i32>} : memref<16x512xf32, #tpu.memory_space<vmem>>, vector<1x16xf32>,
        %swap3A_1277 = vector.shape_cast %swap3A_1276 : vector<1x16xf32> to vector<16xf32>
        %swap3A_1278 = vector.shape_cast %mul3A_1272 : vector<16xf32> to vector<1x16xf32>
        tpu.vector_store %arg7[%swap3A_1274, %swap3A_1275], %swap3A_1278 {strides = array<i32>} : memref<16x512xf32, #tpu.memory_space<vmem>>, vector<1x16xf32>,
        %get3A_1279 = arith.constant 60 : i32
        %get3A_1280 = arith.index_cast %get3A_1279 : i32 to index
        %get3A_1281 = arith.index_cast %add3A_798 : i32 to index
        %get3A_1282 = tpu.vector_load %arg5[%get3A_1280, %get3A_1281] {strides = array<i32>} : memref<64x512xf32, #tpu.memory_space<vmem>>, vector<1x16xf32>,
        %get3A_1283 = vector.shape_cast %get3A_1282 : vector<1x16xf32> to vector<16xf32>
        %get3A_1284 = arith.constant 61 : i32
        %get3A_1285 = arith.index_cast %get3A_1284 : i32 to index
        %get3A_1286 = arith.index_cast %add3A_798 : i32 to index
        %get3A_1287 = tpu.vector_load %arg5[%get3A_1285, %get3A_1286] {strides = array<i32>} : memref<64x512xf32, #tpu.memory_space<vmem>>, vector<1x16xf32>,
        %get3A_1288 = vector.shape_cast %get3A_1287 : vector<1x16xf32> to vector<16xf32>
        %add3A_1289 = arith.addf %get3A_1283, %get3A_1288 : vector<16xf32>
        %get3A_1290 = arith.constant 62 : i32
        %get3A_1291 = arith.index_cast %get3A_1290 : i32 to index
        %get3A_1292 = arith.index_cast %add3A_798 : i32 to index
        %get3A_1293 = tpu.vector_load %arg5[%get3A_1291, %get3A_1292] {strides = array<i32>} : memref<64x512xf32, #tpu.memory_space<vmem>>, vector<1x16xf32>,
        %get3A_1294 = vector.shape_cast %get3A_1293 : vector<1x16xf32> to vector<16xf32>
        %add3A_1295 = arith.addf %add3A_1289, %get3A_1294 : vector<16xf32>
        %get3A_1296 = arith.constant 63 : i32
        %get3A_1297 = arith.index_cast %get3A_1296 : i32 to index
        %get3A_1298 = arith.index_cast %add3A_798 : i32 to index
        %get3A_1299 = tpu.vector_load %arg5[%get3A_1297, %get3A_1298] {strides = array<i32>} : memref<64x512xf32, #tpu.memory_space<vmem>>, vector<1x16xf32>,
        %get3A_1300 = vector.shape_cast %get3A_1299 : vector<1x16xf32> to vector<16xf32>
        %add3A_1301 = arith.addf %add3A_1295, %get3A_1300 : vector<16xf32>
        %mul3A_1302 = arith.constant 2.500000e-01 : f32
        %mul3A_1303 = vector.broadcast %mul3A_1302 : f32 to vector<16xf32>
        %mul3A_1304 = arith.mulf %add3A_1301, %mul3A_1303 : vector<16xf32>
        %swap3A_1305 = arith.constant 15 : i32
        %swap3A_1306 = arith.index_cast %swap3A_1305 : i32 to index
        %swap3A_1307 = arith.index_cast %add3A_798 : i32 to index
        %swap3A_1308 = tpu.vector_load %arg7[%swap3A_1306, %swap3A_1307] {strides = array<i32>} : memref<16x512xf32, #tpu.memory_space<vmem>>, vector<1x16xf32>,
        %swap3A_1309 = vector.shape_cast %swap3A_1308 : vector<1x16xf32> to vector<16xf32>
        %swap3A_1310 = vector.shape_cast %mul3A_1304 : vector<16xf32> to vector<1x16xf32>
        tpu.vector_store %arg7[%swap3A_1306, %swap3A_1307], %swap3A_1310 {strides = array<i32>} : memref<16x512xf32, #tpu.memory_space<vmem>>, vector<1x16xf32>,
      }
      %scan3A_263 = arith.constant 16 : i32
      %mul3A_264 = arith.constant 32 : i32
      %mul3A_265 = arith.muli %add3A_199, %mul3A_264 : i32
      %add3A_266 = arith.addi %add3A, %mul3A_265 : i32
      %mul3A_267 = arith.constant 16 : i32
      %mul3A_268 = arith.muli %add3A_266, %mul3A_267 : i32
      %dma_start3A_269 = arith.constant 0 : i32
      %dma_start3A_270 = tpu.memref_slice %arg3[%mul3A_268, %dma_start3A_269] : memref<2048x512xf32, #tpu.memory_space<hbm>> -> memref<16x512xf32, #tpu.memory_space<hbm>>
      %dma_start3A_271 = arith.constant 0 : i32
      %dma_start3A_272 = tpu.memref_slice %arg3[%mul3A_268, %dma_start3A_271] : memref<2048x512xf32, #tpu.memory_space<hbm>> -> memref<16x512xf32, #tpu.memory_space<hbm>>
      tpu.enqueue_dma source(%arg7 : memref<16x512xf32, #tpu.memory_space<vmem>>) target(%dma_start3A_272 : memref<16x512xf32, #tpu.memory_space<hbm>>) target_semaphore(%arg11 : memref<!tpu.dma_semaphore, #tpu.memory_space<semaphore_mem>>)
      %add3A_273 = arith.constant 2 : i32
      %add3A_274 = arith.addi %add3A_199, %add3A_273 : i32
      %lt3A_275 = arith.constant 4 : i32
      %lt3A_276 = arith.cmpi slt, %add3A_274, %lt3A_275 : i32
      %convert_element_type3A_277 = arith.extui %lt3A_276 : i1 to i32
      %cond3A_278 = arith.constant 0 : i32
      %cond3A_279 = arith.cmpi ne, %convert_element_type3A_277, %cond3A_278 : i32
      scf.if %cond3A_279 {
        %add3A_280 = arith.constant 2 : i32
        %add3A_281 = arith.addi %add3A_199, %add3A_280 : i32
        %mul3A_282 = arith.constant 32 : i32
        %mul3A_283 = arith.muli %add3A_281, %mul3A_282 : i32
        %add3A_284 = arith.addi %add3A, %mul3A_283 : i32
        %jit3A_285 = arith.constant 32 : i32
        %div3A_286 = arith.divsi %add3A_284, %jit3A_285 : i32
        %sign3A_287 = arith.constant 0 : i32
        %sign3A_288 = arith.cmpi sgt, %add3A_284, %sign3A_287 : i32
        %sign3A_289 = arith.extui %sign3A_288 : i1 to i32
        %sign3A_290 = arith.constant 0 : i32
        %sign3A_291 = arith.cmpi slt, %add3A_284, %sign3A_290 : i32
        %sign3A_292 = arith.extui %sign3A_291 : i1 to i32
        %sign3A_293 = arith.subi %sign3A_289, %sign3A_292 : i32
        %sign3A_294 = arith.constant 0 : i32
        %sign3A_295 = arith.cmpi sgt, %jit3A_285, %sign3A_294 : i32
        %sign3A_296 = arith.extui %sign3A_295 : i1 to i32
        %sign3A_297 = arith.constant 0 : i32
        %sign3A_298 = arith.cmpi slt, %jit3A_285, %sign3A_297 : i32
        %sign3A_299 = arith.extui %sign3A_298 : i1 to i32
        %sign3A_300 = arith.subi %sign3A_296, %sign3A_299 : i32
        %ne3A_301 = arith.cmpi ne, %sign3A_293, %sign3A_300 : i32
        %rem3A_302 = arith.remsi %add3A_284, %jit3A_285 : i32
        %ne3A_303 = arith.constant 0 : i32
        %ne3A_304 = arith.cmpi ne, %rem3A_302, %ne3A_303 : i32
        %and3A_305 = arith.andi %ne3A_301, %ne3A_304 : i1
        %sub3A_306 = arith.constant 1 : i32
        %sub3A_307 = arith.subi %div3A_286, %sub3A_306 : i32
        %select_n3A_308 = arith.select %and3A_305, %sub3A_307, %div3A_286 : i32
        %add3A_309 = arith.constant 12 : i32
        %add3A_310 = arith.addi %add3A_309, %select_n3A_308 : i32
        %jit3A_311 = arith.constant 32 : i32
        %eq3A_312 = arith.constant 0 : i32
        %eq3A_313 = arith.cmpi eq, %jit3A_311, %eq3A_312 : i32
        %jit3A_314 = arith.constant 1 : i32
        %select_n3A_315 = arith.select %eq3A_313, %jit3A_314, %jit3A_311 : i32
        %rem3A_316 = arith.remsi %add3A_284, %select_n3A_315 : i32
        %ne3A_317 = arith.constant 0 : i32
        %ne3A_318 = arith.cmpi ne, %rem3A_316, %ne3A_317 : i32
        %lt3A_319 = arith.constant 0 : i32
        %lt3A_320 = arith.cmpi slt, %rem3A_316, %lt3A_319 : i32
        %lt3A_321 = arith.constant 0 : i32
        %lt3A_322 = arith.cmpi slt, %select_n3A_315, %lt3A_321 : i32
        %ne3A_323 = arith.xori %lt3A_320, %lt3A_322 : i1
        %and3A_324 = arith.andi %ne3A_323, %ne3A_318 : i1
        %add3A_325 = arith.addi %rem3A_316, %select_n3A_315 : i32
        %select_n3A_326 = arith.select %and3A_324, %add3A_325, %rem3A_316 : i32
        %mul3A_327 = arith.constant 64 : i32
        %mul3A_328 = arith.muli %select_n3A_326, %mul3A_327 : i32
        %dma_start3A_329 = arith.constant 0 : i32
        %dma_start3A_330 = tpu.memref_slice %arg2[%add3A_310, %mul3A_328, %dma_start3A_329] : memref<16x2048x512xf32, #tpu.memory_space<hbm>> -> memref<1x64x512xf32, #tpu.memory_space<hbm>>
        %dma_start3A_331 = tpu.memref_squeeze %dma_start3A_330 : memref<1x64x512xf32, #tpu.memory_space<hbm>> -> memref<64x512xf32, #tpu.memory_space<hbm>>
        %dma_start3A_332 = arith.constant 0 : i32
        %dma_start3A_333 = tpu.memref_slice %arg2[%add3A_310, %mul3A_328, %dma_start3A_332] : memref<16x2048x512xf32, #tpu.memory_space<hbm>> -> memref<1x64x512xf32, #tpu.memory_space<hbm>>
        %dma_start3A_334 = tpu.memref_squeeze %dma_start3A_333 : memref<1x64x512xf32, #tpu.memory_space<hbm>> -> memref<64x512xf32, #tpu.memory_space<hbm>>
        tpu.enqueue_dma source(%dma_start3A_334 : memref<64x512xf32, #tpu.memory_space<hbm>>) target(%arg5 : memref<64x512xf32, #tpu.memory_space<vmem>>) target_semaphore(%arg9 : memref<!tpu.dma_semaphore, #tpu.memory_space<semaphore_mem>>)
      } else {
      }
    }
    %scan3A_98 = arith.constant 2 : i32
    %add3A_99 = arith.constant 64 : i32
    %add3A_100 = arith.addi %add3A, %add3A_99 : i32
    %mul3A_101 = arith.constant 16 : i32
    %mul3A_102 = arith.muli %add3A_100, %mul3A_101 : i32
    %dma_wait3A = arith.constant 0 : i32
    %dma_wait3A_103 = tpu.memref_slice %arg3[%mul3A_102, %dma_wait3A] : memref<2048x512xf32, #tpu.memory_space<hbm>> -> memref<16x512xf32, #tpu.memory_space<hbm>>
    %dma_wait3A_104 = arith.constant 0 : i32
    %dma_wait3A_105 = tpu.memref_slice %arg3[%mul3A_102, %dma_wait3A_104] : memref<2048x512xf32, #tpu.memory_space<hbm>> -> memref<16x512xf32, #tpu.memory_space<hbm>>
    tpu.wait_dma2 semaphore(%arg10 : memref<!tpu.dma_semaphore, #tpu.memory_space<semaphore_mem>>) src(%arg6 : memref<16x512xf32, #tpu.memory_space<vmem>>) dst(%dma_wait3A_105 : memref<16x512xf32, #tpu.memory_space<hbm>>)
    %add3A_106 = arith.constant 96 : i32
    %add3A_107 = arith.addi %add3A, %add3A_106 : i32
    %mul3A_108 = arith.constant 16 : i32
    %mul3A_109 = arith.muli %add3A_107, %mul3A_108 : i32
    %dma_wait3A_110 = arith.constant 0 : i32
    %dma_wait3A_111 = tpu.memref_slice %arg3[%mul3A_109, %dma_wait3A_110] : memref<2048x512xf32, #tpu.memory_space<hbm>> -> memref<16x512xf32, #tpu.memory_space<hbm>>
    %dma_wait3A_112 = arith.constant 0 : i32
    %dma_wait3A_113 = tpu.memref_slice %arg3[%mul3A_109, %dma_wait3A_112] : memref<2048x512xf32, #tpu.memory_space<hbm>> -> memref<16x512xf32, #tpu.memory_space<hbm>>
    tpu.wait_dma2 semaphore(%arg11 : memref<!tpu.dma_semaphore, #tpu.memory_space<semaphore_mem>>) src(%arg7 : memref<16x512xf32, #tpu.memory_space<vmem>>) dst(%dma_wait3A_113 : memref<16x512xf32, #tpu.memory_space<hbm>>)
    return
  }
}

module attributes {stable_mosaic.version = 14 : i64} {
  func.func @_tc_kernel(%arg0: i32, %arg1: i32, %arg2: memref<512x2048xbf16, #tpu.memory_space<vmem>>, %arg3: memref<1x2048x512xf32, #tpu.memory_space<vmem>>, %arg4: memref<1x512x512xf32, #tpu.memory_space<vmem>>) attributes {dimension_semantics = [#tpu.dimension_semantics<arbitrary>, #tpu.dimension_semantics<arbitrary>], iteration_bounds = array<i64: 12, 1>, scalar_prefetch = 0 : i64, scratch_operands = 0 : i64, tpu.core_type = #tpu.core_type<tc>, window_params = [{pipeline_mode = #tpu.pipeline_mode<synchronous>, transform_indices = @transform_0, window_bounds = array<i64: 512, 2048>}, {transform_indices = @transform_1, window_bounds = array<i64: 1, 2048, 512>}, {transform_indices = @transform_2, window_bounds = array<i64: 1, 512, 512>}]} {
    %get3A = arith.constant 0 : index
    %get3A_0 = arith.constant 0 : index
    %get3A_1 = arith.constant 0 : index
    %get3A_2 = vector.load %arg3[%get3A, %get3A_0, %get3A_1] : memref<1x2048x512xf32, #tpu.memory_space<vmem>>, vector<1x2048x512xf32>
    %get3A_3 = vector.shape_cast %get3A_2 : vector<1x2048x512xf32> to vector<2048x512xf32>
    %convert_element_type3A = arith.truncf %get3A_3 : vector<2048x512xf32> to vector<2048x512xbf16>
    %get3A_4 = arith.constant 0 : index
    %get3A_5 = arith.constant 0 : index
    %get3A_6 = vector.load %arg2[%get3A_4, %get3A_5] : memref<512x2048xbf16, #tpu.memory_space<vmem>>, vector<512x2048xbf16>
    %dot_general3A = arith.constant dense<0.000000e+00> : vector<512x512xf32>
    %dot_general3A_7 = tpu.matmul %get3A_6, %convert_element_type3A, %dot_general3A {dimension_numbers = #tpu.dot_dimension_numbers<[1], [0], [0], [1], [0, 0, 1, 1], [], []>, transpose_lhs_hint = false} : vector<512x2048xbf16>, vector<2048x512xbf16>, vector<512x512xf32> -> vector<512x512xf32>
    %broadcast_in_dim3A = vector.shape_cast %dot_general3A_7 : vector<512x512xf32> to vector<1x512x512xf32>
    %swap3A = arith.constant 0 : index
    %swap3A_8 = arith.constant 0 : index
    %swap3A_9 = arith.constant 0 : index
    %swap3A_10 = vector.load %arg4[%swap3A, %swap3A_8, %swap3A_9] : memref<1x512x512xf32, #tpu.memory_space<vmem>>, vector<1x512x512xf32>
    tpu.vector_store %arg4[%swap3A, %swap3A_8, %swap3A_9], %broadcast_in_dim3A {strides = array<i32>} : memref<1x512x512xf32, #tpu.memory_space<vmem>>, vector<1x512x512xf32>,
    return
  }
  func.func @transform_0(%arg0: i32, %arg1: i32) -> (i32, i32) {
    %c0_i32 = arith.constant 0 : i32
    %c0_i32_0 = arith.constant 0 : i32
    %c0_i32_1 = arith.constant 0 : i32
    return %c0_i32, %c0_i32_0 : i32, i32
  }
  func.func @transform_1(%arg0: i32, %arg1: i32) -> (i32, i32, i32) {
    %c0_i32 = arith.constant 0 : i32
    %c0_i32_0 = arith.constant 0 : i32
    return %arg0, %arg1, %c0_i32 : i32, i32, i32
  }
  func.func @transform_2(%arg0: i32, %arg1: i32) -> (i32, i32, i32) {
    %c0_i32 = arith.constant 0 : i32
    %c0_i32_0 = arith.constant 0 : i32
    return %arg0, %arg1, %c0_i32 : i32, i32, i32
  }
}

</mosaic_0001>

<sc_bundles>
// kernel: _pool.4.cloned.1.call-start
scs
__scs_entry_jumppad:
0x0: {  	(pc) =	sbr.rel $0x88, $3  }
0x1: {  	(tag) =	ssettag $0x0;
	lr =	simm.s32 $0x1  }
0x2: {  	[smem:$0x3FA0] =	sst lr;
	_ =	strace $0xD0000000  }
0x3: {  	_ = 	snop  }
0x4: {  	_ = 	snop  }
0x5: {  	_ = 	snop  }
0x6: {  	_ = 	snop  }
0x7: {  	_ = 	snop  }
__scs_overlays_trampoline_lowered:
0x8: {  	[smem:$0x3FAF] =	sst s0  }
0x9: {  	[smem:$0x3FB0] =	sst s1  }
0xa: {  	[smem:$0x3FB1] =	sst s2  }
0xb: {  	[smem:$0x3FB2] =	sst s3  }
0xc: {  	[smem:$0x3FB3] =	sst s4  }
0xd: {  	[smem:$0x3FB4] =	sst s5  }
0xe: {  	[smem:$0x3FB5] =	sst s6  }
0xf: {  	[smem:$0x3FB6] =	sst s7  }
0x10: {  	[smem:$0x3FB7] =	sst s8  }
0x11: {  	[smem:$0x3FB8] =	sst s9;
	s0 =	simm.s32 @!p0 $0x0  }
0x12: {  	s1 =	sld [smem:$0x3F9E];
	s0 =	simm.s32 @p0 $0x1  }
0x13: {  	[smem:$0x3FB9] =	sst s0;
	s0 =	simm.s32 @!p1 $0x0  }
0x14: {  	s2 =	sld [smem:$0x3F9D];
	s0 =	simm.s32 @p1 $0x1  }
0x15: {  	[smem:$0x3FBA] =	sst s0;
	s0 =	simm.s32 @!p2 $0x0  }
0x16: {  	s3 =	sld [smem:$0x3FDB];
	s0 =	simm.s32 @p2 $0x1  }
0x17: {  	s4 =	simm.s32 $0x1BF5;
	[smem:$0x3FBC] =	sst s0  }
0x18: {  	s0 =	sld [smem:$0x3F9F];
	_ =	swait.ge [sflag:s4], $0x0  }
0x19: {  	s7 =	sld [smem:$0x3FA0]  }
0x1a: {  	s8 =	sadd.s32 $0xFFFFE003, lr  }
0x1b: {  	s9 =	sadd.s32 $0xFFFFFEF7, lr;
	s5 =	simm.s32 $0xFFFFFFFF;
	p2 =	slt.u32 s8, $0xFFFFF086  }
0x1c: {  	p1 =	slt.u32 s9, $0xF7A;
	s5 =	simm.s32 @!p2 $0x0  }
0x1d: {  	s5 =	simm.s32 @p1 $0x1;
	p0 =	seq.s32 s7, s2  }
0x1e: {  	s7 =	smul.u32 @!p0 $0xF7A, s2;
	p2 =	seq.s32 @!p0 s5, $0x0  }
0x1f: {  	s9 =	smul.u32 $0xF7A, s1;
	s8 =	simm.s32 @!p0 $0x1BF5;
	p2 =	por !p2, p0  }
0x20: {  	[sflag:s8] =	ssyncset.s32 @!p0 $0xFFFFF086;
	s6 =	sadd.s32 @!p0 s3, s7;
	s7 =	simm.s32 @!p0 $0x108  }
0x21: {  	s3 =	sadd.s32 s3, s9;
	s6 =	sadd.s32 @!p0 $0x88, s6;
	s7 =	simm.s32 @p2 $0x1082  }
0x22: {  	[simem:s7], [sflag:s8] =	dma.local @!p0 [hbm:s6], $0xF7A  }
0x23: {  	s9 =	sor.u32 $0xD0000000, s2;
	s6 =	simm.s32 $0x108;
	_ =	swait.ge @!p0 [sflag:s8], $0x0  }
0x24: {  	s3 =	sadd.s32 $0x88, s3;
	s6 =	simm.s32 @!p1 $0x1082;
	[sflag:s4] =	ssyncset.s32 $0xFFFFF086  }
0x25: {  	[simem:s6], [sflag:s4] =	dma.local [hbm:s3], $0xF7A  }
0x26: {  	[smem:$0x3FA0] =	sst s1;
	(tag) =	ssettag s2;
	_ =	strace s9  }
0x27: {  	s1 =	sld [smem:$0x3FB0]  }
0x28: {  	s2 =	sld [smem:$0x3FB1]  }
0x29: {  	s4 =	sld [smem:$0x3FB3]  }
0x2a: {  	p0 =	seq.s32 s5, $0x0;
	s5 =	sld [smem:$0x3FB4]  }
0x2b: {  	s6 =	sld [smem:$0x3FB5]  }
0x2c: {  	s7 =	sld [smem:$0x3FB6]  }
0x2d: {  	s3 =	simm.s32 $0x108;
	s8 =	sld [smem:$0x3FB7]  }
0x2e: {  	s3 =	simm.s32 @!p0 $0x1082;
	s9 =	sld [smem:$0x3FB8]  }
0x2f: {  	lr =	sadd.s32 s0, s3;
	s0 =	sld [smem:$0x3FAF]  }
0x30: {  	s3 =	sld [smem:$0x3FB2]  }
0x31: {  	[smem:$0x3FBB] =	sst s10  }
0x32: {  	s10 =	sld [smem:$0x3FB9];
	_ =	sdelay $0x3  }
0x33: {  	p0 =	seq.s32 s10, $0x1;
	s10 =	sld [smem:$0x3FBB];
	_ =	sdelay $0x3  }
0x34: {  	[smem:$0x3FBB] =	sst s10  }
0x35: {  	s10 =	sld [smem:$0x3FBA];
	_ =	sdelay $0x3  }
0x36: {  	p1 =	seq.s32 s10, $0x1;
	s10 =	sld [smem:$0x3FBB];
	_ =	sdelay $0x3  }
0x37: {  	[smem:$0x3FBB] =	sst s10  }
0x38: {  	s10 =	sld [smem:$0x3FBC]  }
0x39: {  	_ = 	snop;
	(pc) =	sbr.ind lr, $3  }
0x3a: {  	_ = 	snop  }
0x3b: {  	_ = 	snop  }
0x3c: {  	p2 =	seq.s32 s10, $0x1;
	s10 =	sld [smem:$0x3FBB]  }
0x3d: {  	_ =	shalt  }
0x3e: {  	_ =	shalt  }
0x3f: {  	_ =	shalt  }
0x40: {  	_ =	shalt  }
0x41: {  	_ =	shalt  }
0x42: {  	_ =	shalt  }
0x43: {  	_ =	shalt  }
0x44: {  	_ =	shalt  }
0x45: {  	_ =	shalt  }
0x46: {  	_ =	shalt  }
0x47: {  	_ =	shalt  }
0x48: {  	_ =	shalt  }
0x49: {  	_ =	shalt  }
0x4a: {  	_ =	shalt  }
0x4b: {  	_ =	shalt  }
0x4c: {  	_ =	shalt  }
0x4d: {  	_ =	shalt  }
0x4e: {  	_ =	shalt  }
0x4f: {  	_ =	shalt  }
0x50: {  	_ =	shalt  }
0x51: {  	_ =	shalt  }
0x52: {  	_ =	shalt  }
0x53: {  	_ =	shalt  }
0x54: {  	_ =	shalt  }
0x55: {  	_ =	shalt  }
0x56: {  	_ =	shalt  }
0x57: {  	_ =	shalt  }
0x58: {  	_ =	shalt  }
0x59: {  	_ =	shalt  }
0x5a: {  	_ =	shalt  }
0x5b: {  	_ =	shalt  }
0x5c: {  	_ =	shalt  }
0x5d: {  	_ =	shalt  }
0x5e: {  	_ =	shalt  }
0x5f: {  	_ =	shalt  }
0x60: {  	_ =	shalt  }
0x61: {  	_ =	shalt  }
0x62: {  	_ =	shalt  }
0x63: {  	_ =	shalt  }
0x64: {  	_ =	shalt  }
0x65: {  	_ =	shalt  }
0x66: {  	_ =	shalt  }
0x67: {  	_ =	shalt  }
0x68: {  	_ =	shalt  }
0x69: {  	_ =	shalt  }
0x6a: {  	_ =	shalt  }
0x6b: {  	_ =	shalt  }
0x6c: {  	_ =	shalt  }
0x6d: {  	_ =	shalt  }
0x6e: {  	_ =	shalt  }
0x6f: {  	_ =	shalt  }
0x70: {  	_ =	shalt  }
0x71: {  	_ =	shalt  }
0x72: {  	_ =	shalt  }
0x73: {  	_ =	shalt  }
0x74: {  	_ =	shalt  }
0x75: {  	_ =	shalt  }
0x76: {  	_ =	shalt  }
0x77: {  	_ =	shalt  }
0x78: {  	_ =	shalt  }
0x79: {  	_ =	shalt  }
0x7a: {  	_ =	shalt  }
0x7b: {  	_ =	shalt  }
0x7c: {  	_ =	shalt  }
0x7d: {  	_ =	shalt  }
0x7e: {  	_ =	shalt  }
0x7f: {  	_ =	shalt  }
0x80: {  	_ =	shalt  }
0x81: {  	_ =	shalt  }
0x82: {  	_ =	shalt  }
0x83: {  	_ =	shalt  }
0x84: {  	_ =	shalt  }
0x85: {  	_ =	shalt  }
0x86: {  	_ =	shalt  }
0x87: {  	_ =	shalt  }
.Lfunc_end0:
.L_simem_size_0:
called_computation_lowered:
.L_overlay_start_0:
0x88: {  	s2 =	sld [smem:$0x3FD9]  }
0x89: {  	s3 =	sld [smem:$0x3FFE];
	_ =	sdelay $0x1  }
0x8a: {  	s1 =	srdreg.scid  }
0x8b: {  	s0 =	sand.u32 $0x1, s1  }
0x8c: {  	s17 =	sshll.u32 s0, $0xA;
	s2 =	sadd.s32 s3, s2  }
0x8d: {  	s2 =	sadd.s32 s2, s17  }
0x8e: {  	[smem:$0x3FC7] =	sst s2  }
0x8f: {  	_ = 	snop  }
0x90: {  	s2 =	sld [smem:$0x3FC9];
	(tm) =	ssettm $0x1  }
0x91: {  	s18 =	sld [smem:$0x3FFB];
	_ =	sdelay $0x3  }
0x92: {  	_ =	strace s18  }
0x93: {  	s3 =	sld [smem:$0x3FFC];
	_ =	sdelay $0x3  }
0x94: {  	_ =	strace s3  }
0x95: {  	s3 =	sld [smem:$0x3FFD];
	_ =	sdelay $0x3  }
0x96: {  	_ =	strace s3  }
0x97: {  	_ =	strace $0x8FFFFFFF  }
0x98: {  	s19 =	sld [smem:$0x3FDB];
	_ =	sdelay $0x1  }
0x99: {  	s4 =	simm.s32 $_scs_section_size  }
0x9a: {  	s5 =	simm.s32 $_size__tile_overlayer_lowered;
	s6 =	simm.s32 $_tile_overlayer_lowered  }
0x9b: {  	s22 =	simm.s32 $0x1BFF;
	s21 =	sshll.u32 s6, $0x1;
	s3 =	sadd.s32 s4, s19  }
0x9c: {  	s7 =	simm.s32 $0x0;
	s20 =	sshll.u32 s5, $0x1;
	s5 =	sadd.s32 s21, s3  }
0x9d: {  	[timem:s7], [sflag:s22] =	dma.local [hbm:s5], s20  }
0x9e: {  	_ =	swait.ge [sflag:s22], s20  }
0x9f: {  	s4 =	ssub.s32 $0x0, s20;
	[sflag:s22] =	ssyncset.done $0x0  }
0xa0: {  	[sflag:s22] =	ssyncadd.s32 s4;
	_ =	sdelay $0x1  }
0xa1: {  	s23 =	simm.s32 $0x1B8B  }
0xa2: {  	_ =	swait.ge [sflag:s23], $0x1  }
0xa3: {  	[sflag:s23] =	ssyncset.done $0x0  }
0xa4: {  	s25 =	simm.s32 $0x1B8E;
	s24 =	sld [smem:$0x3FFE];
	[sflag:s23] =	ssyncadd.s32 $0xFFFFFFFF  }
0xa5: {  	s26 =	simm.s32 $execute0_lowered;
	[smem:$0x3FD2] =	sst s25  }
0xa6: {  	s5 =	sshll.u32 s26, $0x1;
	_ =	strace $0x80000046;
	[dreg:$0x1] =	wrdreg $0xFFFFFFFF  }
0xa7: {  	s28 =	simm.s32 $_size_execute0_lowered;
	s3 =	sadd.s32 s3, s5;
	[dreg:$0x0] =	wrdreg $0x0  }
0xa8: {  	s5 =	sshll.u32 s28, $0x1;
	[dreg:$0x2] =	wrdreg s3  }
0xa9: {  	[dreg:$0x3] =	wrdreg s5  }
0xaa: {  	[dreg:$0x4] =	wrdreg $0xC0  }
0xab: {  	_ =	task [dreg:s7], $0x5FFFF  }
0xac: {  	[dreg:$0x1] =	wrdreg $0xFFFFFFFF  }
0xad: {  	[dreg:$0x0] =	wrdreg $0x60  }
0xae: {  	[dreg:$0x2] =	wrdreg s2  }
0xaf: {  	[dreg:$0x3] =	wrdreg s24  }
0xb0: {  	[dreg:$0x4] =	wrdreg $0x9  }
0xb1: {  	_ =	task.clear_ibuf [dreg:s7], $0x5FFFF;
	_ =	strace $0x90000046  }
0xb2: {  	s29 =	simm.s32 $0x9;
	_ =	strace $0x80000048  }
0xb3: {  	_ =	swait.ge [sflag:s29], $0x1  }
0xb4: {  	[sflag:s29] =	ssyncadd.s32 $0xFFFFFFFF  }
0xb5: {  	_ =	strace $0x90000048  }
0xb6: {  	_ =	sfence  }
0xb7: {  	s30 =	sld [smem:$0x0];
	_ =	sdelay $0x2  }
0xb8: {  	s31 =	sshll.u32 s1, $0xD;
	s1 =	sshrl.u32 s1, $0x2  }
0xb9: {  	s3 =	sand.u32 $0x4000, s31;
	s1 =	sadd.s32 s1, s30  }
0xba: {  	s0 =	sor.u32 s3, s0;
	s1 =	sshll.u32 s1, $0x11  }
0xbb: {  	s0 =	sor.u32 s1, s0  }
0xbc: {  	s0 =	sadd.s32 $0x8F2B, s0  }
0xbd: {  	[sflag:s0] =	ssyncadd.remote.s32 $0x1  }
0xbe: {  	_ =	sfence.sel $0xFFFF  }
0xbf: {  	[dreg:$0x0] =	wrdreg $0xFFFFFFFF;
	(pc) =	sbr.abs _section_cstart, $3  }
0xc0: {  	[dreg:$0x1] =	wrdreg $0xFFFFFFFF  }
0xc1: {  	_ =	task.clear_ibuf [dreg:s7], $0x2FFFF;
	_ =	strace $0x9FFFFFFF  }
0xc2: {  	(tm) =	ssettm $0x7FFFFFFF  }
0xc3: {  	_ =	shalt  }
tec
execute0_lowered:
.L_overlay_start_1:
0x0: {  	(tag) =	ssettag $0x1  }
0x1: {  	s0 =	rddreg [dreg:$0x0]  }
0x2: {  	s1 =	rddreg [dreg:$0x1]  }
0x3: {  	s2 =	srdreg.scid;
	s3 =	stileid.u32  }
0x4: {  	s4 =	simm.s32 $0x0;
	s2 =	sand.u32 $0x1, s2;
	s3 =	sshll.u32 s3, $0x1  }
0x5: {  	[smem:$0x7FF] =	sst s4;
	s22 =	ssub.s32 $0x2, s2;
	s2 =	sor.u32 s2, s3  }
0x6: {  	s6 =	sadd.s32 $0x600, s1;
	s5 =	sshll.u32 s2, $0xC;
	s2 =	sshll.u32 s2, $0xA  }
0x7: {  	_ =	strace $0x80000047;
	[dreg:$0x3] =	wrdreg s6;
	s28 =	sadd.s32 s6, s2  }
0x8: {  	s0 =	sadd.s32 s5, s0;
	s31 =	sor.u32 $0x8000, s2;
	[dreg:$0x6] =	wrdreg s28  }
0x9: {  	s25 =	sadd.s32 $0x180000, s0;
	[dreg:$0xa] =	wrdreg s31  }
.Ltmp0:
0xa: {  	s26 =	sadd.s32 $0x1A0000, s0;
	[dreg:$0x4] =	wrdreg s25;
	(pc) =	sbr.rel .LBB2_1-.Ltmp0, $4  }
0xb: {  	s23 =	sshrl.u32 s22, $0x1;
	s29 =	sadd.s32 $0x1C0000, s0;
	[dreg:$0x5] =	wrdreg s26  }
0xc: {  	s24 =	ssub.s32 s22, s23;
	s0 =	sadd.s32 $0x1E0000, s0;
	[dreg:$0x7] =	wrdreg s29  }
0xd: {  	s30 =	smax.u32 s24, $0x1;
	[dreg:$0x8] =	wrdreg s0  }
0xe: {  	s2 =	simm.s32 $0x0;
	[dreg:$0x9] =	wrdreg s30  }
.LBB2_8:
0xf: {  	s0 =	simm.s32 $0x3  }
0x10: {  	_ =	swait.ge [sflag:s0], $0x2000  }
0x11: {  	[sflag:s0] =	ssyncset.done $0x0  }
0x12: {  	s1 =	simm.s32 $0x4;
	[sflag:s0] =	ssyncadd.s32 $0xFFFFE000  }
0x13: {  	_ =	swait.ge [sflag:s1], $0x2000  }
0x14: {  	s2 =	rddreg [dreg:$0xb]  }
0x15: {  	s31 =	rddreg [dreg:$0x9];
	s2 =	sadd.s32 $0x1, s2  }
0x16: {  	p0 =	sne.s32 s2, s31  }
.Ltmp1:
0x17: {  	_ = 	snop;
	(pc) =	sbr.rel @!p0 .LBB2_9-.Ltmp1, $3  }
0x18: {  	_ =	sdelay $0x1  }
0x19: {  	[sflag:s1] =	ssyncset.done $0x0  }
0x1a: {  	[sflag:s1] =	ssyncadd.s32 $0xFFFFE000  }
.LBB2_1:
0x1b: {  	[dreg:$0xb] =	wrdreg s2  }
0x1c: {  	s0 =	simm.s32 $0x0;
	s1 =	rddreg [dreg:$0x4]  }
0x1d: {  	[tilespmem:s0], [sflag:$0x1] =	stream.linear.gather [hbm4b:s1+s0], $0x8000, $0x38;
	[tilespmem:$0x14000] =	vst v63  }
0x1e: {  	s31 =	simm.s32 $0x0;
	s0 =	rddreg [dreg:$0x5]  }
0x1f: {  	p0 =	por $0x1, $0x1;
	[dreg:$0xc] =	wrdreg s31  }
.LBB2_2:
0x20: {  	s1 =	simm.s32 $0x0;
	s2 =	simm.s32 $0x8000;
	s30 =	simm.s32 $0x1  }
0x21: {  	[tilespmem:s2], [sflag:$0x2] =	stream.linear.gather [hbm4b:s0+s1], $0x8000, $0x38;
	[tilespmem:$0x14000] =	vst v63  }
0x22: {  	_ =	swait.ge [sflag:s30], $0x8000  }
0x23: {  	[sflag:s30] =	ssyncset.done $0x0  }
0x24: {  	s0 =	simm.s32 @!p0 $0x3;
	[sflag:s30] =	ssyncadd.s32 $0xFFFF8000  }
0x25: {  	_ =	swait.ge @!p0 [sflag:s0], $0x2000  }
0x26: {  	s31 =	simm.s32 $0x0;
	[sflag:s0] =	ssyncset.done @!p0 $0x0  }
0x27: {  	s20 =	simm.s32 $0x0;
	s21 =	simm.s32 $0x0;
	[sflag:s0] =	ssyncadd.s32 @!p0 $0xFFFFE000  }
.LBB2_3:
0x28: {  	s23 =	sand.u32 $0x60, s21;
	s22 =	sand.u32 $0xC00, s20  }
0x29: {  	s0 =	sor.u32 s23, s22  }
0x2a: {  	v0 =	vld [tilespmem:s0+$0x0]  }
0x2b: {  	v1 =	vld [tilespmem:s0+$0x80]  }
0x2c: {  	s1 =	sand.u32 $0xFFFFFC00, s20  }
0x2d: {  	s1 =	sadd.s32 s1, s21;
	v2 =	vld [tilespmem:s0+$0x100]  }
0x2e: {  	s5 =	sor.u32 $0x180, s1  }
0x2f: {  	v3 =	vld [tilespmem:s5+$0x0]  }
0x30: {  	v0 =	vadd.f32 v1, v0;
	_ =	sdelay $0x1  }
0x31: {  	v0 =	vadd.f32 v2, v0;
	_ =	sdelay $0x1  }
0x32: {  	v0 =	vadd.f32 v3, v0  }
0x33: {  	s2 =	sand.u32 $0x3, s31  }
0x34: {  	s2 =	sshll.u32 s2, $0x5;
	v30 =	vld [tilespmem:s0+$0x200];
	v0 =	vmul.f32 $2.500000000e-01, v0  }
0x35: {  	s24 =	sadd.s32 s2, s20;
	v31 =	vld [tilespmem:s0+$0x280]  }
0x36: {  	s4 =	sor.u32 $0x300, s24;
	[tilespmem:s0+$0x10000] =	vst v0  }
0x37: {  	s6 =	sor.u32 s21, s20;
	v0 =	vld [tilespmem:s4+$0x0]  }
0x38: {  	s3 =	sor.u32 $0x380, s6  }
0x39: {  	v32 =	vld [tilespmem:s3+$0x0]  }
0x3a: {  	v1 =	vadd.f32 v31, v30;
	_ =	sdelay $0x1  }
0x3b: {  	v0 =	vadd.f32 v0, v1;
	_ =	sdelay $0x1  }
0x3c: {  	v33 =	vld [tilespmem:s0+$0x1000];
	v0 =	vadd.f32 v32, v0  }
0x3d: {  	v34 =	vld [tilespmem:s0+$0x1080]  }
0x3e: {  	v0 =	vmul.f32 $2.500000000e-01, v0  }
0x3f: {  	v35 =	vld [tilespmem:s0+$0x1100]  }
0x40: {  	s2 =	sor.u32 $0x1180, s1;
	[tilespmem:s0+$0x10080] =	vst v0  }
0x41: {  	v0 =	vld [tilespmem:s2+$0x0]  }
0x42: {  	v1 =	vadd.f32 v34, v33;
	_ =	sdelay $0x1  }
0x43: {  	v1 =	vadd.f32 v35, v1;
	_ =	sdelay $0x1  }
0x44: {  	v0 =	vadd.f32 v0, v1;
	_ =	sdelay $0x1  }
0x45: {  	v36 =	vld [tilespmem:s0+$0x1200];
	v0 =	vmul.f32 $2.500000000e-01, v0  }
0x46: {  	v37 =	vld [tilespmem:s0+$0x1280]  }
0x47: {  	s1 =	sor.u32 $0x1300, s24;
	[tilespmem:s0+$0x10100] =	vst v0  }
0x48: {  	v0 =	vld [tilespmem:s1+$0x0]  }
0x49: {  	s11 =	sor.u32 $0x1380, s6  }
0x4a: {  	v38 =	vld [tilespmem:s11+$0x0]  }
0x4b: {  	v1 =	vadd.f32 v37, v36;
	_ =	sdelay $0x1  }
0x4c: {  	v0 =	vadd.f32 v0, v1;
	_ =	sdelay $0x1  }
0x4d: {  	v0 =	vadd.f32 v38, v0;
	_ =	sdelay $0x1  }
0x4e: {  	v0 =	vmul.f32 $2.500000000e-01, v0  }
0x4f: {  	s30 =	sor.u32 $0x2000, s22  }
0x50: {  	s16 =	sor.u32 $0x2080, s22;
	s15 =	sor.u32 s23, s30;
	[tilespmem:s5+$0x10000] =	vst v0  }
0x51: {  	s17 =	sor.u32 s23, s16;
	v0 =	vld [tilespmem:s15+$0x0]  }
0x52: {  	s18 =	sor.u32 $0x2100, s22;
	v39 =	vld [tilespmem:s17+$0x0]  }
0x53: {  	s5 =	sor.u32 s23, s18  }
0x54: {  	s19 =	sor.u32 $0x2180, s22;
	v40 =	vld [tilespmem:s5+$0x0]  }
0x55: {  	s5 =	sor.u32 s23, s19  }
0x56: {  	v41 =	vld [tilespmem:s5+$0x0]  }
0x57: {  	v0 =	vadd.f32 v39, v0;
	_ =	sdelay $0x1  }
0x58: {  	v0 =	vadd.f32 v40, v0;
	_ =	sdelay $0x1  }
0x59: {  	v0 =	vadd.f32 v41, v0;
	_ =	sdelay $0x1  }
0x5a: {  	v0 =	vmul.f32 $2.500000000e-01, v0  }
0x5b: {  	s25 =	sor.u32 $0x2200, s22  }
0x5c: {  	s26 =	sor.u32 $0x2280, s22;
	s5 =	sor.u32 s23, s25;
	[tilespmem:s0+$0x10200] =	vst v0  }
0x5d: {  	s28 =	sor.u32 s23, s26;
	v0 =	vld [tilespmem:s5+$0x0]  }
0x5e: {  	s29 =	sor.u32 $0x2300, s22;
	v42 =	vld [tilespmem:s28+$0x0]  }
0x5f: {  	s5 =	sor.u32 s23, s29  }
0x60: {  	s6 =	sor.u32 $0x2380, s22;
	v43 =	vld [tilespmem:s5+$0x0]  }
0x61: {  	s5 =	sor.u32 s23, s6  }
0x62: {  	v44 =	vld [tilespmem:s5+$0x0]  }
0x63: {  	v0 =	vadd.f32 v42, v0;
	_ =	sdelay $0x1  }
0x64: {  	v0 =	vadd.f32 v43, v0;
	_ =	sdelay $0x1  }
0x65: {  	v0 =	vadd.f32 v44, v0;
	_ =	sdelay $0x1  }
0x66: {  	v0 =	vmul.f32 $2.500000000e-01, v0  }
0x67: {  	s7 =	sor.u32 $0x3000, s22  }
0x68: {  	s8 =	sor.u32 $0x3080, s22;
	s5 =	sor.u32 s23, s7;
	[tilespmem:s0+$0x10280] =	vst v0  }
0x69: {  	s9 =	sor.u32 s23, s8;
	v0 =	vld [tilespmem:s5+$0x0]  }
0x6a: {  	s10 =	sor.u32 $0x3100, s22;
	v45 =	vld [tilespmem:s9+$0x0]  }
0x6b: {  	s5 =	sor.u32 s23, s10  }
0x6c: {  	s12 =	sor.u32 $0x3180, s22;
	v46 =	vld [tilespmem:s5+$0x0]  }
0x6d: {  	s5 =	sor.u32 s23, s12  }
0x6e: {  	v47 =	vld [tilespmem:s5+$0x0]  }
0x6f: {  	v0 =	vadd.f32 v45, v0;
	_ =	sdelay $0x1  }
0x70: {  	v0 =	vadd.f32 v46, v0;
	_ =	sdelay $0x1  }
0x71: {  	v0 =	vadd.f32 v47, v0;
	_ =	sdelay $0x1  }
0x72: {  	v0 =	vmul.f32 $2.500000000e-01, v0  }
0x73: {  	s13 =	sor.u32 $0x3200, s22  }
0x74: {  	s14 =	sor.u32 s23, s13;
	s15 =	sor.u32 $0x3280, s22;
	[tilespmem:s4+$0x10000] =	vst v0  }
0x75: {  	[dreg:$0xd] =	wrdreg s16;
	s16 =	sor.u32 s23, s15;
	v0 =	vld [tilespmem:s14+$0x0]  }
0x76: {  	s17 =	sor.u32 $0x3300, s22;
	v48 =	vld [tilespmem:s16+$0x0]  }
0x77: {  	s4 =	sor.u32 s23, s17  }
0x78: {  	[dreg:$0xf] =	wrdreg s18;
	s18 =	sor.u32 $0x3380, s22;
	v49 =	vld [tilespmem:s4+$0x0]  }
0x79: {  	s4 =	sor.u32 s23, s18  }
0x7a: {  	v50 =	vld [tilespmem:s4+$0x0]  }
0x7b: {  	v0 =	vadd.f32 v48, v0;
	_ =	sdelay $0x1  }
0x7c: {  	v0 =	vadd.f32 v49, v0;
	_ =	sdelay $0x1  }
0x7d: {  	v0 =	vadd.f32 v50, v0;
	_ =	sdelay $0x1  }
0x7e: {  	[dreg:$0x11] =	wrdreg s19;
	v0 =	vmul.f32 $2.500000000e-01, v0  }
0x7f: {  	[dreg:$0x13] =	wrdreg s25;
	s19 =	sor.u32 $0x4000, s22  }
0x80: {  	[dreg:$0x15] =	wrdreg s26;
	s26 =	sor.u32 $0x4080, s22;
	s25 =	sor.u32 s23, s19;
	[tilespmem:s3+$0x10000] =	vst v0  }
0x81: {  	s28 =	sor.u32 s23, s26;
	v0 =	vld [tilespmem:s25+$0x0]  }
0x82: {  	[dreg:$0x17] =	wrdreg s29;
	s29 =	sor.u32 $0x4100, s22;
	v51 =	vld [tilespmem:s28+$0x0]  }
0x83: {  	s3 =	sor.u32 s23, s29  }
0x84: {  	s4 =	sor.u32 $0x4180, s22;
	v52 =	vld [tilespmem:s3+$0x0]  }
0x85: {  	s3 =	sor.u32 s23, s4  }
0x86: {  	v53 =	vld [tilespmem:s3+$0x0]  }
0x87: {  	v0 =	vadd.f32 v51, v0;
	_ =	sdelay $0x1  }
0x88: {  	v0 =	vadd.f32 v52, v0;
	_ =	sdelay $0x1  }
0x89: {  	v0 =	vadd.f32 v53, v0;
	_ =	sdelay $0x1  }
0x8a: {  	v0 =	vmul.f32 $2.500000000e-01, v0  }
0x8b: {  	s5 =	sor.u32 $0x4200, s22  }
0x8c: {  	[dreg:$0x19] =	wrdreg s6;
	s6 =	sor.u32 $0x4280, s22;
	s3 =	sor.u32 s23, s5;
	[tilespmem:s0+$0x11000] =	vst v0  }
0x8d: {  	[dreg:$0x1b] =	wrdreg s7;
	s7 =	sor.u32 s23, s6;
	v0 =	vld [tilespmem:s3+$0x0]  }
0x8e: {  	[dreg:$0x1d] =	wrdreg s8;
	s8 =	sor.u32 $0x4300, s22;
	v54 =	vld [tilespmem:s7+$0x0]  }
0x8f: {  	s3 =	sor.u32 s23, s8  }
0x90: {  	s9 =	sor.u32 $0x4380, s22;
	v55 =	vld [tilespmem:s3+$0x0]  }
0x91: {  	s3 =	sor.u32 s23, s9  }
0x92: {  	v56 =	vld [tilespmem:s3+$0x0]  }
0x93: {  	v0 =	vadd.f32 v54, v0;
	_ =	sdelay $0x1  }
0x94: {  	v0 =	vadd.f32 v55, v0;
	_ =	sdelay $0x1  }
0x95: {  	v0 =	vadd.f32 v56, v0;
	_ =	sdelay $0x1  }
0x96: {  	v0 =	vmul.f32 $2.500000000e-01, v0  }
0x97: {  	[dreg:$0x1f] =	wrdreg s10;
	s10 =	sor.u32 $0x5000, s22  }
0x98: {  	[smem:$0x7EE] =	sst s12;
	s12 =	sor.u32 $0x5080, s22;
	s3 =	sor.u32 s23, s10;
	[tilespmem:s0+$0x11080] =	vst v0  }
0x99: {  	[smem:$0x7EF] =	sst s13;
	s13 =	sor.u32 s23, s12;
	v0 =	vld [tilespmem:s3+$0x0]  }
0x9a: {  	s14 =	sor.u32 $0x5100, s22;
	v57 =	vld [tilespmem:s13+$0x0]  }
0x9b: {  	s3 =	sor.u32 s23, s14  }
0x9c: {  	[smem:$0x7F5] =	sst s29;
	s29 =	sor.u32 $0x5180, s22;
	v58 =	vld [tilespmem:s3+$0x0]  }
0x9d: {  	[smem:$0x7F0] =	sst s15;
	s15 =	sor.u32 s23, s29  }
0x9e: {  	v59 =	vld [tilespmem:s15+$0x0]  }
0x9f: {  	v0 =	vadd.f32 v57, v0;
	_ =	sdelay $0x1  }
0xa0: {  	v0 =	vadd.f32 v58, v0;
	_ =	sdelay $0x1  }
0xa1: {  	v0 =	vadd.f32 v59, v0;
	_ =	sdelay $0x1  }
0xa2: {  	v0 =	vmul.f32 $2.500000000e-01, v0  }
0xa3: {  	s28 =	sor.u32 $0x5200, s22  }
0xa4: {  	[smem:$0x7F4] =	sst s26;
	s26 =	sor.u32 $0x5280, s22;
	s16 =	sor.u32 s23, s28;
	[tilespmem:s0+$0x11100] =	vst v0  }
0xa5: {  	[smem:$0x7F1] =	sst s17;
	s17 =	sor.u32 s23, s26;
	v0 =	vld [tilespmem:s16+$0x0]  }
0xa6: {  	s25 =	sor.u32 $0x5300, s22;
	v60 =	vld [tilespmem:s17+$0x0]  }
0xa7: {  	[smem:$0x7F2] =	sst s18;
	s18 =	sor.u32 s23, s25  }
0xa8: {  	v61 =	vld [tilespmem:s18+$0x0];
	s17 =	sor.u32 $0x5380, s22  }
0xa9: {  	[smem:$0x7F3] =	sst s19;
	s19 =	sor.u32 s23, s17  }
0xaa: {  	v62 =	vld [tilespmem:s19+$0x0]  }
0xab: {  	v0 =	vadd.f32 v60, v0;
	_ =	sdelay $0x1  }
0xac: {  	v0 =	vadd.f32 v61, v0;
	_ =	sdelay $0x1  }
0xad: {  	v0 =	vadd.f32 v62, v0;
	_ =	sdelay $0x1  }
0xae: {  	v0 =	vmul.f32 $2.500000000e-01, v0  }
0xaf: {  	s18 =	sor.u32 $0x6000, s22  }
0xb0: {  	s16 =	sor.u32 $0x6080, s22;
	s3 =	sor.u32 s23, s18;
	[tilespmem:s2+$0x10000] =	vst v0  }
0xb1: {  	[smem:$0x7F6] =	sst s4;
	s4 =	sor.u32 s23, s16;
	v0 =	vld [tilespmem:s3+$0x0]  }
0xb2: {  	s15 =	sor.u32 $0x6100, s22;
	v63 =	vld [tilespmem:s4+$0x0]  }
0xb3: {  	[smem:$0x7F7] =	sst s5;
	s5 =	sor.u32 s23, s15  }
0xb4: {  	s13 =	sor.u32 $0x6180, s22;
	v6 =	vld [tilespmem:s5+$0x0]  }
0xb5: {  	[smem:$0x7F8] =	sst s6;
	s6 =	sor.u32 s23, s13  }
0xb6: {  	v7 =	vld [tilespmem:s6+$0x0]  }
0xb7: {  	v0 =	vadd.f32 v63, v0;
	_ =	sdelay $0x1  }
0xb8: {  	v0 =	vadd.f32 v6, v0;
	_ =	sdelay $0x1  }
0xb9: {  	v0 =	vadd.f32 v7, v0;
	_ =	sdelay $0x1  }
0xba: {  	v0 =	vmul.f32 $2.500000000e-01, v0  }
0xbb: {  	[smem:$0x7FD] =	sst s14;
	s14 =	sor.u32 $0x6200, s22  }
0xbc: {  	[smem:$0x7FC] =	sst s12;
	s12 =	sor.u32 $0x6280, s22;
	s7 =	sor.u32 s23, s14;
	[tilespmem:s0+$0x11200] =	vst v0  }
0xbd: {  	[smem:$0x7F9] =	sst s8;
	s8 =	sor.u32 s23, s12;
	v0 =	vld [tilespmem:s7+$0x0]  }
0xbe: {  	[smem:$0x7FB] =	sst s10;
	s10 =	sor.u32 $0x6300, s22;
	v8 =	vld [tilespmem:s8+$0x0]  }
0xbf: {  	[smem:$0x7FA] =	sst s9;
	s9 =	sor.u32 s23, s10  }
0xc0: {  	v9 =	vld [tilespmem:s9+$0x0];
	s9 =	sor.u32 $0x6380, s22  }
0xc1: {  	s19 =	sor.u32 s23, s9  }
0xc2: {  	v10 =	vld [tilespmem:s19+$0x0]  }
0xc3: {  	v0 =	vadd.f32 v8, v0;
	_ =	sdelay $0x1  }
0xc4: {  	v0 =	vadd.f32 v9, v0;
	_ =	sdelay $0x1  }
0xc5: {  	v0 =	vadd.f32 v10, v0;
	_ =	sdelay $0x1  }
0xc6: {  	v0 =	vmul.f32 $2.500000000e-01, v0  }
0xc7: {  	s8 =	sor.u32 $0x7000, s22  }
0xc8: {  	s7 =	sor.u32 $0x7080, s22;
	s3 =	sor.u32 s23, s8;
	[tilespmem:s0+$0x11280] =	vst v0  }
0xc9: {  	s4 =	sor.u32 s23, s7;
	v0 =	vld [tilespmem:s3+$0x0]  }
0xca: {  	s6 =	sor.u32 $0x7100, s22;
	v11 =	vld [tilespmem:s4+$0x0]  }
0xcb: {  	s5 =	sor.u32 s23, s6  }
0xcc: {  	v12 =	vld [tilespmem:s5+$0x0];
	s4 =	sor.u32 $0x7180, s22  }
0xcd: {  	s19 =	sor.u32 s23, s4  }
0xce: {  	v13 =	vld [tilespmem:s19+$0x0]  }
0xcf: {  	v0 =	vadd.f32 v11, v0;
	_ =	sdelay $0x1  }
0xd0: {  	v0 =	vadd.f32 v12, v0;
	_ =	sdelay $0x1  }
0xd1: {  	v0 =	vadd.f32 v13, v0;
	_ =	sdelay $0x1  }
0xd2: {  	v0 =	vmul.f32 $2.500000000e-01, v0  }
0xd3: {  	s5 =	sor.u32 $0x7200, s22  }
0xd4: {  	s3 =	sor.u32 $0x7280, s22;
	s2 =	sor.u32 s23, s5;
	[tilespmem:s1+$0x10000] =	vst v0  }
0xd5: {  	s19 =	sor.u32 s23, s3;
	v0 =	vld [tilespmem:s2+$0x0]  }
0xd6: {  	v14 =	vld [tilespmem:s19+$0x0];
	s2 =	sor.u32 $0x7300, s22  }
0xd7: {  	s1 =	sor.u32 s23, s2  }
0xd8: {  	v15 =	vld [tilespmem:s1+$0x0];
	s1 =	sor.u32 $0x7380, s22  }
0xd9: {  	s19 =	sor.u32 s23, s1  }
0xda: {  	v16 =	vld [tilespmem:s19+$0x0]  }
0xdb: {  	v0 =	vadd.f32 v14, v0;
	_ =	sdelay $0x1  }
0xdc: {  	v0 =	vadd.f32 v15, v0;
	_ =	sdelay $0x1  }
0xdd: {  	v0 =	vadd.f32 v16, v0;
	_ =	sdelay $0x1  }
0xde: {  	v0 =	vmul.f32 $2.500000000e-01, v0  }
0xdf: {  	s23 =	sor.u32 $0x10, s23  }
0xe0: {  	[tilespmem:s11+$0x10000] =	vst v0;
	s11 =	sor.u32 s22, s23  }
0xe1: {  	v0 =	vld [tilespmem:s11+$0x0]  }
0xe2: {  	v17 =	vld [tilespmem:s11+$0x80];
	_ =	sdelay $0x1  }
0xe3: {  	v18 =	vld [tilespmem:s11+$0x100];
	_ =	sdelay $0x1  }
0xe4: {  	v19 =	vld [tilespmem:s11+$0x180]  }
0xe5: {  	v0 =	vadd.f32 v17, v0;
	_ =	sdelay $0x1  }
0xe6: {  	v0 =	vadd.f32 v18, v0;
	_ =	sdelay $0x1  }
0xe7: {  	v20 =	vld [tilespmem:s11+$0x200];
	v0 =	vadd.f32 v19, v0  }
0xe8: {  	v22 =	vld [tilespmem:s11+$0x1000]  }
0xe9: {  	v23 =	vld [tilespmem:s11+$0x1080];
	v0 =	vmul.f32 $2.500000000e-01, v0  }
0xea: {  	s22 =	sadd.s32 $0x10, s24;
	v21 =	vld [tilespmem:s11+$0x280]  }
0xeb: {  	s19 =	sor.u32 $0x300, s22;
	v5 =	vld [tilespmem:s11+$0x1100];
	[tilespmem:s11+$0x10000] =	vst v0  }
0xec: {  	v4 =	vld [tilespmem:s19+$0x0]  }
0xed: {  	s0 =	sor.u32 $0x380, s22;
	v24 =	vld [tilespmem:s11+$0x1180]  }
0xee: {  	v0 =	vadd.f32 v23, v22;
	v6 =	vld [tilespmem:s0+$0x0]  }
0xef: {  	v1 =	vadd.f32 v21, v20  }
0xf0: {  	v0 =	vadd.f32 v5, v0  }
0xf1: {  	v1 =	vadd.f32 v4, v1  }
0xf2: {  	v0 =	vadd.f32 v24, v0  }
0xf3: {  	v1 =	vadd.f32 v6, v1  }
0xf4: {  	v0 =	vmul.f32 $2.500000000e-01, v0  }
0xf5: {  	v25 =	vld [tilespmem:s11+$0x1200];
	v1 =	vmul.f32 $2.500000000e-01, v1  }
0xf6: {  	v26 =	vld [tilespmem:s11+$0x1280];
	[tilespmem:s11+$0x10100] =	vst v0  }
0xf7: {  	s24 =	sor.u32 $0x1300, s22;
	[tilespmem:s11+$0x10080] =	vst v1  }
0xf8: {  	v0 =	vld [tilespmem:s24+$0x0]  }
0xf9: {  	s22 =	sor.u32 $0x1380, s22  }
0xfa: {  	v27 =	vld [tilespmem:s22+$0x0]  }
0xfb: {  	v1 =	vadd.f32 v26, v25;
	_ =	sdelay $0x1  }
0xfc: {  	v0 =	vadd.f32 v0, v1;
	_ =	sdelay $0x1  }
0xfd: {  	v0 =	vadd.f32 v27, v0;
	_ =	sdelay $0x1  }
0xfe: {  	v0 =	vmul.f32 $2.500000000e-01, v0;
	_ =	sdelay $0x1  }
0xff: {  	s30 =	sor.u32 s23, s30;
	[tilespmem:s11+$0x10180] =	vst v0  }
0x100: {  	v0 =	vld [tilespmem:s30+$0x0];
	s30 =	rddreg [dreg:$0xd]  }
0x101: {  	s30 =	sor.u32 s23, s30  }
0x102: {  	v28 =	vld [tilespmem:s30+$0x0];
	s30 =	rddreg [dreg:$0xf]  }
0x103: {  	s30 =	sor.u32 s23, s30  }
0x104: {  	v29 =	vld [tilespmem:s30+$0x0];
	s30 =	rddreg [dreg:$0x11]  }
0x105: {  	s30 =	sor.u32 s23, s30  }
0x106: {  	v30 =	vld [tilespmem:s30+$0x0]  }
0x107: {  	v0 =	vadd.f32 v28, v0;
	_ =	sdelay $0x1  }
0x108: {  	v0 =	vadd.f32 v29, v0;
	_ =	sdelay $0x1  }
0x109: {  	v0 =	vadd.f32 v30, v0;
	_ =	sdelay $0x1  }
0x10a: {  	v0 =	vmul.f32 $2.500000000e-01, v0  }
0x10b: {  	s30 =	rddreg [dreg:$0x13]  }
0x10c: {  	s30 =	sor.u32 s23, s30;
	[tilespmem:s11+$0x10200] =	vst v0  }
0x10d: {  	v0 =	vld [tilespmem:s30+$0x0];
	s30 =	rddreg [dreg:$0x15]  }
0x10e: {  	s30 =	sor.u32 s23, s30  }
0x10f: {  	v31 =	vld [tilespmem:s30+$0x0];
	s30 =	rddreg [dreg:$0x17]  }
0x110: {  	s30 =	sor.u32 s23, s30  }
0x111: {  	v32 =	vld [tilespmem:s30+$0x0];
	s30 =	rddreg [dreg:$0x19]  }
0x112: {  	s30 =	sor.u32 s23, s30  }
0x113: {  	v33 =	vld [tilespmem:s30+$0x0]  }
0x114: {  	v0 =	vadd.f32 v31, v0;
	_ =	sdelay $0x1  }
0x115: {  	v0 =	vadd.f32 v32, v0;
	_ =	sdelay $0x1  }
0x116: {  	v0 =	vadd.f32 v33, v0;
	_ =	sdelay $0x1  }
0x117: {  	v0 =	vmul.f32 $2.500000000e-01, v0  }
0x118: {  	s30 =	rddreg [dreg:$0x1b]  }
0x119: {  	s30 =	sor.u32 s23, s30;
	[tilespmem:s11+$0x10280] =	vst v0  }
0x11a: {  	v0 =	vld [tilespmem:s30+$0x0];
	s30 =	rddreg [dreg:$0x1d]  }
0x11b: {  	s30 =	sor.u32 s23, s30  }
0x11c: {  	v34 =	vld [tilespmem:s30+$0x0];
	s30 =	rddreg [dreg:$0x1f]  }
0x11d: {  	s30 =	sor.u32 s23, s30  }
0x11e: {  	v35 =	vld [tilespmem:s30+$0x0];
	s30 =	sld [smem:$0x7EE];
	_ =	sdelay $0x2  }
0x11f: {  	s30 =	sor.u32 s23, s30  }
0x120: {  	v36 =	vld [tilespmem:s30+$0x0]  }
0x121: {  	v0 =	vadd.f32 v34, v0;
	_ =	sdelay $0x1  }
0x122: {  	v0 =	vadd.f32 v35, v0;
	_ =	sdelay $0x1  }
0x123: {  	v0 =	vadd.f32 v36, v0  }
0x124: {  	s30 =	sld [smem:$0x7EF]  }
0x125: {  	v0 =	vmul.f32 $2.500000000e-01, v0;
	_ =	sdelay $0x1  }
0x126: {  	[tilespmem:s19+$0x10000] =	vst v0;
	s19 =	sor.u32 s23, s30;
	s30 =	sld [smem:$0x7F0];
	_ =	sdelay $0x2  }
0x127: {  	v0 =	vld [tilespmem:s19+$0x0];
	s19 =	sor.u32 s23, s30;
	s30 =	sld [smem:$0x7F1];
	_ =	sdelay $0x2  }
0x128: {  	v37 =	vld [tilespmem:s19+$0x0];
	s19 =	sor.u32 s23, s30;
	s30 =	sld [smem:$0x7F2];
	_ =	sdelay $0x1  }
0x129: {  	v38 =	vld [tilespmem:s19+$0x0]  }
0x12a: {  	s19 =	sor.u32 s23, s30  }
0x12b: {  	v39 =	vld [tilespmem:s19+$0x0]  }
0x12c: {  	v0 =	vadd.f32 v37, v0;
	_ =	sdelay $0x1  }
0x12d: {  	v0 =	vadd.f32 v38, v0;
	_ =	sdelay $0x1  }
0x12e: {  	v0 =	vadd.f32 v39, v0  }
0x12f: {  	s30 =	sld [smem:$0x7F3]  }
0x130: {  	s19 =	sld [smem:$0x7F4];
	v0 =	vmul.f32 $2.500000000e-01, v0;
	_ =	sdelay $0x1  }
0x131: {  	[tilespmem:s0+$0x10000] =	vst v0;
	s0 =	sor.u32 s23, s30;
	s30 =	sld [smem:$0x7F5]  }
0x132: {  	v0 =	vld [tilespmem:s0+$0x0];
	s0 =	sor.u32 s23, s19  }
0x133: {  	s19 =	sld [smem:$0x7F6];
	v40 =	vld [tilespmem:s0+$0x0]  }
0x134: {  	s0 =	sor.u32 s23, s30  }
0x135: {  	v41 =	vld [tilespmem:s0+$0x0]  }
0x136: {  	s0 =	sor.u32 s23, s19  }
0x137: {  	v42 =	vld [tilespmem:s0+$0x0]  }
0x138: {  	v0 =	vadd.f32 v40, v0;
	_ =	sdelay $0x1  }
0x139: {  	v0 =	vadd.f32 v41, v0;
	_ =	sdelay $0x1  }
0x13a: {  	v0 =	vadd.f32 v42, v0  }
0x13b: {  	s30 =	sld [smem:$0x7F7]  }
0x13c: {  	s19 =	sld [smem:$0x7F8];
	v0 =	vmul.f32 $2.500000000e-01, v0;
	_ =	sdelay $0x1  }
0x13d: {  	s0 =	sor.u32 s23, s30;
	s30 =	sld [smem:$0x7F9];
	[tilespmem:s11+$0x11000] =	vst v0  }
0x13e: {  	v0 =	vld [tilespmem:s0+$0x0];
	s0 =	sor.u32 s23, s19  }
0x13f: {  	s19 =	sld [smem:$0x7FA];
	v43 =	vld [tilespmem:s0+$0x0]  }
0x140: {  	s0 =	sor.u32 s23, s30  }
0x141: {  	v44 =	vld [tilespmem:s0+$0x0]  }
0x142: {  	s0 =	sor.u32 s23, s19  }
0x143: {  	v45 =	vld [tilespmem:s0+$0x0]  }
0x144: {  	v0 =	vadd.f32 v43, v0;
	_ =	sdelay $0x1  }
0x145: {  	v0 =	vadd.f32 v44, v0;
	_ =	sdelay $0x1  }
0x146: {  	v0 =	vadd.f32 v45, v0  }
0x147: {  	s30 =	sld [smem:$0x7FB]  }
0x148: {  	s19 =	sld [smem:$0x7FC];
	v0 =	vmul.f32 $2.500000000e-01, v0;
	_ =	sdelay $0x1  }
0x149: {  	s0 =	sor.u32 s23, s30;
	s30 =	sld [smem:$0x7FD];
	[tilespmem:s11+$0x11080] =	vst v0  }
0x14a: {  	v0 =	vld [tilespmem:s0+$0x0];
	s0 =	sor.u32 s23, s19  }
0x14b: {  	v46 =	vld [tilespmem:s0+$0x0]  }
0x14c: {  	s0 =	sor.u32 s23, s30  }
0x14d: {  	v47 =	vld [tilespmem:s0+$0x0]  }
0x14e: {  	s19 =	sor.u32 s23, s29  }
0x14f: {  	v48 =	vld [tilespmem:s19+$0x0]  }
0x150: {  	v0 =	vadd.f32 v46, v0;
	_ =	sdelay $0x1  }
0x151: {  	v0 =	vadd.f32 v47, v0;
	_ =	sdelay $0x1  }
0x152: {  	v0 =	vadd.f32 v48, v0;
	_ =	sdelay $0x1  }
0x153: {  	v0 =	vmul.f32 $2.500000000e-01, v0;
	_ =	sdelay $0x1  }
0x154: {  	s29 =	sor.u32 s23, s28;
	[tilespmem:s11+$0x11100] =	vst v0  }
0x155: {  	s30 =	sor.u32 s23, s26;
	v0 =	vld [tilespmem:s29+$0x0]  }
0x156: {  	v49 =	vld [tilespmem:s30+$0x0]  }
0x157: {  	s19 =	sor.u32 s23, s25  }
0x158: {  	v50 =	vld [tilespmem:s19+$0x0]  }
0x159: {  	s25 =	sor.u32 s23, s17  }
0x15a: {  	v51 =	vld [tilespmem:s25+$0x0]  }
0x15b: {  	v0 =	vadd.f32 v49, v0;
	_ =	sdelay $0x1  }
0x15c: {  	v0 =	vadd.f32 v50, v0;
	_ =	sdelay $0x1  }
0x15d: {  	v0 =	vadd.f32 v51, v0;
	_ =	sdelay $0x1  }
0x15e: {  	v0 =	vmul.f32 $2.500000000e-01, v0;
	_ =	sdelay $0x1  }
0x15f: {  	s26 =	sor.u32 s23, s18;
	[tilespmem:s11+$0x11180] =	vst v0  }
0x160: {  	s28 =	sor.u32 s23, s16;
	v0 =	vld [tilespmem:s26+$0x0]  }
0x161: {  	v52 =	vld [tilespmem:s28+$0x0]  }
0x162: {  	s29 =	sor.u32 s23, s15  }
0x163: {  	v53 =	vld [tilespmem:s29+$0x0]  }
0x164: {  	s30 =	sor.u32 s23, s13  }
0x165: {  	v54 =	vld [tilespmem:s30+$0x0]  }
0x166: {  	v0 =	vadd.f32 v52, v0;
	_ =	sdelay $0x1  }
0x167: {  	v0 =	vadd.f32 v53, v0;
	_ =	sdelay $0x1  }
0x168: {  	v0 =	vadd.f32 v54, v0;
	_ =	sdelay $0x1  }
0x169: {  	v0 =	vmul.f32 $2.500000000e-01, v0;
	_ =	sdelay $0x1  }
0x16a: {  	s13 =	sor.u32 s23, s14;
	[tilespmem:s11+$0x11200] =	vst v0  }
0x16b: {  	s14 =	sor.u32 s23, s12;
	v0 =	vld [tilespmem:s13+$0x0]  }
0x16c: {  	v55 =	vld [tilespmem:s14+$0x0]  }
0x16d: {  	s15 =	sor.u32 s23, s10  }
0x16e: {  	v56 =	vld [tilespmem:s15+$0x0]  }
0x16f: {  	s16 =	sor.u32 s23, s9  }
0x170: {  	v57 =	vld [tilespmem:s16+$0x0]  }
0x171: {  	v0 =	vadd.f32 v55, v0;
	_ =	sdelay $0x1  }
0x172: {  	v0 =	vadd.f32 v56, v0;
	_ =	sdelay $0x1  }
0x173: {  	v0 =	vadd.f32 v57, v0;
	_ =	sdelay $0x1  }
0x174: {  	v0 =	vmul.f32 $2.500000000e-01, v0;
	_ =	sdelay $0x1  }
0x175: {  	s17 =	sor.u32 s23, s8;
	[tilespmem:s11+$0x11280] =	vst v0  }
0x176: {  	s18 =	sor.u32 s23, s7;
	v0 =	vld [tilespmem:s17+$0x0]  }
0x177: {  	v58 =	vld [tilespmem:s18+$0x0]  }
0x178: {  	s19 =	sor.u32 s23, s6  }
0x179: {  	v59 =	vld [tilespmem:s19+$0x0]  }
0x17a: {  	s25 =	sor.u32 s23, s4  }
0x17b: {  	v60 =	vld [tilespmem:s25+$0x0]  }
0x17c: {  	v0 =	vadd.f32 v58, v0;
	_ =	sdelay $0x1  }
0x17d: {  	v0 =	vadd.f32 v59, v0;
	_ =	sdelay $0x1  }
0x17e: {  	v0 =	vadd.f32 v60, v0;
	_ =	sdelay $0x1  }
0x17f: {  	v0 =	vmul.f32 $2.500000000e-01, v0;
	_ =	sdelay $0x1  }
0x180: {  	s26 =	sor.u32 s23, s5;
	[tilespmem:s24+$0x10000] =	vst v0  }
0x181: {  	s28 =	sor.u32 s23, s3;
	v0 =	vld [tilespmem:s26+$0x0]  }
0x182: {  	v61 =	vld [tilespmem:s28+$0x0]  }
0x183: {  	s29 =	sor.u32 s23, s2  }
0x184: {  	v62 =	vld [tilespmem:s29+$0x0]  }
0x185: {  	s30 =	sor.u32 s23, s1  }
0x186: {  	v63 =	vld [tilespmem:s30+$0x0]  }
0x187: {  	v0 =	vadd.f32 v61, v0;
	_ =	sdelay $0x1  }
0x188: {  	v0 =	vadd.f32 v62, v0  }
0x189: {  	p1 =	sne.s32 s21, $0x1E0  }
.Ltmp2:
0x18a: {  	v0 =	vadd.f32 v63, v0;
	(pc) =	sbr.rel @p1 .LBB2_3-.Ltmp2, $3  }
0x18b: {  	_ = 	snop  }
0x18c: {  	v0 =	vmul.f32 $2.500000000e-01, v0;
	_ =	sdelay $0x1  }
0x18d: {  	s31 =	sadd.s32 $0x1, s31;
	s21 =	sadd.s32 $0x20, s21;
	s20 =	sadd.s32 $0x100, s20;
	[tilespmem:s22+$0x10000] =	vst v0  }
0x18e: {  	s0 =	rddreg [dreg:$0x6]  }
0x18f: {  	s1 =	rddreg [dreg:$0xc]  }
0x190: {  	s30 =	simm.s32 $0x0;
	s2 =	simm.s32 $0x10000;
	s0 =	sadd.s32 s1, s0  }
0x191: {  	[hbm4b:s0+s30] =	stream.linear.scatter [tilespmem:s2], [sflag:$0x3], $0x2000, $0x38;
	[tilespmem:$0x14000] =	vst v63  }
0x192: {  	s0 =	simm.s32 @!p0 $0x2  }
0x193: {  	_ =	swait.ge @!p0 [sflag:s0], $0x8000  }
0x194: {  	[sflag:s0] =	ssyncset.done @!p0 $0x0  }
0x195: {  	[sflag:s0] =	ssyncadd.s32 @!p0 $0xFFFF8000;
	s0 =	simm.s32 @!p0 $0x4  }
0x196: {  	_ =	swait.ge @!p0 [sflag:s0], $0x2000  }
0x197: {  	[sflag:s0] =	ssyncset.done @!p0 $0x0  }
0x198: {  	s1 =	rddreg [dreg:$0x7];
	[sflag:s0] =	ssyncadd.s32 @!p0 $0xFFFFE000;
	s0 =	simm.s32 @p0 $0x0  }
0x199: {  	[tilespmem:s0], [sflag:$0x1] =	stream.linear.gather @p0 [hbm4b:s1+s0], $0x8000, $0x38;
	[tilespmem:$0x14000] =	vst v63  }
0x19a: {  	s0 =	simm.s32 @p0 $0x2  }
0x19b: {  	_ =	swait.ge @p0 [sflag:s0], $0x8000  }
0x19c: {  	s31 =	simm.s32 $0x0;
	[sflag:s0] =	ssyncset.done @p0 $0x0  }
0x19d: {  	s20 =	simm.s32 $0x0;
	s21 =	simm.s32 $0x0;
	[sflag:s0] =	ssyncadd.s32 @p0 $0xFFFF8000  }
.LBB2_5:
0x19e: {  	s23 =	sand.u32 $0x60, s21;
	s22 =	sand.u32 $0xC00, s20  }
0x19f: {  	s0 =	sor.u32 s23, s22  }
0x1a0: {  	v0 =	vld [tilespmem:s0+$0x8000]  }
0x1a1: {  	v1 =	vld [tilespmem:s0+$0x8080]  }
0x1a2: {  	s1 =	sand.u32 $0xFFFFFC00, s20  }
0x1a3: {  	s1 =	sadd.s32 s1, s21;
	v2 =	vld [tilespmem:s0+$0x8100]  }
0x1a4: {  	s5 =	sor.u32 $0x180, s1  }
0x1a5: {  	v3 =	vld [tilespmem:s5+$0x8000]  }
0x1a6: {  	v0 =	vadd.f32 v1, v0;
	_ =	sdelay $0x1  }
0x1a7: {  	v0 =	vadd.f32 v2, v0;
	_ =	sdelay $0x1  }
0x1a8: {  	v0 =	vadd.f32 v3, v0  }
0x1a9: {  	s2 =	sand.u32 $0x3, s31  }
0x1aa: {  	s2 =	sshll.u32 s2, $0x5;
	v30 =	vld [tilespmem:s0+$0x8200];
	v0 =	vmul.f32 $2.500000000e-01, v0  }
0x1ab: {  	s24 =	sadd.s32 s2, s20;
	v31 =	vld [tilespmem:s0+$0x8280]  }
0x1ac: {  	s4 =	sor.u32 $0x300, s24;
	[tilespmem:s0+$0x12000] =	vst v0  }
0x1ad: {  	s6 =	sor.u32 s21, s20;
	v0 =	vld [tilespmem:s4+$0x8000]  }
0x1ae: {  	s3 =	sor.u32 $0x380, s6  }
0x1af: {  	v32 =	vld [tilespmem:s3+$0x8000]  }
0x1b0: {  	v1 =	vadd.f32 v31, v30;
	_ =	sdelay $0x1  }
0x1b1: {  	v0 =	vadd.f32 v0, v1;
	_ =	sdelay $0x1  }
0x1b2: {  	v33 =	vld [tilespmem:s0+$0x9000];
	v0 =	vadd.f32 v32, v0  }
0x1b3: {  	v34 =	vld [tilespmem:s0+$0x9080]  }
0x1b4: {  	v0 =	vmul.f32 $2.500000000e-01, v0  }
0x1b5: {  	v35 =	vld [tilespmem:s0+$0x9100]  }
0x1b6: {  	s2 =	sor.u32 $0x1180, s1;
	[tilespmem:s0+$0x12080] =	vst v0  }
0x1b7: {  	v0 =	vld [tilespmem:s2+$0x8000]  }
0x1b8: {  	v1 =	vadd.f32 v34, v33;
	_ =	sdelay $0x1  }
0x1b9: {  	v1 =	vadd.f32 v35, v1;
	_ =	sdelay $0x1  }
0x1ba: {  	v0 =	vadd.f32 v0, v1;
	_ =	sdelay $0x1  }
0x1bb: {  	v36 =	vld [tilespmem:s0+$0x9200];
	v0 =	vmul.f32 $2.500000000e-01, v0  }
0x1bc: {  	v37 =	vld [tilespmem:s0+$0x9280]  }
0x1bd: {  	s1 =	sor.u32 $0x1300, s24;
	[tilespmem:s0+$0x12100] =	vst v0  }
0x1be: {  	v0 =	vld [tilespmem:s1+$0x8000]  }
0x1bf: {  	s11 =	sor.u32 $0x1380, s6  }
0x1c0: {  	v38 =	vld [tilespmem:s11+$0x8000]  }
0x1c1: {  	v1 =	vadd.f32 v37, v36;
	_ =	sdelay $0x1  }
0x1c2: {  	v0 =	vadd.f32 v0, v1;
	_ =	sdelay $0x1  }
0x1c3: {  	v0 =	vadd.f32 v38, v0;
	_ =	sdelay $0x1  }
0x1c4: {  	v0 =	vmul.f32 $2.500000000e-01, v0  }
0x1c5: {  	s30 =	sor.u32 $0xA000, s22  }
0x1c6: {  	s16 =	sor.u32 $0xA080, s22;
	s15 =	sor.u32 s23, s30;
	[tilespmem:s5+$0x12000] =	vst v0  }
0x1c7: {  	s17 =	sor.u32 s23, s16;
	v0 =	vld [tilespmem:s15+$0x0]  }
0x1c8: {  	s18 =	sor.u32 $0xA100, s22;
	v39 =	vld [tilespmem:s17+$0x0]  }
0x1c9: {  	s5 =	sor.u32 s23, s18  }
0x1ca: {  	s19 =	sor.u32 $0xA180, s22;
	v40 =	vld [tilespmem:s5+$0x0]  }
0x1cb: {  	s5 =	sor.u32 s23, s19  }
0x1cc: {  	v41 =	vld [tilespmem:s5+$0x0]  }
0x1cd: {  	v0 =	vadd.f32 v39, v0;
	_ =	sdelay $0x1  }
0x1ce: {  	v0 =	vadd.f32 v40, v0;
	_ =	sdelay $0x1  }
0x1cf: {  	v0 =	vadd.f32 v41, v0;
	_ =	sdelay $0x1  }
0x1d0: {  	v0 =	vmul.f32 $2.500000000e-01, v0  }
0x1d1: {  	s25 =	sor.u32 $0xA200, s22  }
0x1d2: {  	s26 =	sor.u32 $0xA280, s22;
	s5 =	sor.u32 s23, s25;
	[tilespmem:s0+$0x12200] =	vst v0  }
0x1d3: {  	s28 =	sor.u32 s23, s26;
	v0 =	vld [tilespmem:s5+$0x0]  }
0x1d4: {  	s29 =	sor.u32 $0xA300, s22;
	v42 =	vld [tilespmem:s28+$0x0]  }
0x1d5: {  	s5 =	sor.u32 s23, s29  }
0x1d6: {  	s6 =	sor.u32 $0xA380, s22;
	v43 =	vld [tilespmem:s5+$0x0]  }
0x1d7: {  	s5 =	sor.u32 s23, s6  }
0x1d8: {  	v44 =	vld [tilespmem:s5+$0x0]  }
0x1d9: {  	v0 =	vadd.f32 v42, v0;
	_ =	sdelay $0x1  }
0x1da: {  	v0 =	vadd.f32 v43, v0;
	_ =	sdelay $0x1  }
0x1db: {  	v0 =	vadd.f32 v44, v0;
	_ =	sdelay $0x1  }
0x1dc: {  	v0 =	vmul.f32 $2.500000000e-01, v0  }
0x1dd: {  	s7 =	sor.u32 $0xB000, s22  }
0x1de: {  	s8 =	sor.u32 $0xB080, s22;
	s5 =	sor.u32 s23, s7;
	[tilespmem:s0+$0x12280] =	vst v0  }
0x1df: {  	s9 =	sor.u32 s23, s8;
	v0 =	vld [tilespmem:s5+$0x0]  }
0x1e0: {  	s10 =	sor.u32 $0xB100, s22;
	v45 =	vld [tilespmem:s9+$0x0]  }
0x1e1: {  	s5 =	sor.u32 s23, s10  }
0x1e2: {  	s12 =	sor.u32 $0xB180, s22;
	v46 =	vld [tilespmem:s5+$0x0]  }
0x1e3: {  	s5 =	sor.u32 s23, s12  }
0x1e4: {  	v47 =	vld [tilespmem:s5+$0x0]  }
0x1e5: {  	v0 =	vadd.f32 v45, v0;
	_ =	sdelay $0x1  }
0x1e6: {  	v0 =	vadd.f32 v46, v0;
	_ =	sdelay $0x1  }
0x1e7: {  	v0 =	vadd.f32 v47, v0;
	_ =	sdelay $0x1  }
0x1e8: {  	v0 =	vmul.f32 $2.500000000e-01, v0  }
0x1e9: {  	s13 =	sor.u32 $0xB200, s22  }
0x1ea: {  	s14 =	sor.u32 s23, s13;
	s15 =	sor.u32 $0xB280, s22;
	[tilespmem:s4+$0x12000] =	vst v0  }
0x1eb: {  	[dreg:$0xe] =	wrdreg s16;
	s16 =	sor.u32 s23, s15;
	v0 =	vld [tilespmem:s14+$0x0]  }
0x1ec: {  	s17 =	sor.u32 $0xB300, s22;
	v48 =	vld [tilespmem:s16+$0x0]  }
0x1ed: {  	s4 =	sor.u32 s23, s17  }
0x1ee: {  	[dreg:$0x10] =	wrdreg s18;
	s18 =	sor.u32 $0xB380, s22;
	v49 =	vld [tilespmem:s4+$0x0]  }
0x1ef: {  	s4 =	sor.u32 s23, s18  }
0x1f0: {  	v50 =	vld [tilespmem:s4+$0x0]  }
0x1f1: {  	v0 =	vadd.f32 v48, v0;
	_ =	sdelay $0x1  }
0x1f2: {  	v0 =	vadd.f32 v49, v0;
	_ =	sdelay $0x1  }
0x1f3: {  	v0 =	vadd.f32 v50, v0;
	_ =	sdelay $0x1  }
0x1f4: {  	[dreg:$0x12] =	wrdreg s19;
	v0 =	vmul.f32 $2.500000000e-01, v0  }
0x1f5: {  	[dreg:$0x14] =	wrdreg s25;
	s19 =	sor.u32 $0xC000, s22  }
0x1f6: {  	[dreg:$0x16] =	wrdreg s26;
	s26 =	sor.u32 $0xC080, s22;
	s25 =	sor.u32 s23, s19;
	[tilespmem:s3+$0x12000] =	vst v0  }
0x1f7: {  	s28 =	sor.u32 s23, s26;
	v0 =	vld [tilespmem:s25+$0x0]  }
0x1f8: {  	[dreg:$0x18] =	wrdreg s29;
	s29 =	sor.u32 $0xC100, s22;
	v51 =	vld [tilespmem:s28+$0x0]  }
0x1f9: {  	s3 =	sor.u32 s23, s29  }
0x1fa: {  	s4 =	sor.u32 $0xC180, s22;
	v52 =	vld [tilespmem:s3+$0x0]  }
0x1fb: {  	s3 =	sor.u32 s23, s4  }
0x1fc: {  	v53 =	vld [tilespmem:s3+$0x0]  }
0x1fd: {  	v0 =	vadd.f32 v51, v0;
	_ =	sdelay $0x1  }
0x1fe: {  	v0 =	vadd.f32 v52, v0;
	_ =	sdelay $0x1  }
0x1ff: {  	v0 =	vadd.f32 v53, v0;
	_ =	sdelay $0x1  }
0x200: {  	v0 =	vmul.f32 $2.500000000e-01, v0  }
0x201: {  	s5 =	sor.u32 $0xC200, s22  }
0x202: {  	[dreg:$0x1a] =	wrdreg s6;
	s6 =	sor.u32 $0xC280, s22;
	s3 =	sor.u32 s23, s5;
	[tilespmem:s0+$0x13000] =	vst v0  }
0x203: {  	[dreg:$0x1c] =	wrdreg s7;
	s7 =	sor.u32 s23, s6;
	v0 =	vld [tilespmem:s3+$0x0]  }
0x204: {  	[dreg:$0x1e] =	wrdreg s8;
	s8 =	sor.u32 $0xC300, s22;
	v54 =	vld [tilespmem:s7+$0x0]  }
0x205: {  	s3 =	sor.u32 s23, s8  }
0x206: {  	s9 =	sor.u32 $0xC380, s22;
	v55 =	vld [tilespmem:s3+$0x0]  }
0x207: {  	s3 =	sor.u32 s23, s9  }
0x208: {  	v56 =	vld [tilespmem:s3+$0x0]  }
0x209: {  	v0 =	vadd.f32 v54, v0;
	_ =	sdelay $0x1  }
0x20a: {  	v0 =	vadd.f32 v55, v0;
	_ =	sdelay $0x1  }
0x20b: {  	v0 =	vadd.f32 v56, v0;
	_ =	sdelay $0x1  }
0x20c: {  	v0 =	vmul.f32 $2.500000000e-01, v0  }
0x20d: {  	[smem:$0x7DD] =	sst s10;
	s10 =	sor.u32 $0xD000, s22  }
0x20e: {  	[smem:$0x7DE] =	sst s12;
	s12 =	sor.u32 $0xD080, s22;
	s3 =	sor.u32 s23, s10;
	[tilespmem:s0+$0x13080] =	vst v0  }
0x20f: {  	[smem:$0x7DF] =	sst s13;
	s13 =	sor.u32 s23, s12;
	v0 =	vld [tilespmem:s3+$0x0]  }
0x210: {  	s14 =	sor.u32 $0xD100, s22;
	v57 =	vld [tilespmem:s13+$0x0]  }
0x211: {  	s3 =	sor.u32 s23, s14  }
0x212: {  	[smem:$0x7E5] =	sst s29;
	s29 =	sor.u32 $0xD180, s22;
	v58 =	vld [tilespmem:s3+$0x0]  }
0x213: {  	[smem:$0x7E0] =	sst s15;
	s15 =	sor.u32 s23, s29  }
0x214: {  	v59 =	vld [tilespmem:s15+$0x0]  }
0x215: {  	v0 =	vadd.f32 v57, v0;
	_ =	sdelay $0x1  }
0x216: {  	v0 =	vadd.f32 v58, v0;
	_ =	sdelay $0x1  }
0x217: {  	v0 =	vadd.f32 v59, v0;
	_ =	sdelay $0x1  }
0x218: {  	v0 =	vmul.f32 $2.500000000e-01, v0  }
0x219: {  	s28 =	sor.u32 $0xD200, s22  }
0x21a: {  	[smem:$0x7E4] =	sst s26;
	s26 =	sor.u32 $0xD280, s22;
	s16 =	sor.u32 s23, s28;
	[tilespmem:s0+$0x13100] =	vst v0  }
0x21b: {  	[smem:$0x7E1] =	sst s17;
	s17 =	sor.u32 s23, s26;
	v0 =	vld [tilespmem:s16+$0x0]  }
0x21c: {  	s25 =	sor.u32 $0xD300, s22;
	v60 =	vld [tilespmem:s17+$0x0]  }
0x21d: {  	[smem:$0x7E2] =	sst s18;
	s18 =	sor.u32 s23, s25  }
0x21e: {  	v61 =	vld [tilespmem:s18+$0x0];
	s17 =	sor.u32 $0xD380, s22  }
0x21f: {  	[smem:$0x7E3] =	sst s19;
	s19 =	sor.u32 s23, s17  }
0x220: {  	v62 =	vld [tilespmem:s19+$0x0]  }
0x221: {  	v0 =	vadd.f32 v60, v0;
	_ =	sdelay $0x1  }
0x222: {  	v0 =	vadd.f32 v61, v0;
	_ =	sdelay $0x1  }
0x223: {  	v0 =	vadd.f32 v62, v0;
	_ =	sdelay $0x1  }
0x224: {  	v0 =	vmul.f32 $2.500000000e-01, v0  }
0x225: {  	s18 =	sor.u32 $0xE000, s22  }
0x226: {  	s16 =	sor.u32 $0xE080, s22;
	s3 =	sor.u32 s23, s18;
	[tilespmem:s2+$0x12000] =	vst v0  }
0x227: {  	[smem:$0x7E6] =	sst s4;
	s4 =	sor.u32 s23, s16;
	v0 =	vld [tilespmem:s3+$0x0]  }
0x228: {  	s15 =	sor.u32 $0xE100, s22;
	v63 =	vld [tilespmem:s4+$0x0]  }
0x229: {  	[smem:$0x7E7] =	sst s5;
	s5 =	sor.u32 s23, s15  }
0x22a: {  	s13 =	sor.u32 $0xE180, s22;
	v6 =	vld [tilespmem:s5+$0x0]  }
0x22b: {  	[smem:$0x7E8] =	sst s6;
	s6 =	sor.u32 s23, s13  }
0x22c: {  	v7 =	vld [tilespmem:s6+$0x0]  }
0x22d: {  	v0 =	vadd.f32 v63, v0;
	_ =	sdelay $0x1  }
0x22e: {  	v0 =	vadd.f32 v6, v0;
	_ =	sdelay $0x1  }
0x22f: {  	v0 =	vadd.f32 v7, v0;
	_ =	sdelay $0x1  }
0x230: {  	v0 =	vmul.f32 $2.500000000e-01, v0  }
0x231: {  	[smem:$0x7ED] =	sst s14;
	s14 =	sor.u32 $0xE200, s22  }
0x232: {  	[smem:$0x7EC] =	sst s12;
	s12 =	sor.u32 $0xE280, s22;
	s7 =	sor.u32 s23, s14;
	[tilespmem:s0+$0x13200] =	vst v0  }
0x233: {  	[smem:$0x7E9] =	sst s8;
	s8 =	sor.u32 s23, s12;
	v0 =	vld [tilespmem:s7+$0x0]  }
0x234: {  	[smem:$0x7EB] =	sst s10;
	s10 =	sor.u32 $0xE300, s22;
	v8 =	vld [tilespmem:s8+$0x0]  }
0x235: {  	[smem:$0x7EA] =	sst s9;
	s9 =	sor.u32 s23, s10  }
0x236: {  	v9 =	vld [tilespmem:s9+$0x0];
	s9 =	sor.u32 $0xE380, s22  }
0x237: {  	s19 =	sor.u32 s23, s9  }
0x238: {  	v10 =	vld [tilespmem:s19+$0x0]  }
0x239: {  	v0 =	vadd.f32 v8, v0;
	_ =	sdelay $0x1  }
0x23a: {  	v0 =	vadd.f32 v9, v0;
	_ =	sdelay $0x1  }
0x23b: {  	v0 =	vadd.f32 v10, v0;
	_ =	sdelay $0x1  }
0x23c: {  	v0 =	vmul.f32 $2.500000000e-01, v0  }
0x23d: {  	s8 =	sor.u32 $0xF000, s22  }
0x23e: {  	s7 =	sor.u32 $0xF080, s22;
	s3 =	sor.u32 s23, s8;
	[tilespmem:s0+$0x13280] =	vst v0  }
0x23f: {  	s4 =	sor.u32 s23, s7;
	v0 =	vld [tilespmem:s3+$0x0]  }
0x240: {  	s6 =	sor.u32 $0xF100, s22;
	v11 =	vld [tilespmem:s4+$0x0]  }
0x241: {  	s5 =	sor.u32 s23, s6  }
0x242: {  	v12 =	vld [tilespmem:s5+$0x0];
	s4 =	sor.u32 $0xF180, s22  }
0x243: {  	s19 =	sor.u32 s23, s4  }
0x244: {  	v13 =	vld [tilespmem:s19+$0x0]  }
0x245: {  	v0 =	vadd.f32 v11, v0;
	_ =	sdelay $0x1  }
0x246: {  	v0 =	vadd.f32 v12, v0;
	_ =	sdelay $0x1  }
0x247: {  	v0 =	vadd.f32 v13, v0;
	_ =	sdelay $0x1  }
0x248: {  	v0 =	vmul.f32 $2.500000000e-01, v0  }
0x249: {  	s5 =	sor.u32 $0xF200, s22  }
0x24a: {  	s3 =	sor.u32 $0xF280, s22;
	s2 =	sor.u32 s23, s5;
	[tilespmem:s1+$0x12000] =	vst v0  }
0x24b: {  	s19 =	sor.u32 s23, s3;
	v0 =	vld [tilespmem:s2+$0x0]  }
0x24c: {  	v14 =	vld [tilespmem:s19+$0x0];
	s2 =	sor.u32 $0xF300, s22  }
0x24d: {  	s1 =	sor.u32 s23, s2  }
0x24e: {  	v15 =	vld [tilespmem:s1+$0x0];
	s1 =	sor.u32 $0xF380, s22  }
0x24f: {  	s19 =	sor.u32 s23, s1  }
0x250: {  	v16 =	vld [tilespmem:s19+$0x0]  }
0x251: {  	v0 =	vadd.f32 v14, v0;
	_ =	sdelay $0x1  }
0x252: {  	v0 =	vadd.f32 v15, v0;
	_ =	sdelay $0x1  }
0x253: {  	v0 =	vadd.f32 v16, v0;
	_ =	sdelay $0x1  }
0x254: {  	v0 =	vmul.f32 $2.500000000e-01, v0  }
0x255: {  	s23 =	sor.u32 $0x10, s23  }
0x256: {  	[tilespmem:s11+$0x12000] =	vst v0;
	s11 =	sor.u32 s22, s23  }
0x257: {  	v0 =	vld [tilespmem:s11+$0x8000]  }
0x258: {  	v17 =	vld [tilespmem:s11+$0x8080];
	_ =	sdelay $0x1  }
0x259: {  	v18 =	vld [tilespmem:s11+$0x8100];
	_ =	sdelay $0x1  }
0x25a: {  	v19 =	vld [tilespmem:s11+$0x8180]  }
0x25b: {  	v0 =	vadd.f32 v17, v0;
	_ =	sdelay $0x1  }
0x25c: {  	v0 =	vadd.f32 v18, v0;
	_ =	sdelay $0x1  }
0x25d: {  	v20 =	vld [tilespmem:s11+$0x8200];
	v0 =	vadd.f32 v19, v0  }
0x25e: {  	v22 =	vld [tilespmem:s11+$0x9000]  }
0x25f: {  	v23 =	vld [tilespmem:s11+$0x9080];
	v0 =	vmul.f32 $2.500000000e-01, v0  }
0x260: {  	s22 =	sadd.s32 $0x10, s24;
	v21 =	vld [tilespmem:s11+$0x8280]  }
0x261: {  	s19 =	sor.u32 $0x300, s22;
	v5 =	vld [tilespmem:s11+$0x9100];
	[tilespmem:s11+$0x12000] =	vst v0  }
0x262: {  	v4 =	vld [tilespmem:s19+$0x8000]  }
0x263: {  	s0 =	sor.u32 $0x380, s22;
	v24 =	vld [tilespmem:s11+$0x9180]  }
0x264: {  	v0 =	vadd.f32 v23, v22;
	v6 =	vld [tilespmem:s0+$0x8000]  }
0x265: {  	v1 =	vadd.f32 v21, v20  }
0x266: {  	v0 =	vadd.f32 v5, v0  }
0x267: {  	v1 =	vadd.f32 v4, v1  }
0x268: {  	v0 =	vadd.f32 v24, v0  }
0x269: {  	v1 =	vadd.f32 v6, v1  }
0x26a: {  	v0 =	vmul.f32 $2.500000000e-01, v0  }
0x26b: {  	v25 =	vld [tilespmem:s11+$0x9200];
	v1 =	vmul.f32 $2.500000000e-01, v1  }
0x26c: {  	v26 =	vld [tilespmem:s11+$0x9280];
	[tilespmem:s11+$0x12100] =	vst v0  }
0x26d: {  	s24 =	sor.u32 $0x1300, s22;
	[tilespmem:s11+$0x12080] =	vst v1  }
0x26e: {  	v0 =	vld [tilespmem:s24+$0x8000]  }
0x26f: {  	s22 =	sor.u32 $0x1380, s22  }
0x270: {  	v27 =	vld [tilespmem:s22+$0x8000]  }
0x271: {  	v1 =	vadd.f32 v26, v25;
	_ =	sdelay $0x1  }
0x272: {  	v0 =	vadd.f32 v0, v1;
	_ =	sdelay $0x1  }
0x273: {  	v0 =	vadd.f32 v27, v0;
	_ =	sdelay $0x1  }
0x274: {  	v0 =	vmul.f32 $2.500000000e-01, v0;
	_ =	sdelay $0x1  }
0x275: {  	s30 =	sor.u32 s23, s30;
	[tilespmem:s11+$0x12180] =	vst v0  }
0x276: {  	v0 =	vld [tilespmem:s30+$0x0];
	s30 =	rddreg [dreg:$0xe]  }
0x277: {  	s30 =	sor.u32 s23, s30  }
0x278: {  	v28 =	vld [tilespmem:s30+$0x0];
	s30 =	rddreg [dreg:$0x10]  }
0x279: {  	s30 =	sor.u32 s23, s30  }
0x27a: {  	v29 =	vld [tilespmem:s30+$0x0];
	s30 =	rddreg [dreg:$0x12]  }
0x27b: {  	s30 =	sor.u32 s23, s30  }
0x27c: {  	v30 =	vld [tilespmem:s30+$0x0]  }
0x27d: {  	v0 =	vadd.f32 v28, v0;
	_ =	sdelay $0x1  }
0x27e: {  	v0 =	vadd.f32 v29, v0;
	_ =	sdelay $0x1  }
0x27f: {  	v0 =	vadd.f32 v30, v0;
	_ =	sdelay $0x1  }
0x280: {  	v0 =	vmul.f32 $2.500000000e-01, v0  }
0x281: {  	s30 =	rddreg [dreg:$0x14]  }
0x282: {  	s30 =	sor.u32 s23, s30;
	[tilespmem:s11+$0x12200] =	vst v0  }
0x283: {  	v0 =	vld [tilespmem:s30+$0x0];
	s30 =	rddreg [dreg:$0x16]  }
0x284: {  	s30 =	sor.u32 s23, s30  }
0x285: {  	v31 =	vld [tilespmem:s30+$0x0];
	s30 =	rddreg [dreg:$0x18]  }
0x286: {  	s30 =	sor.u32 s23, s30  }
0x287: {  	v32 =	vld [tilespmem:s30+$0x0];
	s30 =	rddreg [dreg:$0x1a]  }
0x288: {  	s30 =	sor.u32 s23, s30  }
0x289: {  	v33 =	vld [tilespmem:s30+$0x0]  }
0x28a: {  	v0 =	vadd.f32 v31, v0;
	_ =	sdelay $0x1  }
0x28b: {  	v0 =	vadd.f32 v32, v0;
	_ =	sdelay $0x1  }
0x28c: {  	v0 =	vadd.f32 v33, v0;
	_ =	sdelay $0x1  }
0x28d: {  	v0 =	vmul.f32 $2.500000000e-01, v0  }
0x28e: {  	s30 =	rddreg [dreg:$0x1c]  }
0x28f: {  	s30 =	sor.u32 s23, s30;
	[tilespmem:s11+$0x12280] =	vst v0  }
0x290: {  	v0 =	vld [tilespmem:s30+$0x0];
	s30 =	rddreg [dreg:$0x1e]  }
0x291: {  	s30 =	sor.u32 s23, s30  }
0x292: {  	v34 =	vld [tilespmem:s30+$0x0];
	s30 =	sld [smem:$0x7DD];
	_ =	sdelay $0x2  }
0x293: {  	s30 =	sor.u32 s23, s30  }
0x294: {  	v35 =	vld [tilespmem:s30+$0x0];
	s30 =	sld [smem:$0x7DE];
	_ =	sdelay $0x2  }
0x295: {  	s30 =	sor.u32 s23, s30  }
0x296: {  	v36 =	vld [tilespmem:s30+$0x0]  }
0x297: {  	v0 =	vadd.f32 v34, v0;
	_ =	sdelay $0x1  }
0x298: {  	v0 =	vadd.f32 v35, v0;
	_ =	sdelay $0x1  }
0x299: {  	v0 =	vadd.f32 v36, v0  }
0x29a: {  	s30 =	sld [smem:$0x7DF]  }
0x29b: {  	v0 =	vmul.f32 $2.500000000e-01, v0;
	_ =	sdelay $0x1  }
0x29c: {  	[tilespmem:s19+$0x12000] =	vst v0;
	s19 =	sor.u32 s23, s30;
	s30 =	sld [smem:$0x7E0];
	_ =	sdelay $0x2  }
0x29d: {  	v0 =	vld [tilespmem:s19+$0x0];
	s19 =	sor.u32 s23, s30;
	s30 =	sld [smem:$0x7E1];
	_ =	sdelay $0x2  }
0x29e: {  	v37 =	vld [tilespmem:s19+$0x0];
	s19 =	sor.u32 s23, s30;
	s30 =	sld [smem:$0x7E2];
	_ =	sdelay $0x1  }
0x29f: {  	v38 =	vld [tilespmem:s19+$0x0]  }
0x2a0: {  	s19 =	sor.u32 s23, s30  }
0x2a1: {  	v39 =	vld [tilespmem:s19+$0x0]  }
0x2a2: {  	v0 =	vadd.f32 v37, v0;
	_ =	sdelay $0x1  }
0x2a3: {  	v0 =	vadd.f32 v38, v0;
	_ =	sdelay $0x1  }
0x2a4: {  	v0 =	vadd.f32 v39, v0  }
0x2a5: {  	s30 =	sld [smem:$0x7E3]  }
0x2a6: {  	s19 =	sld [smem:$0x7E4];
	v0 =	vmul.f32 $2.500000000e-01, v0;
	_ =	sdelay $0x1  }
0x2a7: {  	[tilespmem:s0+$0x12000] =	vst v0;
	s0 =	sor.u32 s23, s30;
	s30 =	sld [smem:$0x7E5]  }
0x2a8: {  	v0 =	vld [tilespmem:s0+$0x0];
	s0 =	sor.u32 s23, s19  }
0x2a9: {  	s19 =	sld [smem:$0x7E6];
	v40 =	vld [tilespmem:s0+$0x0]  }
0x2aa: {  	s0 =	sor.u32 s23, s30  }
0x2ab: {  	v41 =	vld [tilespmem:s0+$0x0]  }
0x2ac: {  	s0 =	sor.u32 s23, s19  }
0x2ad: {  	v42 =	vld [tilespmem:s0+$0x0]  }
0x2ae: {  	v0 =	vadd.f32 v40, v0;
	_ =	sdelay $0x1  }
0x2af: {  	v0 =	vadd.f32 v41, v0;
	_ =	sdelay $0x1  }
0x2b0: {  	v0 =	vadd.f32 v42, v0  }
0x2b1: {  	s30 =	sld [smem:$0x7E7]  }
0x2b2: {  	s19 =	sld [smem:$0x7E8];
	v0 =	vmul.f32 $2.500000000e-01, v0;
	_ =	sdelay $0x1  }
0x2b3: {  	s0 =	sor.u32 s23, s30;
	s30 =	sld [smem:$0x7E9];
	[tilespmem:s11+$0x13000] =	vst v0  }
0x2b4: {  	v0 =	vld [tilespmem:s0+$0x0];
	s0 =	sor.u32 s23, s19  }
0x2b5: {  	s19 =	sld [smem:$0x7EA];
	v43 =	vld [tilespmem:s0+$0x0]  }
0x2b6: {  	s0 =	sor.u32 s23, s30  }
0x2b7: {  	v44 =	vld [tilespmem:s0+$0x0]  }
0x2b8: {  	s0 =	sor.u32 s23, s19  }
0x2b9: {  	v45 =	vld [tilespmem:s0+$0x0]  }
0x2ba: {  	v0 =	vadd.f32 v43, v0;
	_ =	sdelay $0x1  }
0x2bb: {  	v0 =	vadd.f32 v44, v0;
	_ =	sdelay $0x1  }
0x2bc: {  	v0 =	vadd.f32 v45, v0  }
0x2bd: {  	s30 =	sld [smem:$0x7EB]  }
0x2be: {  	s19 =	sld [smem:$0x7EC];
	v0 =	vmul.f32 $2.500000000e-01, v0;
	_ =	sdelay $0x1  }
0x2bf: {  	s0 =	sor.u32 s23, s30;
	s30 =	sld [smem:$0x7ED];
	[tilespmem:s11+$0x13080] =	vst v0  }
0x2c0: {  	v0 =	vld [tilespmem:s0+$0x0];
	s0 =	sor.u32 s23, s19  }
0x2c1: {  	v46 =	vld [tilespmem:s0+$0x0]  }
0x2c2: {  	s0 =	sor.u32 s23, s30  }
0x2c3: {  	v47 =	vld [tilespmem:s0+$0x0]  }
0x2c4: {  	s19 =	sor.u32 s23, s29  }
0x2c5: {  	v48 =	vld [tilespmem:s19+$0x0]  }
0x2c6: {  	v0 =	vadd.f32 v46, v0;
	_ =	sdelay $0x1  }
0x2c7: {  	v0 =	vadd.f32 v47, v0;
	_ =	sdelay $0x1  }
0x2c8: {  	v0 =	vadd.f32 v48, v0;
	_ =	sdelay $0x1  }
0x2c9: {  	v0 =	vmul.f32 $2.500000000e-01, v0;
	_ =	sdelay $0x1  }
0x2ca: {  	s29 =	sor.u32 s23, s28;
	[tilespmem:s11+$0x13100] =	vst v0  }
0x2cb: {  	s30 =	sor.u32 s23, s26;
	v0 =	vld [tilespmem:s29+$0x0]  }
0x2cc: {  	v49 =	vld [tilespmem:s30+$0x0]  }
0x2cd: {  	s19 =	sor.u32 s23, s25  }
0x2ce: {  	v50 =	vld [tilespmem:s19+$0x0]  }
0x2cf: {  	s25 =	sor.u32 s23, s17  }
0x2d0: {  	v51 =	vld [tilespmem:s25+$0x0]  }
0x2d1: {  	v0 =	vadd.f32 v49, v0;
	_ =	sdelay $0x1  }
0x2d2: {  	v0 =	vadd.f32 v50, v0;
	_ =	sdelay $0x1  }
0x2d3: {  	v0 =	vadd.f32 v51, v0;
	_ =	sdelay $0x1  }
0x2d4: {  	v0 =	vmul.f32 $2.500000000e-01, v0;
	_ =	sdelay $0x1  }
0x2d5: {  	s26 =	sor.u32 s23, s18;
	[tilespmem:s11+$0x13180] =	vst v0  }
0x2d6: {  	s28 =	sor.u32 s23, s16;
	v0 =	vld [tilespmem:s26+$0x0]  }
0x2d7: {  	v52 =	vld [tilespmem:s28+$0x0]  }
0x2d8: {  	s29 =	sor.u32 s23, s15  }
0x2d9: {  	v53 =	vld [tilespmem:s29+$0x0]  }
0x2da: {  	s30 =	sor.u32 s23, s13  }
0x2db: {  	v54 =	vld [tilespmem:s30+$0x0]  }
0x2dc: {  	v0 =	vadd.f32 v52, v0;
	_ =	sdelay $0x1  }
0x2dd: {  	v0 =	vadd.f32 v53, v0;
	_ =	sdelay $0x1  }
0x2de: {  	v0 =	vadd.f32 v54, v0;
	_ =	sdelay $0x1  }
0x2df: {  	v0 =	vmul.f32 $2.500000000e-01, v0;
	_ =	sdelay $0x1  }
0x2e0: {  	s13 =	sor.u32 s23, s14;
	[tilespmem:s11+$0x13200] =	vst v0  }
0x2e1: {  	s14 =	sor.u32 s23, s12;
	v0 =	vld [tilespmem:s13+$0x0]  }
0x2e2: {  	v55 =	vld [tilespmem:s14+$0x0]  }
0x2e3: {  	s15 =	sor.u32 s23, s10  }
0x2e4: {  	v56 =	vld [tilespmem:s15+$0x0]  }
0x2e5: {  	s16 =	sor.u32 s23, s9  }
0x2e6: {  	v57 =	vld [tilespmem:s16+$0x0]  }
0x2e7: {  	v0 =	vadd.f32 v55, v0;
	_ =	sdelay $0x1  }
0x2e8: {  	v0 =	vadd.f32 v56, v0;
	_ =	sdelay $0x1  }
0x2e9: {  	v0 =	vadd.f32 v57, v0;
	_ =	sdelay $0x1  }
0x2ea: {  	v0 =	vmul.f32 $2.500000000e-01, v0;
	_ =	sdelay $0x1  }
0x2eb: {  	s17 =	sor.u32 s23, s8;
	[tilespmem:s11+$0x13280] =	vst v0  }
0x2ec: {  	s18 =	sor.u32 s23, s7;
	v0 =	vld [tilespmem:s17+$0x0]  }
0x2ed: {  	v58 =	vld [tilespmem:s18+$0x0]  }
0x2ee: {  	s19 =	sor.u32 s23, s6  }
0x2ef: {  	v59 =	vld [tilespmem:s19+$0x0]  }
0x2f0: {  	s25 =	sor.u32 s23, s4  }
0x2f1: {  	v60 =	vld [tilespmem:s25+$0x0]  }
0x2f2: {  	v0 =	vadd.f32 v58, v0;
	_ =	sdelay $0x1  }
0x2f3: {  	v0 =	vadd.f32 v59, v0;
	_ =	sdelay $0x1  }
0x2f4: {  	v0 =	vadd.f32 v60, v0;
	_ =	sdelay $0x1  }
0x2f5: {  	v0 =	vmul.f32 $2.500000000e-01, v0;
	_ =	sdelay $0x1  }
0x2f6: {  	s26 =	sor.u32 s23, s5;
	[tilespmem:s24+$0x12000] =	vst v0  }
0x2f7: {  	s28 =	sor.u32 s23, s3;
	v0 =	vld [tilespmem:s26+$0x0]  }
0x2f8: {  	v61 =	vld [tilespmem:s28+$0x0]  }
0x2f9: {  	s29 =	sor.u32 s23, s2  }
0x2fa: {  	v62 =	vld [tilespmem:s29+$0x0]  }
0x2fb: {  	s30 =	sor.u32 s23, s1  }
0x2fc: {  	v63 =	vld [tilespmem:s30+$0x0]  }
0x2fd: {  	v0 =	vadd.f32 v61, v0;
	_ =	sdelay $0x1  }
0x2fe: {  	v0 =	vadd.f32 v62, v0  }
0x2ff: {  	p1 =	sne.s32 s21, $0x1E0  }
.Ltmp3:
0x300: {  	v0 =	vadd.f32 v63, v0;
	(pc) =	sbr.rel @p1 .LBB2_5-.Ltmp3, $3  }
0x301: {  	_ = 	snop  }
0x302: {  	v0 =	vmul.f32 $2.500000000e-01, v0;
	_ =	sdelay $0x1  }
0x303: {  	s31 =	sadd.s32 $0x1, s31;
	s21 =	sadd.s32 $0x20, s21;
	s20 =	sadd.s32 $0x100, s20;
	[tilespmem:s22+$0x12000] =	vst v0  }
.Ltmp4:
0x304: {  	s0 =	rddreg [dreg:$0xa];
	(pc) =	sbr.rel @!p0 .LBB2_8-.Ltmp4, $4  }
0x305: {  	s1 =	rddreg [dreg:$0xc]  }
0x306: {  	s30 =	rddreg [dreg:$0x3];
	s0 =	sor.u32 s0, s1  }
0x307: {  	s31 =	simm.s32 $0x0;
	s2 =	simm.s32 $0x12000;
	s0 =	sadd.s32 s30, s0  }
0x308: {  	[hbm4b:s0+s31] =	stream.linear.scatter [tilespmem:s2], [sflag:$0x4], $0x2000, $0x38;
	[tilespmem:$0x14000] =	vst v63  }
.Ltmp5:
0x309: {  	(pc) =	sbr.rel .LBB2_2-.Ltmp5, $4  }
0x30a: {  	_ = 	snop  }
0x30b: {  	s0 =	simm.s32 $0x10000  }
0x30c: {  	[dreg:$0xc] =	wrdreg s0  }
0x30d: {  	p0 =	por $0x0, $0x0;
	s0 =	rddreg [dreg:$0x8]  }
.LBB2_9:
0x30e: {  	_ =	sfence.sel $0x180000  }
0x30f: {  	[bflag:$0x0] =	sbarrier.arrive $0xFFFF  }
0x310: {  	_ =	strace $0x90000047  }
0x311: {  	s0 =	stileid.u32;
	[bflag:$0x2] =	sbarrier.arrive $0xFFFF  }
0x312: {  	p0 =	sne.s32 s0, $0x0;
	s0 =	rddreg [dreg:$0x2]  }
0x313: {  	s0 =	sadd.s32 @!p0 $0x100000, s0  }
0x314: {  	[sflag:s0] =	ssyncadd.tile.s32 @!p0 $0x1;
	_ =	shalt  }
.Lfunc_end2:
_tile_overlayer_lowered:
.L_overlay_start_2:
0x315: {  	(tag) =	ssettag $0x2  }
0x316: {  	s0 =	rddreg [dreg:$0x0];
	s2 =	stileid.u32  }
0x317: {  	s1 =	rddreg [dreg:$0x1];
	p0 =	sne.s32 s2, $0x0  }
0x318: {  	s3 =	rddreg [dreg:$0x2];
	[bflag:$0x3] =	sbarrier.arrive $0xFFFF;
	s2 =	simm.s32 @!p0 $0x1C05  }
0x319: {  	[timem:s3], [sflag:s2] =	dma.local @!p0 [hbm:s0], s1  }
0x31a: {  	s0 =	simm.s32 @!p0 $0x5  }
0x31b: {  	_ =	swait.ge @!p0 [sflag:s0], s1  }
0x31c: {  	s1 =	ssub.s32 @!p0 $0x0, s1;
	[sflag:s0] =	ssyncset.done @!p0 $0x0  }
0x31d: {  	[sflag:s0] =	ssyncadd.s32 @!p0 s1  }
0x31e: {  	[bflag:$0x3] =	sbarrier.arrive $0xFFFF  }
0x31f: {  	_ =	shalt  }

</sc_bundles>
